<compile_context>
chip_gen: v7x
topology: tpu7x:2x2x1
jax: 0.10.2.dev20260603
libtpu: 0.0.44.dev20260713+nightly
codegen_flags: <defaults>
</compile_context>

<pallas_src>
import jax
import jax.numpy as jnp
from jax import lax
from jax.experimental import pallas as pl
from jax.experimental.pallas import tpu as pltpu
from jax.experimental.pallas import tpu_sc as plsc

_ND = 1958
_C = 64
_L = 16
_NSUB = 16
_NCORE = 2
_NV = _C // _L
_NFULL = _ND // _L
_TAILOFF = _ND - _L
_TAILSKIP = _L - (_ND - _NFULL * _L)
_ORG = 32
_OCW = 128


def _body(embt_hbm, w_hbm, b_hbm, outt_hbm,
          chunk, wmat, bvec, part, allp, outb, shared, dsem, dsem2, wsem):
    cid = lax.axis_index("c")
    sid = lax.axis_index("s")
    zero = jnp.zeros((_L,), jnp.float32)
    lane = lax.iota(jnp.int32, _L)

    cg = sid % 8
    wg = sid // 8
    half = 1024
    cbase = pl.multiple_of(wg * half, 128)
    cp1 = pltpu.async_copy(
        embt_hbm.at[pl.ds(cg * 8, 8), pl.ds(cbase, half // 2)],
        chunk.at[pl.ds(0, 8), pl.ds(0, half // 2)], dsem)
    cp2 = pltpu.async_copy(
        embt_hbm.at[pl.ds(cg * 8, 8), pl.ds(cbase + half // 2, half // 2)],
        chunk.at[pl.ds(0, 8), pl.ds(half // 2, half // 2)], dsem2)
    cpw = pltpu.async_copy(w_hbm, wmat, wsem)
    pltpu.sync_copy(b_hbm, bvec)

    def col_acc(v, acc):
        return tuple(acc[i] + chunk[i, pl.ds(v * _L, _L)] for i in range(8))

    cp1.wait()
    acc = lax.fori_loop(0, 32, col_acc, (zero,) * 8)
    cp2.wait()
    first = wg == 0
    nfull = jnp.where(first, 64, 58)
    acc = lax.fori_loop(32, nfull, col_acc, acc)
    tailmask = jnp.logical_and(lane >= _TAILSKIP, jnp.logical_not(first))
    acc = [acc[i] + jnp.where(tailmask,
                              chunk[i, pl.ds(_TAILOFF - half, _L)], zero)
           for i in range(8)]

    cpw.wait()
    vpart = [zero] * _NV
    for i in range(8):
        s = jnp.sum(acc[i])
        vpart = [vpart[c] + s * wmat[cg * 8 + i, pl.ds(c * _L, _L)]
                 for c in range(_NV)]
    for c in range(_NV):
        part[pl.ds(c * _L, _L)] = vpart[c]
    pltpu.sync_copy(part, shared.at[pl.ds(sid * _C, _C)])
    plsc.subcore_barrier()

    pltpu.sync_copy(shared, allp)
    inv = jnp.float32(1.0 / _ND)

    def vsum(r, s):
        return tuple(s[c] + allp[pl.ds(r * _C + c * _L, _L)]
                     for c in range(_NV))

    vs = lax.fori_loop(0, _NSUB, vsum, (zero,) * _NV)
    v = [vs[c] * inv + bvec[pl.ds(c * _L, _L)] for c in range(_NV)]

    wid = sid * _NCORE + cid
    rg = wid % 2
    cw = wid // 2
    for r in range(_ORG):
        vsel = jnp.where(rg == 0, v[r // _L], v[2 + r // _L])
        s = vsel[r % _L]
        row = jnp.where(lane >= 0, s, zero)
        for u in range(_OCW // _L):
            outb[r, pl.ds(u * _L, _L)] = row
    outt_hbm_blk = outt_hbm.at[pl.ds(rg * _ORG, _ORG), pl.ds(cw * _OCW, _OCW)]
    pltpu.sync_copy(outb, outt_hbm_blk)


@jax.jit
def _run(c_embeddings, W, b):
    mesh = plsc.VectorSubcoreMesh(core_axis_name="c", subcore_axis_name="s")
    f = pl.kernel(
        _body,
        out_type=jax.ShapeDtypeStruct((_C, _ND), jnp.float32),
        mesh=mesh,
        scratch_types=[
            pltpu.VMEM((8, 1024), jnp.float32),
            pltpu.VMEM((_C, _C), jnp.float32),
            pltpu.VMEM((_C,), jnp.float32),
            pltpu.VMEM((_C,), jnp.float32),
            pltpu.VMEM((_NSUB * _C,), jnp.float32),
            pltpu.VMEM((_ORG, _OCW), jnp.float32),
            pltpu.VMEM_SHARED((_NSUB * _C,), jnp.float32),
            pltpu.SemaphoreType.DMA,
            pltpu.SemaphoreType.DMA,
            pltpu.SemaphoreType.DMA,
        ],
        compiler_params=pltpu.CompilerParams(use_tc_tiling_on_sc=True,
                                             needs_layout_passes=False),
    )
    outt = f(c_embeddings.T, W, b)
    return outt.T


def kernel(c_it, medicine_it, c_embeddings, m_embeddings, W, b):
    return _run(c_embeddings, W, b)

# --- scband reference (transcript-rebuilt; emitter-appended) ---
"""Pipeline reference for scband-hypergraph-part-45243185496793 (READ-ONLY COPY).

The authoritative reference and input builder live on the scoring server;
editing this copy changes nothing except your own understanding.
"""

import jax, jax.numpy as jnp
import numpy as np

ND = 1958
NM = 145
IN_CH = 64
OUT_CH = 64


def setup_inputs(seed: int = 0) -> dict:
    key = jax.random.key(seed)
    k1, k2, k3, k4 = jax.random.split(key, 4)
    c_it = jnp.ones((ND,), dtype=jnp.float32)
    medicine_it = jnp.ones((NM,), dtype=jnp.float32)
    c_embeddings = jax.random.normal(k1, (ND, IN_CH), dtype=jnp.float32)
    m_embeddings = jax.random.normal(k2, (NM, IN_CH), dtype=jnp.float32)
    # HypergraphConv params: lin (bias=False) weight [in, out] and output bias [out]
    W = jax.random.normal(k3, (IN_CH, OUT_CH), dtype=jnp.float32) / np.sqrt(IN_CH)
    b = jax.random.normal(k4, (OUT_CH,), dtype=jnp.float32) * 0.01
    return {"c_it": c_it, "medicine_it": medicine_it,
            "c_embeddings": c_embeddings, "m_embeddings": m_embeddings,
            "W": W, "b": b}


def _hypergraph_conv(x, node_idx, edge_idx, W, b, num_nodes, num_edges):
    # PyG HypergraphConv (heads=1, use_attention=False):
    #   X' = D^{-1} H W_e B^{-1} H^T X Theta + bias
    x = x @ W
    hyperedge_weight = jnp.ones((num_edges,), dtype=x.dtype)
    D = jax.ops.segment_sum(hyperedge_weight[edge_idx], node_idx, num_segments=num_nodes)
    D = jnp.where(D > 0, 1.0 / D, 0.0)
    B = jax.ops.segment_sum(jnp.ones(edge_idx.shape, dtype=x.dtype), edge_idx, num_segments=num_edges)
    B = jnp.where(B > 0, 1.0 / B, 0.0)
    # node -> hyperedge aggregation (gather + scatter-add)
    m = B[edge_idx][:, None] * x[node_idx]
    edge_feat = jax.ops.segment_sum(m, edge_idx, num_segments=num_edges)
    # hyperedge -> node aggregation (gather + scatter-add)
    m2 = D[node_idx][:, None] * edge_feat[edge_idx]
    out = jax.ops.segment_sum(m2, node_idx, num_segments=num_nodes)
    return out + b


def reference(c_it, medicine_it, c_embeddings, m_embeddings, W, b):
    # torch: disease_index = nonzero(c_it); c_it is an all-ones indicator here,
    # so the selected set is every disease row (static shape under jit).
    nd = c_it.shape[0]
    disease_index = jnp.nonzero(c_it, size=nd)[0]
    dia_embedding = jnp.take(c_embeddings, disease_index, axis=0)
    # diagnosis hypergraph: one hyperedge (id 0) containing all selected diseases
    node_idx = jnp.arange(nd, dtype=jnp.int32)
    edge_idx = jnp.zeros((nd,), dtype=jnp.int32)
    dia_node_feature = _hypergraph_conv(dia_embedding, node_idx, edge_idx, W, b, nd, 1)
    # NOTE: the torch forward also runs conv on medicines and conv_gat on the
    # combined dia-med hypergraph, but those results do not feed into the
    # returned tensor (dia_node_feature), so they are dead code w.r.t. output.
    return dia_node_feature

if __name__ == "__main__":
    import jax
    _d = setup_inputs()
    print(jax.jit(kernel)(*tuple(_d.values())))

</pallas_src>

<mosaic_0001>
#map = affine_map<(d0, d1) -> (0, 0)>
#map1 = affine_map<(d0, d1) -> (0)>
module attributes {stable_mosaic.version = 14 : i64} {
  func.func @_body(%arg0: i32, %arg1: i32, %arg2: memref<64x1958xf32, #tpu.memory_space<hbm>>, %arg3: memref<64x64xf32, #tpu.memory_space<hbm>>, %arg4: memref<64xf32, #tpu.memory_space<hbm>>, %arg5: memref<64x1958xf32, #tpu.memory_space<hbm>>, %arg6: memref<8x1024xf32, #tpu.memory_space<vmem>>, %arg7: memref<64x64xf32, #tpu.memory_space<vmem>>, %arg8: memref<64xf32, #tpu.memory_space<vmem>>, %arg9: memref<64xf32, #tpu.memory_space<vmem>>, %arg10: memref<1024xf32, #tpu.memory_space<vmem>>, %arg11: memref<32x128xf32, #tpu.memory_space<vmem>>, %arg12: memref<1024xf32, #tpu.memory_space<vmem_shared>>, %arg13: memref<!tpu.dma_semaphore, #tpu.memory_space<semaphore_mem>>, %arg14: memref<!tpu.dma_semaphore, #tpu.memory_space<semaphore_mem>>, %arg15: memref<!tpu.dma_semaphore, #tpu.memory_space<semaphore_mem>>) attributes {dimension_semantics = [#tpu.dimension_semantics<core_parallel>, #tpu.dimension_semantics<subcore_parallel>], iteration_bounds = array<i64: 2, 16>, scalar_prefetch = 0 : i64, scratch_operands = 10 : i64, tpu.core_type = #tpu.core_type<sc_vector_subcore>, window_params = [{transform_indices = #map}, {transform_indices = #map}, {transform_indices = #map1}, {transform_indices = #map}]} {
    %broadcast_in_dim3A = arith.constant 0.000000e+00 : f32
    %broadcast_in_dim3A_0 = vector.broadcast %broadcast_in_dim3A : f32 to vector<16xf32>
    %iota3A = tpu.iota {dimensions = array<i32: 0>} : vector<16xi32>
    %jit3A = arith.constant 8 : i32
    %eq3A = arith.constant 0 : i32
    %eq3A_1 = arith.cmpi eq, %jit3A, %eq3A : i32
    %jit3A_2 = arith.constant 1 : i32
    %select_n3A = arith.select %eq3A_1, %jit3A_2, %jit3A : i32
    %rem3A = arith.remsi %arg1, %select_n3A : i32
    %ne3A = arith.constant 0 : i32
    %ne3A_3 = arith.cmpi ne, %rem3A, %ne3A : i32
    %lt3A = arith.constant 0 : i32
    %lt3A_4 = arith.cmpi slt, %rem3A, %lt3A : i32
    %lt3A_5 = arith.constant 0 : i32
    %lt3A_6 = arith.cmpi slt, %select_n3A, %lt3A_5 : i32
    %ne3A_7 = arith.xori %lt3A_4, %lt3A_6 : i1
    %and3A = arith.andi %ne3A_7, %ne3A_3 : i1
    %add3A = arith.addi %rem3A, %select_n3A : i32
    %select_n3A_8 = arith.select %and3A, %add3A, %rem3A : i32
    %jit3A_9 = arith.constant 8 : i32
    %div3A = arith.divsi %arg1, %jit3A_9 : i32
    %sign3A = arith.constant 0 : i32
    %sign3A_10 = arith.cmpi sgt, %arg1, %sign3A : i32
    %sign3A_11 = arith.extui %sign3A_10 : i1 to i32
    %sign3A_12 = arith.constant 0 : i32
    %sign3A_13 = arith.cmpi slt, %arg1, %sign3A_12 : i32
    %sign3A_14 = arith.extui %sign3A_13 : i1 to i32
    %sign3A_15 = arith.subi %sign3A_11, %sign3A_14 : i32
    %sign3A_16 = arith.constant 0 : i32
    %sign3A_17 = arith.cmpi sgt, %jit3A_9, %sign3A_16 : i32
    %sign3A_18 = arith.extui %sign3A_17 : i1 to i32
    %sign3A_19 = arith.constant 0 : i32
    %sign3A_20 = arith.cmpi slt, %jit3A_9, %sign3A_19 : i32
    %sign3A_21 = arith.extui %sign3A_20 : i1 to i32
    %sign3A_22 = arith.subi %sign3A_18, %sign3A_21 : i32
    %ne3A_23 = arith.cmpi ne, %sign3A_15, %sign3A_22 : i32
    %rem3A_24 = arith.remsi %arg1, %jit3A_9 : i32
    %ne3A_25 = arith.constant 0 : i32
    %ne3A_26 = arith.cmpi ne, %rem3A_24, %ne3A_25 : i32
    %and3A_27 = arith.andi %ne3A_23, %ne3A_26 : i1
    %sub3A = arith.constant 1 : i32
    %sub3A_28 = arith.subi %div3A, %sub3A : i32
    %select_n3A_29 = arith.select %and3A_27, %sub3A_28, %div3A : i32
    %mul3A = arith.constant 1024 : i32
    %mul3A_30 = arith.muli %select_n3A_29, %mul3A : i32
    %multiple_of3A = tpu.assume_multiple %mul3A_30, 128 : i32
    %mul3A_31 = arith.constant 8 : i32
    %mul3A_32 = arith.muli %select_n3A_8, %mul3A_31 : i32
    %dma_start3A = arith.constant 0 : i32
    %dma_start3A_33 = arith.constant 0 : i32
    %dma_start3A_34 = tpu.memref_slice %arg6[%dma_start3A, %dma_start3A_33] : memref<8x1024xf32, #tpu.memory_space<vmem>> -> memref<8x512xf32, #tpu.memory_space<vmem>>
    %dma_start3A_35 = tpu.memref_slice %arg2[%mul3A_32, %multiple_of3A] : memref<64x1958xf32, #tpu.memory_space<hbm>> -> memref<8x512xf32, #tpu.memory_space<hbm>>
    %dma_start3A_36 = arith.constant 0 : i32
    %dma_start3A_37 = arith.constant 0 : i32
    %dma_start3A_38 = tpu.memref_slice %arg6[%dma_start3A_36, %dma_start3A_37] : memref<8x1024xf32, #tpu.memory_space<vmem>> -> memref<8x512xf32, #tpu.memory_space<vmem>>
    %dma_start3A_39 = tpu.memref_slice %arg2[%mul3A_32, %multiple_of3A] : memref<64x1958xf32, #tpu.memory_space<hbm>> -> memref<8x512xf32, #tpu.memory_space<hbm>>
    tpu.enqueue_dma source(%dma_start3A_39 : memref<8x512xf32, #tpu.memory_space<hbm>>) target(%dma_start3A_38 : memref<8x512xf32, #tpu.memory_space<vmem>>) target_semaphore(%arg13 : memref<!tpu.dma_semaphore, #tpu.memory_space<semaphore_mem>>)
    %mul3A_40 = arith.constant 8 : i32
    %mul3A_41 = arith.muli %select_n3A_8, %mul3A_40 : i32
    %add3A_42 = arith.constant 512 : i32
    %add3A_43 = arith.addi %multiple_of3A, %add3A_42 : i32
    %dma_start3A_44 = arith.constant 0 : i32
    %dma_start3A_45 = arith.constant 512 : i32
    %dma_start3A_46 = tpu.memref_slice %arg6[%dma_start3A_44, %dma_start3A_45] : memref<8x1024xf32, #tpu.memory_space<vmem>> -> memref<8x512xf32, #tpu.memory_space<vmem>>
    %dma_start3A_47 = tpu.memref_slice %arg2[%mul3A_41, %add3A_43] : memref<64x1958xf32, #tpu.memory_space<hbm>> -> memref<8x512xf32, #tpu.memory_space<hbm>>
    %dma_start3A_48 = arith.constant 0 : i32
    %dma_start3A_49 = arith.constant 512 : i32
    %dma_start3A_50 = tpu.memref_slice %arg6[%dma_start3A_48, %dma_start3A_49] : memref<8x1024xf32, #tpu.memory_space<vmem>> -> memref<8x512xf32, #tpu.memory_space<vmem>>
    %dma_start3A_51 = tpu.memref_slice %arg2[%mul3A_41, %add3A_43] : memref<64x1958xf32, #tpu.memory_space<hbm>> -> memref<8x512xf32, #tpu.memory_space<hbm>>
    tpu.enqueue_dma source(%dma_start3A_51 : memref<8x512xf32, #tpu.memory_space<hbm>>) target(%dma_start3A_50 : memref<8x512xf32, #tpu.memory_space<vmem>>) target_semaphore(%arg14 : memref<!tpu.dma_semaphore, #tpu.memory_space<semaphore_mem>>)
    tpu.enqueue_dma source(%arg3 : memref<64x64xf32, #tpu.memory_space<hbm>>) target(%arg7 : memref<64x64xf32, #tpu.memory_space<vmem>>) target_semaphore(%arg15 : memref<!tpu.dma_semaphore, #tpu.memory_space<semaphore_mem>>)
    "tpu.region"() ({
      %run_scoped3A = tpu.sem_alloc : memref<!tpu.dma_semaphore, #tpu.memory_space<semaphore_mem>>
      tpu.enqueue_dma source(%arg4 : memref<64xf32, #tpu.memory_space<hbm>>) target(%arg8 : memref<64xf32, #tpu.memory_space<vmem>>) target_semaphore(%run_scoped3A : memref<!tpu.dma_semaphore, #tpu.memory_space<semaphore_mem>>)
      tpu.wait_dma2 semaphore(%run_scoped3A : memref<!tpu.dma_semaphore, #tpu.memory_space<semaphore_mem>>) src(%arg4 : memref<64xf32, #tpu.memory_space<hbm>>) dst(%arg8 : memref<64xf32, #tpu.memory_space<vmem>>)
      tpu.yield
    }) : () -> ()
    %dma_wait3A = arith.constant 0 : i32
    %dma_wait3A_52 = arith.constant 0 : i32
    %dma_wait3A_53 = tpu.memref_slice %arg6[%dma_wait3A, %dma_wait3A_52] : memref<8x1024xf32, #tpu.memory_space<vmem>> -> memref<8x512xf32, #tpu.memory_space<vmem>>
    %dma_wait3A_54 = tpu.memref_slice %arg2[%mul3A_32, %multiple_of3A] : memref<64x1958xf32, #tpu.memory_space<hbm>> -> memref<8x512xf32, #tpu.memory_space<hbm>>
    %dma_wait3A_55 = arith.constant 0 : i32
    %dma_wait3A_56 = arith.constant 0 : i32
    %dma_wait3A_57 = tpu.memref_slice %arg6[%dma_wait3A_55, %dma_wait3A_56] : memref<8x1024xf32, #tpu.memory_space<vmem>> -> memref<8x512xf32, #tpu.memory_space<vmem>>
    %dma_wait3A_58 = tpu.memref_slice %arg2[%mul3A_32, %multiple_of3A] : memref<64x1958xf32, #tpu.memory_space<hbm>> -> memref<8x512xf32, #tpu.memory_space<hbm>>
    tpu.wait_dma2 semaphore(%arg13 : memref<!tpu.dma_semaphore, #tpu.memory_space<semaphore_mem>>) src(%dma_wait3A_58 : memref<8x512xf32, #tpu.memory_space<hbm>>) dst(%dma_wait3A_57 : memref<8x512xf32, #tpu.memory_space<vmem>>)
    %scan3A = arith.constant 0 : i32
    %scan3A_59 = arith.constant 32 : i32
    %scan3A_60 = arith.addi %scan3A, %scan3A_59 : i32
    %scan3A_61 = arith.constant 1 : i32
    %scan3A_62:8 = scf.for %scan3A_1918 = %scan3A to %scan3A_60 step %scan3A_61 iter_args(%scan3A_1919 = %broadcast_in_dim3A_0, %scan3A_1920 = %broadcast_in_dim3A_0, %scan3A_1921 = %broadcast_in_dim3A_0, %scan3A_1922 = %broadcast_in_dim3A_0, %scan3A_1923 = %broadcast_in_dim3A_0, %scan3A_1924 = %broadcast_in_dim3A_0, %scan3A_1925 = %broadcast_in_dim3A_0, %scan3A_1926 = %broadcast_in_dim3A_0) -> (vector<16xf32>, vector<16xf32>, vector<16xf32>, vector<16xf32>, vector<16xf32>, vector<16xf32>, vector<16xf32>, vector<16xf32>)  : i32 {
      %mul3A_1927 = arith.constant 16 : i32
      %mul3A_1928 = arith.muli %scan3A_1918, %mul3A_1927 : i32
      %get3A_1929 = arith.constant 0 : i32
      %get3A_1930 = arith.index_cast %get3A_1929 : i32 to index
      %get3A_1931 = arith.index_cast %mul3A_1928 : i32 to index
      %get3A_1932 = tpu.vector_load %arg6[%get3A_1930, %get3A_1931] {strides = array<i32>} : memref<8x1024xf32, #tpu.memory_space<vmem>>, vector<16xf32>,
      %add3A_1933 = arith.addf %scan3A_1919, %get3A_1932 : vector<16xf32>
      %mul3A_1934 = arith.constant 16 : i32
      %mul3A_1935 = arith.muli %scan3A_1918, %mul3A_1934 : i32
      %get3A_1936 = arith.constant 1 : i32
      %get3A_1937 = arith.index_cast %get3A_1936 : i32 to index
      %get3A_1938 = arith.index_cast %mul3A_1935 : i32 to index
      %get3A_1939 = tpu.vector_load %arg6[%get3A_1937, %get3A_1938] {strides = array<i32>} : memref<8x1024xf32, #tpu.memory_space<vmem>>, vector<16xf32>,
      %add3A_1940 = arith.addf %scan3A_1920, %get3A_1939 : vector<16xf32>
      %mul3A_1941 = arith.constant 16 : i32
      %mul3A_1942 = arith.muli %scan3A_1918, %mul3A_1941 : i32
      %get3A_1943 = arith.constant 2 : i32
      %get3A_1944 = arith.index_cast %get3A_1943 : i32 to index
      %get3A_1945 = arith.index_cast %mul3A_1942 : i32 to index
      %get3A_1946 = tpu.vector_load %arg6[%get3A_1944, %get3A_1945] {strides = array<i32>} : memref<8x1024xf32, #tpu.memory_space<vmem>>, vector<16xf32>,
      %add3A_1947 = arith.addf %scan3A_1921, %get3A_1946 : vector<16xf32>
      %mul3A_1948 = arith.constant 16 : i32
      %mul3A_1949 = arith.muli %scan3A_1918, %mul3A_1948 : i32
      %get3A_1950 = arith.constant 3 : i32
      %get3A_1951 = arith.index_cast %get3A_1950 : i32 to index
      %get3A_1952 = arith.index_cast %mul3A_1949 : i32 to index
      %get3A_1953 = tpu.vector_load %arg6[%get3A_1951, %get3A_1952] {strides = array<i32>} : memref<8x1024xf32, #tpu.memory_space<vmem>>, vector<16xf32>,
      %add3A_1954 = arith.addf %scan3A_1922, %get3A_1953 : vector<16xf32>
      %mul3A_1955 = arith.constant 16 : i32
      %mul3A_1956 = arith.muli %scan3A_1918, %mul3A_1955 : i32
      %get3A_1957 = arith.constant 4 : i32
      %get3A_1958 = arith.index_cast %get3A_1957 : i32 to index
      %get3A_1959 = arith.index_cast %mul3A_1956 : i32 to index
      %get3A_1960 = tpu.vector_load %arg6[%get3A_1958, %get3A_1959] {strides = array<i32>} : memref<8x1024xf32, #tpu.memory_space<vmem>>, vector<16xf32>,
      %add3A_1961 = arith.addf %scan3A_1923, %get3A_1960 : vector<16xf32>
      %mul3A_1962 = arith.constant 16 : i32
      %mul3A_1963 = arith.muli %scan3A_1918, %mul3A_1962 : i32
      %get3A_1964 = arith.constant 5 : i32
      %get3A_1965 = arith.index_cast %get3A_1964 : i32 to index
      %get3A_1966 = arith.index_cast %mul3A_1963 : i32 to index
      %get3A_1967 = tpu.vector_load %arg6[%get3A_1965, %get3A_1966] {strides = array<i32>} : memref<8x1024xf32, #tpu.memory_space<vmem>>, vector<16xf32>,
      %add3A_1968 = arith.addf %scan3A_1924, %get3A_1967 : vector<16xf32>
      %mul3A_1969 = arith.constant 16 : i32
      %mul3A_1970 = arith.muli %scan3A_1918, %mul3A_1969 : i32
      %get3A_1971 = arith.constant 6 : i32
      %get3A_1972 = arith.index_cast %get3A_1971 : i32 to index
      %get3A_1973 = arith.index_cast %mul3A_1970 : i32 to index
      %get3A_1974 = tpu.vector_load %arg6[%get3A_1972, %get3A_1973] {strides = array<i32>} : memref<8x1024xf32, #tpu.memory_space<vmem>>, vector<16xf32>,
      %add3A_1975 = arith.addf %scan3A_1925, %get3A_1974 : vector<16xf32>
      %mul3A_1976 = arith.constant 16 : i32
      %mul3A_1977 = arith.muli %scan3A_1918, %mul3A_1976 : i32
      %get3A_1978 = arith.constant 7 : i32
      %get3A_1979 = arith.index_cast %get3A_1978 : i32 to index
      %get3A_1980 = arith.index_cast %mul3A_1977 : i32 to index
      %get3A_1981 = tpu.vector_load %arg6[%get3A_1979, %get3A_1980] {strides = array<i32>} : memref<8x1024xf32, #tpu.memory_space<vmem>>, vector<16xf32>,
      %add3A_1982 = arith.addf %scan3A_1926, %get3A_1981 : vector<16xf32>
      scf.yield %add3A_1933, %add3A_1940, %add3A_1947, %add3A_1954, %add3A_1961, %add3A_1968, %add3A_1975, %add3A_1982 : vector<16xf32>, vector<16xf32>, vector<16xf32>, vector<16xf32>, vector<16xf32>, vector<16xf32>, vector<16xf32>, vector<16xf32>
    }
    %scan3A_63 = arith.constant 32 : i32
    %dma_wait3A_64 = arith.constant 0 : i32
    %dma_wait3A_65 = arith.constant 512 : i32
    %dma_wait3A_66 = tpu.memref_slice %arg6[%dma_wait3A_64, %dma_wait3A_65] : memref<8x1024xf32, #tpu.memory_space<vmem>> -> memref<8x512xf32, #tpu.memory_space<vmem>>
    %dma_wait3A_67 = tpu.memref_slice %arg2[%mul3A_41, %add3A_43] : memref<64x1958xf32, #tpu.memory_space<hbm>> -> memref<8x512xf32, #tpu.memory_space<hbm>>
    %dma_wait3A_68 = arith.constant 0 : i32
    %dma_wait3A_69 = arith.constant 512 : i32
    %dma_wait3A_70 = tpu.memref_slice %arg6[%dma_wait3A_68, %dma_wait3A_69] : memref<8x1024xf32, #tpu.memory_space<vmem>> -> memref<8x512xf32, #tpu.memory_space<vmem>>
    %dma_wait3A_71 = tpu.memref_slice %arg2[%mul3A_41, %add3A_43] : memref<64x1958xf32, #tpu.memory_space<hbm>> -> memref<8x512xf32, #tpu.memory_space<hbm>>
    tpu.wait_dma2 semaphore(%arg14 : memref<!tpu.dma_semaphore, #tpu.memory_space<semaphore_mem>>) src(%dma_wait3A_71 : memref<8x512xf32, #tpu.memory_space<hbm>>) dst(%dma_wait3A_70 : memref<8x512xf32, #tpu.memory_space<vmem>>)
    %eq3A_72 = arith.constant 0 : i32
    %eq3A_73 = arith.cmpi eq, %select_n3A_29, %eq3A_72 : i32
    %jit3A_74 = arith.constant 64 : i32
    %jit3A_75 = arith.constant 58 : i32
    %select_n3A_76 = arith.select %eq3A_73, %jit3A_74, %jit3A_75 : i32
    %while3A = arith.constant 32 : i32
    %while3A_77 = arith.subi %select_n3A_76, %while3A : i32
    %while3A_78 = arith.addi %while3A, %while3A_77 : i32
    %while3A_79 = arith.constant 1 : i32
    %while3A_80 = arith.divsi %while3A_77, %while3A_79 : i32
    %while3A_81 = arith.muli %while3A_80, %while3A_79 : i32
    %while3A_82 = arith.addi %while3A, %while3A_81 : i32
    %while3A_83 = arith.constant 1 : i32
    %while3A_84:8 = scf.for %while3A_1918 = %while3A to %while3A_82 step %while3A_83 iter_args(%while3A_1919 = %scan3A_62#0, %while3A_1920 = %scan3A_62#1, %while3A_1921 = %scan3A_62#2, %while3A_1922 = %scan3A_62#3, %while3A_1923 = %scan3A_62#4, %while3A_1924 = %scan3A_62#5, %while3A_1925 = %scan3A_62#6, %while3A_1926 = %scan3A_62#7) -> (vector<16xf32>, vector<16xf32>, vector<16xf32>, vector<16xf32>, vector<16xf32>, vector<16xf32>, vector<16xf32>, vector<16xf32>)  : i32 {
      %mul3A_1927 = arith.constant 16 : i32
      %mul3A_1928 = arith.muli %while3A_1918, %mul3A_1927 : i32
      %get3A_1929 = arith.constant 0 : i32
      %get3A_1930 = arith.index_cast %get3A_1929 : i32 to index
      %get3A_1931 = arith.index_cast %mul3A_1928 : i32 to index
      %get3A_1932 = tpu.vector_load %arg6[%get3A_1930, %get3A_1931] {strides = array<i32>} : memref<8x1024xf32, #tpu.memory_space<vmem>>, vector<16xf32>,
      %add3A_1933 = arith.addf %while3A_1919, %get3A_1932 : vector<16xf32>
      %mul3A_1934 = arith.constant 16 : i32
      %mul3A_1935 = arith.muli %while3A_1918, %mul3A_1934 : i32
      %get3A_1936 = arith.constant 1 : i32
      %get3A_1937 = arith.index_cast %get3A_1936 : i32 to index
      %get3A_1938 = arith.index_cast %mul3A_1935 : i32 to index
      %get3A_1939 = tpu.vector_load %arg6[%get3A_1937, %get3A_1938] {strides = array<i32>} : memref<8x1024xf32, #tpu.memory_space<vmem>>, vector<16xf32>,
      %add3A_1940 = arith.addf %while3A_1920, %get3A_1939 : vector<16xf32>
      %mul3A_1941 = arith.constant 16 : i32
      %mul3A_1942 = arith.muli %while3A_1918, %mul3A_1941 : i32
      %get3A_1943 = arith.constant 2 : i32
      %get3A_1944 = arith.index_cast %get3A_1943 : i32 to index
      %get3A_1945 = arith.index_cast %mul3A_1942 : i32 to index
      %get3A_1946 = tpu.vector_load %arg6[%get3A_1944, %get3A_1945] {strides = array<i32>} : memref<8x1024xf32, #tpu.memory_space<vmem>>, vector<16xf32>,
      %add3A_1947 = arith.addf %while3A_1921, %get3A_1946 : vector<16xf32>
      %mul3A_1948 = arith.constant 16 : i32
      %mul3A_1949 = arith.muli %while3A_1918, %mul3A_1948 : i32
      %get3A_1950 = arith.constant 3 : i32
      %get3A_1951 = arith.index_cast %get3A_1950 : i32 to index
      %get3A_1952 = arith.index_cast %mul3A_1949 : i32 to index
      %get3A_1953 = tpu.vector_load %arg6[%get3A_1951, %get3A_1952] {strides = array<i32>} : memref<8x1024xf32, #tpu.memory_space<vmem>>, vector<16xf32>,
      %add3A_1954 = arith.addf %while3A_1922, %get3A_1953 : vector<16xf32>
      %mul3A_1955 = arith.constant 16 : i32
      %mul3A_1956 = arith.muli %while3A_1918, %mul3A_1955 : i32
      %get3A_1957 = arith.constant 4 : i32
      %get3A_1958 = arith.index_cast %get3A_1957 : i32 to index
      %get3A_1959 = arith.index_cast %mul3A_1956 : i32 to index
      %get3A_1960 = tpu.vector_load %arg6[%get3A_1958, %get3A_1959] {strides = array<i32>} : memref<8x1024xf32, #tpu.memory_space<vmem>>, vector<16xf32>,
      %add3A_1961 = arith.addf %while3A_1923, %get3A_1960 : vector<16xf32>
      %mul3A_1962 = arith.constant 16 : i32
      %mul3A_1963 = arith.muli %while3A_1918, %mul3A_1962 : i32
      %get3A_1964 = arith.constant 5 : i32
      %get3A_1965 = arith.index_cast %get3A_1964 : i32 to index
      %get3A_1966 = arith.index_cast %mul3A_1963 : i32 to index
      %get3A_1967 = tpu.vector_load %arg6[%get3A_1965, %get3A_1966] {strides = array<i32>} : memref<8x1024xf32, #tpu.memory_space<vmem>>, vector<16xf32>,
      %add3A_1968 = arith.addf %while3A_1924, %get3A_1967 : vector<16xf32>
      %mul3A_1969 = arith.constant 16 : i32
      %mul3A_1970 = arith.muli %while3A_1918, %mul3A_1969 : i32
      %get3A_1971 = arith.constant 6 : i32
      %get3A_1972 = arith.index_cast %get3A_1971 : i32 to index
      %get3A_1973 = arith.index_cast %mul3A_1970 : i32 to index
      %get3A_1974 = tpu.vector_load %arg6[%get3A_1972, %get3A_1973] {strides = array<i32>} : memref<8x1024xf32, #tpu.memory_space<vmem>>, vector<16xf32>,
      %add3A_1975 = arith.addf %while3A_1925, %get3A_1974 : vector<16xf32>
      %mul3A_1976 = arith.constant 16 : i32
      %mul3A_1977 = arith.muli %while3A_1918, %mul3A_1976 : i32
      %get3A_1978 = arith.constant 7 : i32
      %get3A_1979 = arith.index_cast %get3A_1978 : i32 to index
      %get3A_1980 = arith.index_cast %mul3A_1977 : i32 to index
      %get3A_1981 = tpu.vector_load %arg6[%get3A_1979, %get3A_1980] {strides = array<i32>} : memref<8x1024xf32, #tpu.memory_space<vmem>>, vector<16xf32>,
      %add3A_1982 = arith.addf %while3A_1926, %get3A_1981 : vector<16xf32>
      scf.yield %add3A_1933, %add3A_1940, %add3A_1947, %add3A_1954, %add3A_1961, %add3A_1968, %add3A_1975, %add3A_1982 : vector<16xf32>, vector<16xf32>, vector<16xf32>, vector<16xf32>, vector<16xf32>, vector<16xf32>, vector<16xf32>, vector<16xf32>
    }
    %while3A_85 = arith.constant 1 : i32
    %while3A_86:8 = scf.for %while3A_1918 = %while3A_82 to %while3A_78 step %while3A_85 iter_args(%while3A_1919 = %while3A_84#0, %while3A_1920 = %while3A_84#1, %while3A_1921 = %while3A_84#2, %while3A_1922 = %while3A_84#3, %while3A_1923 = %while3A_84#4, %while3A_1924 = %while3A_84#5, %while3A_1925 = %while3A_84#6, %while3A_1926 = %while3A_84#7) -> (vector<16xf32>, vector<16xf32>, vector<16xf32>, vector<16xf32>, vector<16xf32>, vector<16xf32>, vector<16xf32>, vector<16xf32>)  : i32 {
      %mul3A_1927 = arith.constant 16 : i32
      %mul3A_1928 = arith.muli %while3A_1918, %mul3A_1927 : i32
      %get3A_1929 = arith.constant 0 : i32
      %get3A_1930 = arith.index_cast %get3A_1929 : i32 to index
      %get3A_1931 = arith.index_cast %mul3A_1928 : i32 to index
      %get3A_1932 = tpu.vector_load %arg6[%get3A_1930, %get3A_1931] {strides = array<i32>} : memref<8x1024xf32, #tpu.memory_space<vmem>>, vector<16xf32>,
      %add3A_1933 = arith.addf %while3A_1919, %get3A_1932 : vector<16xf32>
      %mul3A_1934 = arith.constant 16 : i32
      %mul3A_1935 = arith.muli %while3A_1918, %mul3A_1934 : i32
      %get3A_1936 = arith.constant 1 : i32
      %get3A_1937 = arith.index_cast %get3A_1936 : i32 to index
      %get3A_1938 = arith.index_cast %mul3A_1935 : i32 to index
      %get3A_1939 = tpu.vector_load %arg6[%get3A_1937, %get3A_1938] {strides = array<i32>} : memref<8x1024xf32, #tpu.memory_space<vmem>>, vector<16xf32>,
      %add3A_1940 = arith.addf %while3A_1920, %get3A_1939 : vector<16xf32>
      %mul3A_1941 = arith.constant 16 : i32
      %mul3A_1942 = arith.muli %while3A_1918, %mul3A_1941 : i32
      %get3A_1943 = arith.constant 2 : i32
      %get3A_1944 = arith.index_cast %get3A_1943 : i32 to index
      %get3A_1945 = arith.index_cast %mul3A_1942 : i32 to index
      %get3A_1946 = tpu.vector_load %arg6[%get3A_1944, %get3A_1945] {strides = array<i32>} : memref<8x1024xf32, #tpu.memory_space<vmem>>, vector<16xf32>,
      %add3A_1947 = arith.addf %while3A_1921, %get3A_1946 : vector<16xf32>
      %mul3A_1948 = arith.constant 16 : i32
      %mul3A_1949 = arith.muli %while3A_1918, %mul3A_1948 : i32
      %get3A_1950 = arith.constant 3 : i32
      %get3A_1951 = arith.index_cast %get3A_1950 : i32 to index
      %get3A_1952 = arith.index_cast %mul3A_1949 : i32 to index
      %get3A_1953 = tpu.vector_load %arg6[%get3A_1951, %get3A_1952] {strides = array<i32>} : memref<8x1024xf32, #tpu.memory_space<vmem>>, vector<16xf32>,
      %add3A_1954 = arith.addf %while3A_1922, %get3A_1953 : vector<16xf32>
      %mul3A_1955 = arith.constant 16 : i32
      %mul3A_1956 = arith.muli %while3A_1918, %mul3A_1955 : i32
      %get3A_1957 = arith.constant 4 : i32
      %get3A_1958 = arith.index_cast %get3A_1957 : i32 to index
      %get3A_1959 = arith.index_cast %mul3A_1956 : i32 to index
      %get3A_1960 = tpu.vector_load %arg6[%get3A_1958, %get3A_1959] {strides = array<i32>} : memref<8x1024xf32, #tpu.memory_space<vmem>>, vector<16xf32>,
      %add3A_1961 = arith.addf %while3A_1923, %get3A_1960 : vector<16xf32>
      %mul3A_1962 = arith.constant 16 : i32
      %mul3A_1963 = arith.muli %while3A_1918, %mul3A_1962 : i32
      %get3A_1964 = arith.constant 5 : i32
      %get3A_1965 = arith.index_cast %get3A_1964 : i32 to index
      %get3A_1966 = arith.index_cast %mul3A_1963 : i32 to index
      %get3A_1967 = tpu.vector_load %arg6[%get3A_1965, %get3A_1966] {strides = array<i32>} : memref<8x1024xf32, #tpu.memory_space<vmem>>, vector<16xf32>,
      %add3A_1968 = arith.addf %while3A_1924, %get3A_1967 : vector<16xf32>
      %mul3A_1969 = arith.constant 16 : i32
      %mul3A_1970 = arith.muli %while3A_1918, %mul3A_1969 : i32
      %get3A_1971 = arith.constant 6 : i32
      %get3A_1972 = arith.index_cast %get3A_1971 : i32 to index
      %get3A_1973 = arith.index_cast %mul3A_1970 : i32 to index
      %get3A_1974 = tpu.vector_load %arg6[%get3A_1972, %get3A_1973] {strides = array<i32>} : memref<8x1024xf32, #tpu.memory_space<vmem>>, vector<16xf32>,
      %add3A_1975 = arith.addf %while3A_1925, %get3A_1974 : vector<16xf32>
      %mul3A_1976 = arith.constant 16 : i32
      %mul3A_1977 = arith.muli %while3A_1918, %mul3A_1976 : i32
      %get3A_1978 = arith.constant 7 : i32
      %get3A_1979 = arith.index_cast %get3A_1978 : i32 to index
      %get3A_1980 = arith.index_cast %mul3A_1977 : i32 to index
      %get3A_1981 = tpu.vector_load %arg6[%get3A_1979, %get3A_1980] {strides = array<i32>} : memref<8x1024xf32, #tpu.memory_space<vmem>>, vector<16xf32>,
      %add3A_1982 = arith.addf %while3A_1926, %get3A_1981 : vector<16xf32>
      scf.yield %add3A_1933, %add3A_1940, %add3A_1947, %add3A_1954, %add3A_1961, %add3A_1968, %add3A_1975, %add3A_1982 : vector<16xf32>, vector<16xf32>, vector<16xf32>, vector<16xf32>, vector<16xf32>, vector<16xf32>, vector<16xf32>, vector<16xf32>
    }
    %ge3A = arith.constant 10 : i32
    %ge3A_87 = vector.broadcast %ge3A : i32 to vector<16xi32>
    %ge3A_88 = arith.cmpi sge, %iota3A, %ge3A_87 : vector<16xi32>
    %not3A = arith.constant true
    %not3A_89 = arith.xori %eq3A_73, %not3A : i1
    %and3A_90 = vector.broadcast %not3A_89 : i1 to vector<16xi1>
    %and3A_91 = arith.andi %ge3A_88, %and3A_90 : vector<16xi1>
    %get3A = arith.constant 0 : i32
    %get3A_92 = arith.index_cast %get3A : i32 to index
    %get3A_93 = arith.constant 918 : index
    %get3A_94 = tpu.vector_load %arg6[%get3A_92, %get3A_93] {strides = array<i32>} : memref<8x1024xf32, #tpu.memory_space<vmem>>, vector<16xf32>,
    %select_n3A_95 = arith.select %and3A_91, %get3A_94, %broadcast_in_dim3A_0 : vector<16xi1>, vector<16xf32>
    %add3A_96 = arith.addf %while3A_86#0, %select_n3A_95 : vector<16xf32>
    %get3A_97 = arith.constant 1 : i32
    %get3A_98 = arith.index_cast %get3A_97 : i32 to index
    %get3A_99 = arith.constant 918 : index
    %get3A_100 = tpu.vector_load %arg6[%get3A_98, %get3A_99] {strides = array<i32>} : memref<8x1024xf32, #tpu.memory_space<vmem>>, vector<16xf32>,
    %select_n3A_101 = arith.select %and3A_91, %get3A_100, %broadcast_in_dim3A_0 : vector<16xi1>, vector<16xf32>
    %add3A_102 = arith.addf %while3A_86#1, %select_n3A_101 : vector<16xf32>
    %get3A_103 = arith.constant 2 : i32
    %get3A_104 = arith.index_cast %get3A_103 : i32 to index
    %get3A_105 = arith.constant 918 : index
    %get3A_106 = tpu.vector_load %arg6[%get3A_104, %get3A_105] {strides = array<i32>} : memref<8x1024xf32, #tpu.memory_space<vmem>>, vector<16xf32>,
    %select_n3A_107 = arith.select %and3A_91, %get3A_106, %broadcast_in_dim3A_0 : vector<16xi1>, vector<16xf32>
    %add3A_108 = arith.addf %while3A_86#2, %select_n3A_107 : vector<16xf32>
    %get3A_109 = arith.constant 3 : i32
    %get3A_110 = arith.index_cast %get3A_109 : i32 to index
    %get3A_111 = arith.constant 918 : index
    %get3A_112 = tpu.vector_load %arg6[%get3A_110, %get3A_111] {strides = array<i32>} : memref<8x1024xf32, #tpu.memory_space<vmem>>, vector<16xf32>,
    %select_n3A_113 = arith.select %and3A_91, %get3A_112, %broadcast_in_dim3A_0 : vector<16xi1>, vector<16xf32>
    %add3A_114 = arith.addf %while3A_86#3, %select_n3A_113 : vector<16xf32>
    %get3A_115 = arith.constant 4 : i32
    %get3A_116 = arith.index_cast %get3A_115 : i32 to index
    %get3A_117 = arith.constant 918 : index
    %get3A_118 = tpu.vector_load %arg6[%get3A_116, %get3A_117] {strides = array<i32>} : memref<8x1024xf32, #tpu.memory_space<vmem>>, vector<16xf32>,
    %select_n3A_119 = arith.select %and3A_91, %get3A_118, %broadcast_in_dim3A_0 : vector<16xi1>, vector<16xf32>
    %add3A_120 = arith.addf %while3A_86#4, %select_n3A_119 : vector<16xf32>
    %get3A_121 = arith.constant 5 : i32
    %get3A_122 = arith.index_cast %get3A_121 : i32 to index
    %get3A_123 = arith.constant 918 : index
    %get3A_124 = tpu.vector_load %arg6[%get3A_122, %get3A_123] {strides = array<i32>} : memref<8x1024xf32, #tpu.memory_space<vmem>>, vector<16xf32>,
    %select_n3A_125 = arith.select %and3A_91, %get3A_124, %broadcast_in_dim3A_0 : vector<16xi1>, vector<16xf32>
    %add3A_126 = arith.addf %while3A_86#5, %select_n3A_125 : vector<16xf32>
    %get3A_127 = arith.constant 6 : i32
    %get3A_128 = arith.index_cast %get3A_127 : i32 to index
    %get3A_129 = arith.constant 918 : index
    %get3A_130 = tpu.vector_load %arg6[%get3A_128, %get3A_129] {strides = array<i32>} : memref<8x1024xf32, #tpu.memory_space<vmem>>, vector<16xf32>,
    %select_n3A_131 = arith.select %and3A_91, %get3A_130, %broadcast_in_dim3A_0 : vector<16xi1>, vector<16xf32>
    %add3A_132 = arith.addf %while3A_86#6, %select_n3A_131 : vector<16xf32>
    %get3A_133 = arith.constant 7 : i32
    %get3A_134 = arith.index_cast %get3A_133 : i32 to index
    %get3A_135 = arith.constant 918 : index
    %get3A_136 = tpu.vector_load %arg6[%get3A_134, %get3A_135] {strides = array<i32>} : memref<8x1024xf32, #tpu.memory_space<vmem>>, vector<16xf32>,
    %select_n3A_137 = arith.select %and3A_91, %get3A_136, %broadcast_in_dim3A_0 : vector<16xi1>, vector<16xf32>
    %add3A_138 = arith.addf %while3A_86#7, %select_n3A_137 : vector<16xf32>
    tpu.wait_dma2 semaphore(%arg15 : memref<!tpu.dma_semaphore, #tpu.memory_space<semaphore_mem>>) src(%arg3 : memref<64x64xf32, #tpu.memory_space<hbm>>) dst(%arg7 : memref<64x64xf32, #tpu.memory_space<vmem>>)
    %reduce_sum3A = arith.constant true
    %reduce_sum3A_139 = vector.broadcast %reduce_sum3A : i1 to vector<16xi1>
    %reduce_sum3A_140 = tpu.scan <sum>, %add3A_96 masked %reduce_sum3A_139 : vector<16xf32>, vector<16xi1> -> vector<16xf32>
    %reduce_sum3A_141 = vector.extract %reduce_sum3A_140[15] : f32 from vector<16xf32>
    %mul3A_142 = arith.constant 8 : i32
    %mul3A_143 = arith.muli %select_n3A_8, %mul3A_142 : i32
    %add3A_144 = arith.constant 0 : i32
    %add3A_145 = arith.addi %mul3A_143, %add3A_144 : i32
    %get3A_146 = arith.index_cast %add3A_145 : i32 to index
    %get3A_147 = arith.constant 0 : index
    %get3A_148 = tpu.vector_load %arg7[%get3A_146, %get3A_147] {strides = array<i32>} : memref<64x64xf32, #tpu.memory_space<vmem>>, vector<16xf32>,
    %mul3A_149 = vector.broadcast %reduce_sum3A_141 : f32 to vector<16xf32>
    %mul3A_150 = arith.mulf %mul3A_149, %get3A_148 : vector<16xf32>
    %add3A_151 = arith.addf %broadcast_in_dim3A_0, %mul3A_150 : vector<16xf32>
    %mul3A_152 = arith.constant 8 : i32
    %mul3A_153 = arith.muli %select_n3A_8, %mul3A_152 : i32
    %add3A_154 = arith.constant 0 : i32
    %add3A_155 = arith.addi %mul3A_153, %add3A_154 : i32
    %get3A_156 = arith.index_cast %add3A_155 : i32 to index
    %get3A_157 = arith.constant 16 : index
    %get3A_158 = tpu.vector_load %arg7[%get3A_156, %get3A_157] {strides = array<i32>} : memref<64x64xf32, #tpu.memory_space<vmem>>, vector<16xf32>,
    %mul3A_159 = vector.broadcast %reduce_sum3A_141 : f32 to vector<16xf32>
    %mul3A_160 = arith.mulf %mul3A_159, %get3A_158 : vector<16xf32>
    %add3A_161 = arith.addf %broadcast_in_dim3A_0, %mul3A_160 : vector<16xf32>
    %mul3A_162 = arith.constant 8 : i32
    %mul3A_163 = arith.muli %select_n3A_8, %mul3A_162 : i32
    %add3A_164 = arith.constant 0 : i32
    %add3A_165 = arith.addi %mul3A_163, %add3A_164 : i32
    %get3A_166 = arith.index_cast %add3A_165 : i32 to index
    %get3A_167 = arith.constant 32 : index
    %get3A_168 = tpu.vector_load %arg7[%get3A_166, %get3A_167] {strides = array<i32>} : memref<64x64xf32, #tpu.memory_space<vmem>>, vector<16xf32>,
    %mul3A_169 = vector.broadcast %reduce_sum3A_141 : f32 to vector<16xf32>
    %mul3A_170 = arith.mulf %mul3A_169, %get3A_168 : vector<16xf32>
    %add3A_171 = arith.addf %broadcast_in_dim3A_0, %mul3A_170 : vector<16xf32>
    %mul3A_172 = arith.constant 8 : i32
    %mul3A_173 = arith.muli %select_n3A_8, %mul3A_172 : i32
    %add3A_174 = arith.constant 0 : i32
    %add3A_175 = arith.addi %mul3A_173, %add3A_174 : i32
    %get3A_176 = arith.index_cast %add3A_175 : i32 to index
    %get3A_177 = arith.constant 48 : index
    %get3A_178 = tpu.vector_load %arg7[%get3A_176, %get3A_177] {strides = array<i32>} : memref<64x64xf32, #tpu.memory_space<vmem>>, vector<16xf32>,
    %mul3A_179 = vector.broadcast %reduce_sum3A_141 : f32 to vector<16xf32>
    %mul3A_180 = arith.mulf %mul3A_179, %get3A_178 : vector<16xf32>
    %add3A_181 = arith.addf %broadcast_in_dim3A_0, %mul3A_180 : vector<16xf32>
    %reduce_sum3A_182 = arith.constant true
    %reduce_sum3A_183 = vector.broadcast %reduce_sum3A_182 : i1 to vector<16xi1>
    %reduce_sum3A_184 = tpu.scan <sum>, %add3A_102 masked %reduce_sum3A_183 : vector<16xf32>, vector<16xi1> -> vector<16xf32>
    %reduce_sum3A_185 = vector.extract %reduce_sum3A_184[15] : f32 from vector<16xf32>
    %mul3A_186 = arith.constant 8 : i32
    %mul3A_187 = arith.muli %select_n3A_8, %mul3A_186 : i32
    %add3A_188 = arith.constant 1 : i32
    %add3A_189 = arith.addi %mul3A_187, %add3A_188 : i32
    %get3A_190 = arith.index_cast %add3A_189 : i32 to index
    %get3A_191 = arith.constant 0 : index
    %get3A_192 = tpu.vector_load %arg7[%get3A_190, %get3A_191] {strides = array<i32>} : memref<64x64xf32, #tpu.memory_space<vmem>>, vector<16xf32>,
    %mul3A_193 = vector.broadcast %reduce_sum3A_185 : f32 to vector<16xf32>
    %mul3A_194 = arith.mulf %mul3A_193, %get3A_192 : vector<16xf32>
    %add3A_195 = arith.addf %add3A_151, %mul3A_194 : vector<16xf32>
    %mul3A_196 = arith.constant 8 : i32
    %mul3A_197 = arith.muli %select_n3A_8, %mul3A_196 : i32
    %add3A_198 = arith.constant 1 : i32
    %add3A_199 = arith.addi %mul3A_197, %add3A_198 : i32
    %get3A_200 = arith.index_cast %add3A_199 : i32 to index
    %get3A_201 = arith.constant 16 : index
    %get3A_202 = tpu.vector_load %arg7[%get3A_200, %get3A_201] {strides = array<i32>} : memref<64x64xf32, #tpu.memory_space<vmem>>, vector<16xf32>,
    %mul3A_203 = vector.broadcast %reduce_sum3A_185 : f32 to vector<16xf32>
    %mul3A_204 = arith.mulf %mul3A_203, %get3A_202 : vector<16xf32>
    %add3A_205 = arith.addf %add3A_161, %mul3A_204 : vector<16xf32>
    %mul3A_206 = arith.constant 8 : i32
    %mul3A_207 = arith.muli %select_n3A_8, %mul3A_206 : i32
    %add3A_208 = arith.constant 1 : i32
    %add3A_209 = arith.addi %mul3A_207, %add3A_208 : i32
    %get3A_210 = arith.index_cast %add3A_209 : i32 to index
    %get3A_211 = arith.constant 32 : index
    %get3A_212 = tpu.vector_load %arg7[%get3A_210, %get3A_211] {strides = array<i32>} : memref<64x64xf32, #tpu.memory_space<vmem>>, vector<16xf32>,
    %mul3A_213 = vector.broadcast %reduce_sum3A_185 : f32 to vector<16xf32>
    %mul3A_214 = arith.mulf %mul3A_213, %get3A_212 : vector<16xf32>
    %add3A_215 = arith.addf %add3A_171, %mul3A_214 : vector<16xf32>
    %mul3A_216 = arith.constant 8 : i32
    %mul3A_217 = arith.muli %select_n3A_8, %mul3A_216 : i32
    %add3A_218 = arith.constant 1 : i32
    %add3A_219 = arith.addi %mul3A_217, %add3A_218 : i32
    %get3A_220 = arith.index_cast %add3A_219 : i32 to index
    %get3A_221 = arith.constant 48 : index
    %get3A_222 = tpu.vector_load %arg7[%get3A_220, %get3A_221] {strides = array<i32>} : memref<64x64xf32, #tpu.memory_space<vmem>>, vector<16xf32>,
    %mul3A_223 = vector.broadcast %reduce_sum3A_185 : f32 to vector<16xf32>
    %mul3A_224 = arith.mulf %mul3A_223, %get3A_222 : vector<16xf32>
    %add3A_225 = arith.addf %add3A_181, %mul3A_224 : vector<16xf32>
    %reduce_sum3A_226 = arith.constant true
    %reduce_sum3A_227 = vector.broadcast %reduce_sum3A_226 : i1 to vector<16xi1>
    %reduce_sum3A_228 = tpu.scan <sum>, %add3A_108 masked %reduce_sum3A_227 : vector<16xf32>, vector<16xi1> -> vector<16xf32>
    %reduce_sum3A_229 = vector.extract %reduce_sum3A_228[15] : f32 from vector<16xf32>
    %mul3A_230 = arith.constant 8 : i32
    %mul3A_231 = arith.muli %select_n3A_8, %mul3A_230 : i32
    %add3A_232 = arith.constant 2 : i32
    %add3A_233 = arith.addi %mul3A_231, %add3A_232 : i32
    %get3A_234 = arith.index_cast %add3A_233 : i32 to index
    %get3A_235 = arith.constant 0 : index
    %get3A_236 = tpu.vector_load %arg7[%get3A_234, %get3A_235] {strides = array<i32>} : memref<64x64xf32, #tpu.memory_space<vmem>>, vector<16xf32>,
    %mul3A_237 = vector.broadcast %reduce_sum3A_229 : f32 to vector<16xf32>
    %mul3A_238 = arith.mulf %mul3A_237, %get3A_236 : vector<16xf32>
    %add3A_239 = arith.addf %add3A_195, %mul3A_238 : vector<16xf32>
    %mul3A_240 = arith.constant 8 : i32
    %mul3A_241 = arith.muli %select_n3A_8, %mul3A_240 : i32
    %add3A_242 = arith.constant 2 : i32
    %add3A_243 = arith.addi %mul3A_241, %add3A_242 : i32
    %get3A_244 = arith.index_cast %add3A_243 : i32 to index
    %get3A_245 = arith.constant 16 : index
    %get3A_246 = tpu.vector_load %arg7[%get3A_244, %get3A_245] {strides = array<i32>} : memref<64x64xf32, #tpu.memory_space<vmem>>, vector<16xf32>,
    %mul3A_247 = vector.broadcast %reduce_sum3A_229 : f32 to vector<16xf32>
    %mul3A_248 = arith.mulf %mul3A_247, %get3A_246 : vector<16xf32>
    %add3A_249 = arith.addf %add3A_205, %mul3A_248 : vector<16xf32>
    %mul3A_250 = arith.constant 8 : i32
    %mul3A_251 = arith.muli %select_n3A_8, %mul3A_250 : i32
    %add3A_252 = arith.constant 2 : i32
    %add3A_253 = arith.addi %mul3A_251, %add3A_252 : i32
    %get3A_254 = arith.index_cast %add3A_253 : i32 to index
    %get3A_255 = arith.constant 32 : index
    %get3A_256 = tpu.vector_load %arg7[%get3A_254, %get3A_255] {strides = array<i32>} : memref<64x64xf32, #tpu.memory_space<vmem>>, vector<16xf32>,
    %mul3A_257 = vector.broadcast %reduce_sum3A_229 : f32 to vector<16xf32>
    %mul3A_258 = arith.mulf %mul3A_257, %get3A_256 : vector<16xf32>
    %add3A_259 = arith.addf %add3A_215, %mul3A_258 : vector<16xf32>
    %mul3A_260 = arith.constant 8 : i32
    %mul3A_261 = arith.muli %select_n3A_8, %mul3A_260 : i32
    %add3A_262 = arith.constant 2 : i32
    %add3A_263 = arith.addi %mul3A_261, %add3A_262 : i32
    %get3A_264 = arith.index_cast %add3A_263 : i32 to index
    %get3A_265 = arith.constant 48 : index
    %get3A_266 = tpu.vector_load %arg7[%get3A_264, %get3A_265] {strides = array<i32>} : memref<64x64xf32, #tpu.memory_space<vmem>>, vector<16xf32>,
    %mul3A_267 = vector.broadcast %reduce_sum3A_229 : f32 to vector<16xf32>
    %mul3A_268 = arith.mulf %mul3A_267, %get3A_266 : vector<16xf32>
    %add3A_269 = arith.addf %add3A_225, %mul3A_268 : vector<16xf32>
    %reduce_sum3A_270 = arith.constant true
    %reduce_sum3A_271 = vector.broadcast %reduce_sum3A_270 : i1 to vector<16xi1>
    %reduce_sum3A_272 = tpu.scan <sum>, %add3A_114 masked %reduce_sum3A_271 : vector<16xf32>, vector<16xi1> -> vector<16xf32>
    %reduce_sum3A_273 = vector.extract %reduce_sum3A_272[15] : f32 from vector<16xf32>
    %mul3A_274 = arith.constant 8 : i32
    %mul3A_275 = arith.muli %select_n3A_8, %mul3A_274 : i32
    %add3A_276 = arith.constant 3 : i32
    %add3A_277 = arith.addi %mul3A_275, %add3A_276 : i32
    %get3A_278 = arith.index_cast %add3A_277 : i32 to index
    %get3A_279 = arith.constant 0 : index
    %get3A_280 = tpu.vector_load %arg7[%get3A_278, %get3A_279] {strides = array<i32>} : memref<64x64xf32, #tpu.memory_space<vmem>>, vector<16xf32>,
    %mul3A_281 = vector.broadcast %reduce_sum3A_273 : f32 to vector<16xf32>
    %mul3A_282 = arith.mulf %mul3A_281, %get3A_280 : vector<16xf32>
    %add3A_283 = arith.addf %add3A_239, %mul3A_282 : vector<16xf32>
    %mul3A_284 = arith.constant 8 : i32
    %mul3A_285 = arith.muli %select_n3A_8, %mul3A_284 : i32
    %add3A_286 = arith.constant 3 : i32
    %add3A_287 = arith.addi %mul3A_285, %add3A_286 : i32
    %get3A_288 = arith.index_cast %add3A_287 : i32 to index
    %get3A_289 = arith.constant 16 : index
    %get3A_290 = tpu.vector_load %arg7[%get3A_288, %get3A_289] {strides = array<i32>} : memref<64x64xf32, #tpu.memory_space<vmem>>, vector<16xf32>,
    %mul3A_291 = vector.broadcast %reduce_sum3A_273 : f32 to vector<16xf32>
    %mul3A_292 = arith.mulf %mul3A_291, %get3A_290 : vector<16xf32>
    %add3A_293 = arith.addf %add3A_249, %mul3A_292 : vector<16xf32>
    %mul3A_294 = arith.constant 8 : i32
    %mul3A_295 = arith.muli %select_n3A_8, %mul3A_294 : i32
    %add3A_296 = arith.constant 3 : i32
    %add3A_297 = arith.addi %mul3A_295, %add3A_296 : i32
    %get3A_298 = arith.index_cast %add3A_297 : i32 to index
    %get3A_299 = arith.constant 32 : index
    %get3A_300 = tpu.vector_load %arg7[%get3A_298, %get3A_299] {strides = array<i32>} : memref<64x64xf32, #tpu.memory_space<vmem>>, vector<16xf32>,
    %mul3A_301 = vector.broadcast %reduce_sum3A_273 : f32 to vector<16xf32>
    %mul3A_302 = arith.mulf %mul3A_301, %get3A_300 : vector<16xf32>
    %add3A_303 = arith.addf %add3A_259, %mul3A_302 : vector<16xf32>
    %mul3A_304 = arith.constant 8 : i32
    %mul3A_305 = arith.muli %select_n3A_8, %mul3A_304 : i32
    %add3A_306 = arith.constant 3 : i32
    %add3A_307 = arith.addi %mul3A_305, %add3A_306 : i32
    %get3A_308 = arith.index_cast %add3A_307 : i32 to index
    %get3A_309 = arith.constant 48 : index
    %get3A_310 = tpu.vector_load %arg7[%get3A_308, %get3A_309] {strides = array<i32>} : memref<64x64xf32, #tpu.memory_space<vmem>>, vector<16xf32>,
    %mul3A_311 = vector.broadcast %reduce_sum3A_273 : f32 to vector<16xf32>
    %mul3A_312 = arith.mulf %mul3A_311, %get3A_310 : vector<16xf32>
    %add3A_313 = arith.addf %add3A_269, %mul3A_312 : vector<16xf32>
    %reduce_sum3A_314 = arith.constant true
    %reduce_sum3A_315 = vector.broadcast %reduce_sum3A_314 : i1 to vector<16xi1>
    %reduce_sum3A_316 = tpu.scan <sum>, %add3A_120 masked %reduce_sum3A_315 : vector<16xf32>, vector<16xi1> -> vector<16xf32>
    %reduce_sum3A_317 = vector.extract %reduce_sum3A_316[15] : f32 from vector<16xf32>
    %mul3A_318 = arith.constant 8 : i32
    %mul3A_319 = arith.muli %select_n3A_8, %mul3A_318 : i32
    %add3A_320 = arith.constant 4 : i32
    %add3A_321 = arith.addi %mul3A_319, %add3A_320 : i32
    %get3A_322 = arith.index_cast %add3A_321 : i32 to index
    %get3A_323 = arith.constant 0 : index
    %get3A_324 = tpu.vector_load %arg7[%get3A_322, %get3A_323] {strides = array<i32>} : memref<64x64xf32, #tpu.memory_space<vmem>>, vector<16xf32>,
    %mul3A_325 = vector.broadcast %reduce_sum3A_317 : f32 to vector<16xf32>
    %mul3A_326 = arith.mulf %mul3A_325, %get3A_324 : vector<16xf32>
    %add3A_327 = arith.addf %add3A_283, %mul3A_326 : vector<16xf32>
    %mul3A_328 = arith.constant 8 : i32
    %mul3A_329 = arith.muli %select_n3A_8, %mul3A_328 : i32
    %add3A_330 = arith.constant 4 : i32
    %add3A_331 = arith.addi %mul3A_329, %add3A_330 : i32
    %get3A_332 = arith.index_cast %add3A_331 : i32 to index
    %get3A_333 = arith.constant 16 : index
    %get3A_334 = tpu.vector_load %arg7[%get3A_332, %get3A_333] {strides = array<i32>} : memref<64x64xf32, #tpu.memory_space<vmem>>, vector<16xf32>,
    %mul3A_335 = vector.broadcast %reduce_sum3A_317 : f32 to vector<16xf32>
    %mul3A_336 = arith.mulf %mul3A_335, %get3A_334 : vector<16xf32>
    %add3A_337 = arith.addf %add3A_293, %mul3A_336 : vector<16xf32>
    %mul3A_338 = arith.constant 8 : i32
    %mul3A_339 = arith.muli %select_n3A_8, %mul3A_338 : i32
    %add3A_340 = arith.constant 4 : i32
    %add3A_341 = arith.addi %mul3A_339, %add3A_340 : i32
    %get3A_342 = arith.index_cast %add3A_341 : i32 to index
    %get3A_343 = arith.constant 32 : index
    %get3A_344 = tpu.vector_load %arg7[%get3A_342, %get3A_343] {strides = array<i32>} : memref<64x64xf32, #tpu.memory_space<vmem>>, vector<16xf32>,
    %mul3A_345 = vector.broadcast %reduce_sum3A_317 : f32 to vector<16xf32>
    %mul3A_346 = arith.mulf %mul3A_345, %get3A_344 : vector<16xf32>
    %add3A_347 = arith.addf %add3A_303, %mul3A_346 : vector<16xf32>
    %mul3A_348 = arith.constant 8 : i32
    %mul3A_349 = arith.muli %select_n3A_8, %mul3A_348 : i32
    %add3A_350 = arith.constant 4 : i32
    %add3A_351 = arith.addi %mul3A_349, %add3A_350 : i32
    %get3A_352 = arith.index_cast %add3A_351 : i32 to index
    %get3A_353 = arith.constant 48 : index
    %get3A_354 = tpu.vector_load %arg7[%get3A_352, %get3A_353] {strides = array<i32>} : memref<64x64xf32, #tpu.memory_space<vmem>>, vector<16xf32>,
    %mul3A_355 = vector.broadcast %reduce_sum3A_317 : f32 to vector<16xf32>
    %mul3A_356 = arith.mulf %mul3A_355, %get3A_354 : vector<16xf32>
    %add3A_357 = arith.addf %add3A_313, %mul3A_356 : vector<16xf32>
    %reduce_sum3A_358 = arith.constant true
    %reduce_sum3A_359 = vector.broadcast %reduce_sum3A_358 : i1 to vector<16xi1>
    %reduce_sum3A_360 = tpu.scan <sum>, %add3A_126 masked %reduce_sum3A_359 : vector<16xf32>, vector<16xi1> -> vector<16xf32>
    %reduce_sum3A_361 = vector.extract %reduce_sum3A_360[15] : f32 from vector<16xf32>
    %mul3A_362 = arith.constant 8 : i32
    %mul3A_363 = arith.muli %select_n3A_8, %mul3A_362 : i32
    %add3A_364 = arith.constant 5 : i32
    %add3A_365 = arith.addi %mul3A_363, %add3A_364 : i32
    %get3A_366 = arith.index_cast %add3A_365 : i32 to index
    %get3A_367 = arith.constant 0 : index
    %get3A_368 = tpu.vector_load %arg7[%get3A_366, %get3A_367] {strides = array<i32>} : memref<64x64xf32, #tpu.memory_space<vmem>>, vector<16xf32>,
    %mul3A_369 = vector.broadcast %reduce_sum3A_361 : f32 to vector<16xf32>
    %mul3A_370 = arith.mulf %mul3A_369, %get3A_368 : vector<16xf32>
    %add3A_371 = arith.addf %add3A_327, %mul3A_370 : vector<16xf32>
    %mul3A_372 = arith.constant 8 : i32
    %mul3A_373 = arith.muli %select_n3A_8, %mul3A_372 : i32
    %add3A_374 = arith.constant 5 : i32
    %add3A_375 = arith.addi %mul3A_373, %add3A_374 : i32
    %get3A_376 = arith.index_cast %add3A_375 : i32 to index
    %get3A_377 = arith.constant 16 : index
    %get3A_378 = tpu.vector_load %arg7[%get3A_376, %get3A_377] {strides = array<i32>} : memref<64x64xf32, #tpu.memory_space<vmem>>, vector<16xf32>,
    %mul3A_379 = vector.broadcast %reduce_sum3A_361 : f32 to vector<16xf32>
    %mul3A_380 = arith.mulf %mul3A_379, %get3A_378 : vector<16xf32>
    %add3A_381 = arith.addf %add3A_337, %mul3A_380 : vector<16xf32>
    %mul3A_382 = arith.constant 8 : i32
    %mul3A_383 = arith.muli %select_n3A_8, %mul3A_382 : i32
    %add3A_384 = arith.constant 5 : i32
    %add3A_385 = arith.addi %mul3A_383, %add3A_384 : i32
    %get3A_386 = arith.index_cast %add3A_385 : i32 to index
    %get3A_387 = arith.constant 32 : index
    %get3A_388 = tpu.vector_load %arg7[%get3A_386, %get3A_387] {strides = array<i32>} : memref<64x64xf32, #tpu.memory_space<vmem>>, vector<16xf32>,
    %mul3A_389 = vector.broadcast %reduce_sum3A_361 : f32 to vector<16xf32>
    %mul3A_390 = arith.mulf %mul3A_389, %get3A_388 : vector<16xf32>
    %add3A_391 = arith.addf %add3A_347, %mul3A_390 : vector<16xf32>
    %mul3A_392 = arith.constant 8 : i32
    %mul3A_393 = arith.muli %select_n3A_8, %mul3A_392 : i32
    %add3A_394 = arith.constant 5 : i32
    %add3A_395 = arith.addi %mul3A_393, %add3A_394 : i32
    %get3A_396 = arith.index_cast %add3A_395 : i32 to index
    %get3A_397 = arith.constant 48 : index
    %get3A_398 = tpu.vector_load %arg7[%get3A_396, %get3A_397] {strides = array<i32>} : memref<64x64xf32, #tpu.memory_space<vmem>>, vector<16xf32>,
    %mul3A_399 = vector.broadcast %reduce_sum3A_361 : f32 to vector<16xf32>
    %mul3A_400 = arith.mulf %mul3A_399, %get3A_398 : vector<16xf32>
    %add3A_401 = arith.addf %add3A_357, %mul3A_400 : vector<16xf32>
    %reduce_sum3A_402 = arith.constant true
    %reduce_sum3A_403 = vector.broadcast %reduce_sum3A_402 : i1 to vector<16xi1>
    %reduce_sum3A_404 = tpu.scan <sum>, %add3A_132 masked %reduce_sum3A_403 : vector<16xf32>, vector<16xi1> -> vector<16xf32>
    %reduce_sum3A_405 = vector.extract %reduce_sum3A_404[15] : f32 from vector<16xf32>
    %mul3A_406 = arith.constant 8 : i32
    %mul3A_407 = arith.muli %select_n3A_8, %mul3A_406 : i32
    %add3A_408 = arith.constant 6 : i32
    %add3A_409 = arith.addi %mul3A_407, %add3A_408 : i32
    %get3A_410 = arith.index_cast %add3A_409 : i32 to index
    %get3A_411 = arith.constant 0 : index
    %get3A_412 = tpu.vector_load %arg7[%get3A_410, %get3A_411] {strides = array<i32>} : memref<64x64xf32, #tpu.memory_space<vmem>>, vector<16xf32>,
    %mul3A_413 = vector.broadcast %reduce_sum3A_405 : f32 to vector<16xf32>
    %mul3A_414 = arith.mulf %mul3A_413, %get3A_412 : vector<16xf32>
    %add3A_415 = arith.addf %add3A_371, %mul3A_414 : vector<16xf32>
    %mul3A_416 = arith.constant 8 : i32
    %mul3A_417 = arith.muli %select_n3A_8, %mul3A_416 : i32
    %add3A_418 = arith.constant 6 : i32
    %add3A_419 = arith.addi %mul3A_417, %add3A_418 : i32
    %get3A_420 = arith.index_cast %add3A_419 : i32 to index
    %get3A_421 = arith.constant 16 : index
    %get3A_422 = tpu.vector_load %arg7[%get3A_420, %get3A_421] {strides = array<i32>} : memref<64x64xf32, #tpu.memory_space<vmem>>, vector<16xf32>,
    %mul3A_423 = vector.broadcast %reduce_sum3A_405 : f32 to vector<16xf32>
    %mul3A_424 = arith.mulf %mul3A_423, %get3A_422 : vector<16xf32>
    %add3A_425 = arith.addf %add3A_381, %mul3A_424 : vector<16xf32>
    %mul3A_426 = arith.constant 8 : i32
    %mul3A_427 = arith.muli %select_n3A_8, %mul3A_426 : i32
    %add3A_428 = arith.constant 6 : i32
    %add3A_429 = arith.addi %mul3A_427, %add3A_428 : i32
    %get3A_430 = arith.index_cast %add3A_429 : i32 to index
    %get3A_431 = arith.constant 32 : index
    %get3A_432 = tpu.vector_load %arg7[%get3A_430, %get3A_431] {strides = array<i32>} : memref<64x64xf32, #tpu.memory_space<vmem>>, vector<16xf32>,
    %mul3A_433 = vector.broadcast %reduce_sum3A_405 : f32 to vector<16xf32>
    %mul3A_434 = arith.mulf %mul3A_433, %get3A_432 : vector<16xf32>
    %add3A_435 = arith.addf %add3A_391, %mul3A_434 : vector<16xf32>
    %mul3A_436 = arith.constant 8 : i32
    %mul3A_437 = arith.muli %select_n3A_8, %mul3A_436 : i32
    %add3A_438 = arith.constant 6 : i32
    %add3A_439 = arith.addi %mul3A_437, %add3A_438 : i32
    %get3A_440 = arith.index_cast %add3A_439 : i32 to index
    %get3A_441 = arith.constant 48 : index
    %get3A_442 = tpu.vector_load %arg7[%get3A_440, %get3A_441] {strides = array<i32>} : memref<64x64xf32, #tpu.memory_space<vmem>>, vector<16xf32>,
    %mul3A_443 = vector.broadcast %reduce_sum3A_405 : f32 to vector<16xf32>
    %mul3A_444 = arith.mulf %mul3A_443, %get3A_442 : vector<16xf32>
    %add3A_445 = arith.addf %add3A_401, %mul3A_444 : vector<16xf32>
    %reduce_sum3A_446 = arith.constant true
    %reduce_sum3A_447 = vector.broadcast %reduce_sum3A_446 : i1 to vector<16xi1>
    %reduce_sum3A_448 = tpu.scan <sum>, %add3A_138 masked %reduce_sum3A_447 : vector<16xf32>, vector<16xi1> -> vector<16xf32>
    %reduce_sum3A_449 = vector.extract %reduce_sum3A_448[15] : f32 from vector<16xf32>
    %mul3A_450 = arith.constant 8 : i32
    %mul3A_451 = arith.muli %select_n3A_8, %mul3A_450 : i32
    %add3A_452 = arith.constant 7 : i32
    %add3A_453 = arith.addi %mul3A_451, %add3A_452 : i32
    %get3A_454 = arith.index_cast %add3A_453 : i32 to index
    %get3A_455 = arith.constant 0 : index
    %get3A_456 = tpu.vector_load %arg7[%get3A_454, %get3A_455] {strides = array<i32>} : memref<64x64xf32, #tpu.memory_space<vmem>>, vector<16xf32>,
    %mul3A_457 = vector.broadcast %reduce_sum3A_449 : f32 to vector<16xf32>
    %mul3A_458 = arith.mulf %mul3A_457, %get3A_456 : vector<16xf32>
    %add3A_459 = arith.addf %add3A_415, %mul3A_458 : vector<16xf32>
    %mul3A_460 = arith.constant 8 : i32
    %mul3A_461 = arith.muli %select_n3A_8, %mul3A_460 : i32
    %add3A_462 = arith.constant 7 : i32
    %add3A_463 = arith.addi %mul3A_461, %add3A_462 : i32
    %get3A_464 = arith.index_cast %add3A_463 : i32 to index
    %get3A_465 = arith.constant 16 : index
    %get3A_466 = tpu.vector_load %arg7[%get3A_464, %get3A_465] {strides = array<i32>} : memref<64x64xf32, #tpu.memory_space<vmem>>, vector<16xf32>,
    %mul3A_467 = vector.broadcast %reduce_sum3A_449 : f32 to vector<16xf32>
    %mul3A_468 = arith.mulf %mul3A_467, %get3A_466 : vector<16xf32>
    %add3A_469 = arith.addf %add3A_425, %mul3A_468 : vector<16xf32>
    %mul3A_470 = arith.constant 8 : i32
    %mul3A_471 = arith.muli %select_n3A_8, %mul3A_470 : i32
    %add3A_472 = arith.constant 7 : i32
    %add3A_473 = arith.addi %mul3A_471, %add3A_472 : i32
    %get3A_474 = arith.index_cast %add3A_473 : i32 to index
    %get3A_475 = arith.constant 32 : index
    %get3A_476 = tpu.vector_load %arg7[%get3A_474, %get3A_475] {strides = array<i32>} : memref<64x64xf32, #tpu.memory_space<vmem>>, vector<16xf32>,
    %mul3A_477 = vector.broadcast %reduce_sum3A_449 : f32 to vector<16xf32>
    %mul3A_478 = arith.mulf %mul3A_477, %get3A_476 : vector<16xf32>
    %add3A_479 = arith.addf %add3A_435, %mul3A_478 : vector<16xf32>
    %mul3A_480 = arith.constant 8 : i32
    %mul3A_481 = arith.muli %select_n3A_8, %mul3A_480 : i32
    %add3A_482 = arith.constant 7 : i32
    %add3A_483 = arith.addi %mul3A_481, %add3A_482 : i32
    %get3A_484 = arith.index_cast %add3A_483 : i32 to index
    %get3A_485 = arith.constant 48 : index
    %get3A_486 = tpu.vector_load %arg7[%get3A_484, %get3A_485] {strides = array<i32>} : memref<64x64xf32, #tpu.memory_space<vmem>>, vector<16xf32>,
    %mul3A_487 = vector.broadcast %reduce_sum3A_449 : f32 to vector<16xf32>
    %mul3A_488 = arith.mulf %mul3A_487, %get3A_486 : vector<16xf32>
    %add3A_489 = arith.addf %add3A_445, %mul3A_488 : vector<16xf32>
    %swap3A = arith.constant 0 : index
    %swap3A_490 = tpu.vector_load %arg9[%swap3A] {strides = array<i32>} : memref<64xf32, #tpu.memory_space<vmem>>, vector<16xf32>,
    tpu.vector_store %arg9[%swap3A], %add3A_459 {strides = array<i32>} : memref<64xf32, #tpu.memory_space<vmem>>, vector<16xf32>,
    %swap3A_491 = arith.constant 16 : index
    %swap3A_492 = tpu.vector_load %arg9[%swap3A_491] {strides = array<i32>} : memref<64xf32, #tpu.memory_space<vmem>>, vector<16xf32>,
    tpu.vector_store %arg9[%swap3A_491], %add3A_469 {strides = array<i32>} : memref<64xf32, #tpu.memory_space<vmem>>, vector<16xf32>,
    %swap3A_493 = arith.constant 32 : index
    %swap3A_494 = tpu.vector_load %arg9[%swap3A_493] {strides = array<i32>} : memref<64xf32, #tpu.memory_space<vmem>>, vector<16xf32>,
    tpu.vector_store %arg9[%swap3A_493], %add3A_479 {strides = array<i32>} : memref<64xf32, #tpu.memory_space<vmem>>, vector<16xf32>,
    %swap3A_495 = arith.constant 48 : index
    %swap3A_496 = tpu.vector_load %arg9[%swap3A_495] {strides = array<i32>} : memref<64xf32, #tpu.memory_space<vmem>>, vector<16xf32>,
    tpu.vector_store %arg9[%swap3A_495], %add3A_489 {strides = array<i32>} : memref<64xf32, #tpu.memory_space<vmem>>, vector<16xf32>,
    %mul3A_497 = arith.constant 64 : i32
    %mul3A_498 = arith.muli %arg1, %mul3A_497 : i32
    "tpu.region"() ({
      %run_scoped3A = tpu.sem_alloc : memref<!tpu.dma_semaphore, #tpu.memory_space<semaphore_mem>>
      %dma_start3A_1918 = tpu.memref_slice %arg12[%mul3A_498] : memref<1024xf32, #tpu.memory_space<vmem_shared>> -> memref<64xf32, #tpu.memory_space<vmem_shared>>
      %dma_start3A_1919 = tpu.memref_slice %arg12[%mul3A_498] : memref<1024xf32, #tpu.memory_space<vmem_shared>> -> memref<64xf32, #tpu.memory_space<vmem_shared>>
      tpu.enqueue_dma source(%arg9 : memref<64xf32, #tpu.memory_space<vmem>>) target(%dma_start3A_1919 : memref<64xf32, #tpu.memory_space<vmem_shared>>) target_semaphore(%run_scoped3A : memref<!tpu.dma_semaphore, #tpu.memory_space<semaphore_mem>>)
      %dma_wait3A_1920 = tpu.memref_slice %arg12[%mul3A_498] : memref<1024xf32, #tpu.memory_space<vmem_shared>> -> memref<64xf32, #tpu.memory_space<vmem_shared>>
      %dma_wait3A_1921 = tpu.memref_slice %arg12[%mul3A_498] : memref<1024xf32, #tpu.memory_space<vmem_shared>> -> memref<64xf32, #tpu.memory_space<vmem_shared>>
      tpu.wait_dma2 semaphore(%run_scoped3A : memref<!tpu.dma_semaphore, #tpu.memory_space<semaphore_mem>>) src(%arg9 : memref<64xf32, #tpu.memory_space<vmem>>) dst(%dma_wait3A_1921 : memref<64xf32, #tpu.memory_space<vmem_shared>>)
      tpu.yield
    }) : () -> ()
    %barrier3A = arith.constant 0 : index
    tpu.barrier barrier_id(%barrier3A)
    "tpu.region"() ({
      %run_scoped3A = tpu.sem_alloc : memref<!tpu.dma_semaphore, #tpu.memory_space<semaphore_mem>>
      tpu.enqueue_dma source(%arg12 : memref<1024xf32, #tpu.memory_space<vmem_shared>>) target(%arg10 : memref<1024xf32, #tpu.memory_space<vmem>>) target_semaphore(%run_scoped3A : memref<!tpu.dma_semaphore, #tpu.memory_space<semaphore_mem>>)
      tpu.wait_dma2 semaphore(%run_scoped3A : memref<!tpu.dma_semaphore, #tpu.memory_space<semaphore_mem>>) src(%arg12 : memref<1024xf32, #tpu.memory_space<vmem_shared>>) dst(%arg10 : memref<1024xf32, #tpu.memory_space<vmem>>)
      tpu.yield
    }) : () -> ()
    %scan3A_499 = arith.constant 0 : i32
    %scan3A_500 = arith.constant 16 : i32
    %scan3A_501 = arith.addi %scan3A_499, %scan3A_500 : i32
    %scan3A_502 = arith.constant 1 : i32
    %scan3A_503:4 = scf.for %scan3A_1918 = %scan3A_499 to %scan3A_501 step %scan3A_502 iter_args(%scan3A_1919 = %broadcast_in_dim3A_0, %scan3A_1920 = %broadcast_in_dim3A_0, %scan3A_1921 = %broadcast_in_dim3A_0, %scan3A_1922 = %broadcast_in_dim3A_0) -> (vector<16xf32>, vector<16xf32>, vector<16xf32>, vector<16xf32>)  : i32 {
      %mul3A_1923 = arith.constant 64 : i32
      %mul3A_1924 = arith.muli %scan3A_1918, %mul3A_1923 : i32
      %add3A_1925 = arith.constant 0 : i32
      %add3A_1926 = arith.addi %mul3A_1924, %add3A_1925 : i32
      %get3A_1927 = arith.index_cast %add3A_1926 : i32 to index
      %get3A_1928 = tpu.vector_load %arg10[%get3A_1927] {strides = array<i32>} : memref<1024xf32, #tpu.memory_space<vmem>>, vector<16xf32>,
      %add3A_1929 = arith.addf %scan3A_1919, %get3A_1928 : vector<16xf32>
      %mul3A_1930 = arith.constant 64 : i32
      %mul3A_1931 = arith.muli %scan3A_1918, %mul3A_1930 : i32
      %add3A_1932 = arith.constant 16 : i32
      %add3A_1933 = arith.addi %mul3A_1931, %add3A_1932 : i32
      %get3A_1934 = arith.index_cast %add3A_1933 : i32 to index
      %get3A_1935 = tpu.vector_load %arg10[%get3A_1934] {strides = array<i32>} : memref<1024xf32, #tpu.memory_space<vmem>>, vector<16xf32>,
      %add3A_1936 = arith.addf %scan3A_1920, %get3A_1935 : vector<16xf32>
      %mul3A_1937 = arith.constant 64 : i32
      %mul3A_1938 = arith.muli %scan3A_1918, %mul3A_1937 : i32
      %add3A_1939 = arith.constant 32 : i32
      %add3A_1940 = arith.addi %mul3A_1938, %add3A_1939 : i32
      %get3A_1941 = arith.index_cast %add3A_1940 : i32 to index
      %get3A_1942 = tpu.vector_load %arg10[%get3A_1941] {strides = array<i32>} : memref<1024xf32, #tpu.memory_space<vmem>>, vector<16xf32>,
      %add3A_1943 = arith.addf %scan3A_1921, %get3A_1942 : vector<16xf32>
      %mul3A_1944 = arith.constant 64 : i32
      %mul3A_1945 = arith.muli %scan3A_1918, %mul3A_1944 : i32
      %add3A_1946 = arith.constant 48 : i32
      %add3A_1947 = arith.addi %mul3A_1945, %add3A_1946 : i32
      %get3A_1948 = arith.index_cast %add3A_1947 : i32 to index
      %get3A_1949 = tpu.vector_load %arg10[%get3A_1948] {strides = array<i32>} : memref<1024xf32, #tpu.memory_space<vmem>>, vector<16xf32>,
      %add3A_1950 = arith.addf %scan3A_1922, %get3A_1949 : vector<16xf32>
      scf.yield %add3A_1929, %add3A_1936, %add3A_1943, %add3A_1950 : vector<16xf32>, vector<16xf32>, vector<16xf32>, vector<16xf32>
    }
    %scan3A_504 = arith.constant 16 : i32
    %mul3A_505 = arith.constant 5.10725251E-4 : f32
    %mul3A_506 = vector.broadcast %mul3A_505 : f32 to vector<16xf32>
    %mul3A_507 = arith.mulf %scan3A_503#0, %mul3A_506 : vector<16xf32>
    %get3A_508 = arith.constant 0 : index
    %get3A_509 = tpu.vector_load %arg8[%get3A_508] {strides = array<i32>} : memref<64xf32, #tpu.memory_space<vmem>>, vector<16xf32>,
    %add3A_510 = arith.addf %mul3A_507, %get3A_509 : vector<16xf32>
    %mul3A_511 = arith.constant 5.10725251E-4 : f32
    %mul3A_512 = vector.broadcast %mul3A_511 : f32 to vector<16xf32>
    %mul3A_513 = arith.mulf %scan3A_503#1, %mul3A_512 : vector<16xf32>
    %get3A_514 = arith.constant 16 : index
    %get3A_515 = tpu.vector_load %arg8[%get3A_514] {strides = array<i32>} : memref<64xf32, #tpu.memory_space<vmem>>, vector<16xf32>,
    %add3A_516 = arith.addf %mul3A_513, %get3A_515 : vector<16xf32>
    %mul3A_517 = arith.constant 5.10725251E-4 : f32
    %mul3A_518 = vector.broadcast %mul3A_517 : f32 to vector<16xf32>
    %mul3A_519 = arith.mulf %scan3A_503#2, %mul3A_518 : vector<16xf32>
    %get3A_520 = arith.constant 32 : index
    %get3A_521 = tpu.vector_load %arg8[%get3A_520] {strides = array<i32>} : memref<64xf32, #tpu.memory_space<vmem>>, vector<16xf32>,
    %add3A_522 = arith.addf %mul3A_519, %get3A_521 : vector<16xf32>
    %mul3A_523 = arith.constant 5.10725251E-4 : f32
    %mul3A_524 = vector.broadcast %mul3A_523 : f32 to vector<16xf32>
    %mul3A_525 = arith.mulf %scan3A_503#3, %mul3A_524 : vector<16xf32>
    %get3A_526 = arith.constant 48 : index
    %get3A_527 = tpu.vector_load %arg8[%get3A_526] {strides = array<i32>} : memref<64xf32, #tpu.memory_space<vmem>>, vector<16xf32>,
    %add3A_528 = arith.addf %mul3A_525, %get3A_527 : vector<16xf32>
    %mul3A_529 = arith.constant 2 : i32
    %mul3A_530 = arith.muli %arg1, %mul3A_529 : i32
    %add3A_531 = arith.addi %mul3A_530, %arg0 : i32
    %jit3A_532 = arith.constant 2 : i32
    %eq3A_533 = arith.constant 0 : i32
    %eq3A_534 = arith.cmpi eq, %jit3A_532, %eq3A_533 : i32
    %jit3A_535 = arith.constant 1 : i32
    %select_n3A_536 = arith.select %eq3A_534, %jit3A_535, %jit3A_532 : i32
    %rem3A_537 = arith.remsi %add3A_531, %select_n3A_536 : i32
    %ne3A_538 = arith.constant 0 : i32
    %ne3A_539 = arith.cmpi ne, %rem3A_537, %ne3A_538 : i32
    %lt3A_540 = arith.constant 0 : i32
    %lt3A_541 = arith.cmpi slt, %rem3A_537, %lt3A_540 : i32
    %lt3A_542 = arith.constant 0 : i32
    %lt3A_543 = arith.cmpi slt, %select_n3A_536, %lt3A_542 : i32
    %ne3A_544 = arith.xori %lt3A_541, %lt3A_543 : i1
    %and3A_545 = arith.andi %ne3A_544, %ne3A_539 : i1
    %add3A_546 = arith.addi %rem3A_537, %select_n3A_536 : i32
    %select_n3A_547 = arith.select %and3A_545, %add3A_546, %rem3A_537 : i32
    %jit3A_548 = arith.constant 2 : i32
    %div3A_549 = arith.divsi %add3A_531, %jit3A_548 : i32
    %sign3A_550 = arith.constant 0 : i32
    %sign3A_551 = arith.cmpi sgt, %add3A_531, %sign3A_550 : i32
    %sign3A_552 = arith.extui %sign3A_551 : i1 to i32
    %sign3A_553 = arith.constant 0 : i32
    %sign3A_554 = arith.cmpi slt, %add3A_531, %sign3A_553 : i32
    %sign3A_555 = arith.extui %sign3A_554 : i1 to i32
    %sign3A_556 = arith.subi %sign3A_552, %sign3A_555 : i32
    %sign3A_557 = arith.constant 0 : i32
    %sign3A_558 = arith.cmpi sgt, %jit3A_548, %sign3A_557 : i32
    %sign3A_559 = arith.extui %sign3A_558 : i1 to i32
    %sign3A_560 = arith.constant 0 : i32
    %sign3A_561 = arith.cmpi slt, %jit3A_548, %sign3A_560 : i32
    %sign3A_562 = arith.extui %sign3A_561 : i1 to i32
    %sign3A_563 = arith.subi %sign3A_559, %sign3A_562 : i32
    %ne3A_564 = arith.cmpi ne, %sign3A_556, %sign3A_563 : i32
    %rem3A_565 = arith.remsi %add3A_531, %jit3A_548 : i32
    %ne3A_566 = arith.constant 0 : i32
    %ne3A_567 = arith.cmpi ne, %rem3A_565, %ne3A_566 : i32
    %and3A_568 = arith.andi %ne3A_564, %ne3A_567 : i1
    %sub3A_569 = arith.constant 1 : i32
    %sub3A_570 = arith.subi %div3A_549, %sub3A_569 : i32
    %select_n3A_571 = arith.select %and3A_568, %sub3A_570, %div3A_549 : i32
    %eq3A_572 = arith.constant 0 : i32
    %eq3A_573 = arith.cmpi eq, %select_n3A_547, %eq3A_572 : i32
    %select_n3A_574 = arith.select %eq3A_573, %add3A_510, %add3A_522 : vector<16xf32>
    %slice3A = vector.extract_strided_slice %select_n3A_574 {offsets = [0], sizes = [1], strides = [1]} : vector<16xf32> to vector<1xf32>
    %squeeze3A = vector.extract %slice3A[0] : f32 from vector<1xf32>
    %ge3A_575 = arith.constant 0 : i32
    %ge3A_576 = vector.broadcast %ge3A_575 : i32 to vector<16xi32>
    %ge3A_577 = arith.cmpi sge, %iota3A, %ge3A_576 : vector<16xi32>
    %broadcast_in_dim3A_578 = vector.broadcast %squeeze3A : f32 to vector<16xf32>
    %select_n3A_579 = arith.select %ge3A_577, %broadcast_in_dim3A_578, %broadcast_in_dim3A_0 : vector<16xi1>, vector<16xf32>
    %swap3A_580 = arith.constant 0 : i32
    %swap3A_581 = arith.index_cast %swap3A_580 : i32 to index
    %swap3A_582 = arith.constant 0 : index
    %swap3A_583 = tpu.vector_load %arg11[%swap3A_581, %swap3A_582] {strides = array<i32>} : memref<32x128xf32, #tpu.memory_space<vmem>>, vector<16xf32>,
    tpu.vector_store %arg11[%swap3A_581, %swap3A_582], %select_n3A_579 {strides = array<i32>} : memref<32x128xf32, #tpu.memory_space<vmem>>, vector<16xf32>,
    %swap3A_584 = arith.constant 0 : i32
    %swap3A_585 = arith.index_cast %swap3A_584 : i32 to index
    %swap3A_586 = arith.constant 16 : index
    %swap3A_587 = tpu.vector_load %arg11[%swap3A_585, %swap3A_586] {strides = array<i32>} : memref<32x128xf32, #tpu.memory_space<vmem>>, vector<16xf32>,
    tpu.vector_store %arg11[%swap3A_585, %swap3A_586], %select_n3A_579 {strides = array<i32>} : memref<32x128xf32, #tpu.memory_space<vmem>>, vector<16xf32>,
    %swap3A_588 = arith.constant 0 : i32
    %swap3A_589 = arith.index_cast %swap3A_588 : i32 to index
    %swap3A_590 = arith.constant 32 : index
    %swap3A_591 = tpu.vector_load %arg11[%swap3A_589, %swap3A_590] {strides = array<i32>} : memref<32x128xf32, #tpu.memory_space<vmem>>, vector<16xf32>,
    tpu.vector_store %arg11[%swap3A_589, %swap3A_590], %select_n3A_579 {strides = array<i32>} : memref<32x128xf32, #tpu.memory_space<vmem>>, vector<16xf32>,
    %swap3A_592 = arith.constant 0 : i32
    %swap3A_593 = arith.index_cast %swap3A_592 : i32 to index
    %swap3A_594 = arith.constant 48 : index
    %swap3A_595 = tpu.vector_load %arg11[%swap3A_593, %swap3A_594] {strides = array<i32>} : memref<32x128xf32, #tpu.memory_space<vmem>>, vector<16xf32>,
    tpu.vector_store %arg11[%swap3A_593, %swap3A_594], %select_n3A_579 {strides = array<i32>} : memref<32x128xf32, #tpu.memory_space<vmem>>, vector<16xf32>,
    %swap3A_596 = arith.constant 0 : i32
    %swap3A_597 = arith.index_cast %swap3A_596 : i32 to index
    %swap3A_598 = arith.constant 64 : index
    %swap3A_599 = tpu.vector_load %arg11[%swap3A_597, %swap3A_598] {strides = array<i32>} : memref<32x128xf32, #tpu.memory_space<vmem>>, vector<16xf32>,
    tpu.vector_store %arg11[%swap3A_597, %swap3A_598], %select_n3A_579 {strides = array<i32>} : memref<32x128xf32, #tpu.memory_space<vmem>>, vector<16xf32>,
    %swap3A_600 = arith.constant 0 : i32
    %swap3A_601 = arith.index_cast %swap3A_600 : i32 to index
    %swap3A_602 = arith.constant 80 : index
    %swap3A_603 = tpu.vector_load %arg11[%swap3A_601, %swap3A_602] {strides = array<i32>} : memref<32x128xf32, #tpu.memory_space<vmem>>, vector<16xf32>,
    tpu.vector_store %arg11[%swap3A_601, %swap3A_602], %select_n3A_579 {strides = array<i32>} : memref<32x128xf32, #tpu.memory_space<vmem>>, vector<16xf32>,
    %swap3A_604 = arith.constant 0 : i32
    %swap3A_605 = arith.index_cast %swap3A_604 : i32 to index
    %swap3A_606 = arith.constant 96 : index
    %swap3A_607 = tpu.vector_load %arg11[%swap3A_605, %swap3A_606] {strides = array<i32>} : memref<32x128xf32, #tpu.memory_space<vmem>>, vector<16xf32>,
    tpu.vector_store %arg11[%swap3A_605, %swap3A_606], %select_n3A_579 {strides = array<i32>} : memref<32x128xf32, #tpu.memory_space<vmem>>, vector<16xf32>,
    %swap3A_608 = arith.constant 0 : i32
    %swap3A_609 = arith.index_cast %swap3A_608 : i32 to index
    %swap3A_610 = arith.constant 112 : index
    %swap3A_611 = tpu.vector_load %arg11[%swap3A_609, %swap3A_610] {strides = array<i32>} : memref<32x128xf32, #tpu.memory_space<vmem>>, vector<16xf32>,
    tpu.vector_store %arg11[%swap3A_609, %swap3A_610], %select_n3A_579 {strides = array<i32>} : memref<32x128xf32, #tpu.memory_space<vmem>>, vector<16xf32>,
    %eq3A_612 = arith.constant 0 : i32
    %eq3A_613 = arith.cmpi eq, %select_n3A_547, %eq3A_612 : i32
    %select_n3A_614 = arith.select %eq3A_613, %add3A_510, %add3A_522 : vector<16xf32>
    %slice3A_615 = vector.extract_strided_slice %select_n3A_614 {offsets = [1], sizes = [1], strides = [1]} : vector<16xf32> to vector<1xf32>
    %squeeze3A_616 = vector.extract %slice3A_615[0] : f32 from vector<1xf32>
    %ge3A_617 = arith.constant 0 : i32
    %ge3A_618 = vector.broadcast %ge3A_617 : i32 to vector<16xi32>
    %ge3A_619 = arith.cmpi sge, %iota3A, %ge3A_618 : vector<16xi32>
    %broadcast_in_dim3A_620 = vector.broadcast %squeeze3A_616 : f32 to vector<16xf32>
    %select_n3A_621 = arith.select %ge3A_619, %broadcast_in_dim3A_620, %broadcast_in_dim3A_0 : vector<16xi1>, vector<16xf32>
    %swap3A_622 = arith.constant 1 : i32
    %swap3A_623 = arith.index_cast %swap3A_622 : i32 to index
    %swap3A_624 = arith.constant 0 : index
    %swap3A_625 = tpu.vector_load %arg11[%swap3A_623, %swap3A_624] {strides = array<i32>} : memref<32x128xf32, #tpu.memory_space<vmem>>, vector<16xf32>,
    tpu.vector_store %arg11[%swap3A_623, %swap3A_624], %select_n3A_621 {strides = array<i32>} : memref<32x128xf32, #tpu.memory_space<vmem>>, vector<16xf32>,
    %swap3A_626 = arith.constant 1 : i32
    %swap3A_627 = arith.index_cast %swap3A_626 : i32 to index
    %swap3A_628 = arith.constant 16 : index
    %swap3A_629 = tpu.vector_load %arg11[%swap3A_627, %swap3A_628] {strides = array<i32>} : memref<32x128xf32, #tpu.memory_space<vmem>>, vector<16xf32>,
    tpu.vector_store %arg11[%swap3A_627, %swap3A_628], %select_n3A_621 {strides = array<i32>} : memref<32x128xf32, #tpu.memory_space<vmem>>, vector<16xf32>,
    %swap3A_630 = arith.constant 1 : i32
    %swap3A_631 = arith.index_cast %swap3A_630 : i32 to index
    %swap3A_632 = arith.constant 32 : index
    %swap3A_633 = tpu.vector_load %arg11[%swap3A_631, %swap3A_632] {strides = array<i32>} : memref<32x128xf32, #tpu.memory_space<vmem>>, vector<16xf32>,
    tpu.vector_store %arg11[%swap3A_631, %swap3A_632], %select_n3A_621 {strides = array<i32>} : memref<32x128xf32, #tpu.memory_space<vmem>>, vector<16xf32>,
    %swap3A_634 = arith.constant 1 : i32
    %swap3A_635 = arith.index_cast %swap3A_634 : i32 to index
    %swap3A_636 = arith.constant 48 : index
    %swap3A_637 = tpu.vector_load %arg11[%swap3A_635, %swap3A_636] {strides = array<i32>} : memref<32x128xf32, #tpu.memory_space<vmem>>, vector<16xf32>,
    tpu.vector_store %arg11[%swap3A_635, %swap3A_636], %select_n3A_621 {strides = array<i32>} : memref<32x128xf32, #tpu.memory_space<vmem>>, vector<16xf32>,
    %swap3A_638 = arith.constant 1 : i32
    %swap3A_639 = arith.index_cast %swap3A_638 : i32 to index
    %swap3A_640 = arith.constant 64 : index
    %swap3A_641 = tpu.vector_load %arg11[%swap3A_639, %swap3A_640] {strides = array<i32>} : memref<32x128xf32, #tpu.memory_space<vmem>>, vector<16xf32>,
    tpu.vector_store %arg11[%swap3A_639, %swap3A_640], %select_n3A_621 {strides = array<i32>} : memref<32x128xf32, #tpu.memory_space<vmem>>, vector<16xf32>,
    %swap3A_642 = arith.constant 1 : i32
    %swap3A_643 = arith.index_cast %swap3A_642 : i32 to index
    %swap3A_644 = arith.constant 80 : index
    %swap3A_645 = tpu.vector_load %arg11[%swap3A_643, %swap3A_644] {strides = array<i32>} : memref<32x128xf32, #tpu.memory_space<vmem>>, vector<16xf32>,
    tpu.vector_store %arg11[%swap3A_643, %swap3A_644], %select_n3A_621 {strides = array<i32>} : memref<32x128xf32, #tpu.memory_space<vmem>>, vector<16xf32>,
    %swap3A_646 = arith.constant 1 : i32
    %swap3A_647 = arith.index_cast %swap3A_646 : i32 to index
    %swap3A_648 = arith.constant 96 : index
    %swap3A_649 = tpu.vector_load %arg11[%swap3A_647, %swap3A_648] {strides = array<i32>} : memref<32x128xf32, #tpu.memory_space<vmem>>, vector<16xf32>,
    tpu.vector_store %arg11[%swap3A_647, %swap3A_648], %select_n3A_621 {strides = array<i32>} : memref<32x128xf32, #tpu.memory_space<vmem>>, vector<16xf32>,
    %swap3A_650 = arith.constant 1 : i32
    %swap3A_651 = arith.index_cast %swap3A_650 : i32 to index
    %swap3A_652 = arith.constant 112 : index
    %swap3A_653 = tpu.vector_load %arg11[%swap3A_651, %swap3A_652] {strides = array<i32>} : memref<32x128xf32, #tpu.memory_space<vmem>>, vector<16xf32>,
    tpu.vector_store %arg11[%swap3A_651, %swap3A_652], %select_n3A_621 {strides = array<i32>} : memref<32x128xf32, #tpu.memory_space<vmem>>, vector<16xf32>,
    %eq3A_654 = arith.constant 0 : i32
    %eq3A_655 = arith.cmpi eq, %select_n3A_547, %eq3A_654 : i32
    %select_n3A_656 = arith.select %eq3A_655, %add3A_510, %add3A_522 : vector<16xf32>
    %slice3A_657 = vector.extract_strided_slice %select_n3A_656 {offsets = [2], sizes = [1], strides = [1]} : vector<16xf32> to vector<1xf32>
    %squeeze3A_658 = vector.extract %slice3A_657[0] : f32 from vector<1xf32>
    %ge3A_659 = arith.constant 0 : i32
    %ge3A_660 = vector.broadcast %ge3A_659 : i32 to vector<16xi32>
    %ge3A_661 = arith.cmpi sge, %iota3A, %ge3A_660 : vector<16xi32>
    %broadcast_in_dim3A_662 = vector.broadcast %squeeze3A_658 : f32 to vector<16xf32>
    %select_n3A_663 = arith.select %ge3A_661, %broadcast_in_dim3A_662, %broadcast_in_dim3A_0 : vector<16xi1>, vector<16xf32>
    %swap3A_664 = arith.constant 2 : i32
    %swap3A_665 = arith.index_cast %swap3A_664 : i32 to index
    %swap3A_666 = arith.constant 0 : index
    %swap3A_667 = tpu.vector_load %arg11[%swap3A_665, %swap3A_666] {strides = array<i32>} : memref<32x128xf32, #tpu.memory_space<vmem>>, vector<16xf32>,
    tpu.vector_store %arg11[%swap3A_665, %swap3A_666], %select_n3A_663 {strides = array<i32>} : memref<32x128xf32, #tpu.memory_space<vmem>>, vector<16xf32>,
    %swap3A_668 = arith.constant 2 : i32
    %swap3A_669 = arith.index_cast %swap3A_668 : i32 to index
    %swap3A_670 = arith.constant 16 : index
    %swap3A_671 = tpu.vector_load %arg11[%swap3A_669, %swap3A_670] {strides = array<i32>} : memref<32x128xf32, #tpu.memory_space<vmem>>, vector<16xf32>,
    tpu.vector_store %arg11[%swap3A_669, %swap3A_670], %select_n3A_663 {strides = array<i32>} : memref<32x128xf32, #tpu.memory_space<vmem>>, vector<16xf32>,
    %swap3A_672 = arith.constant 2 : i32
    %swap3A_673 = arith.index_cast %swap3A_672 : i32 to index
    %swap3A_674 = arith.constant 32 : index
    %swap3A_675 = tpu.vector_load %arg11[%swap3A_673, %swap3A_674] {strides = array<i32>} : memref<32x128xf32, #tpu.memory_space<vmem>>, vector<16xf32>,
    tpu.vector_store %arg11[%swap3A_673, %swap3A_674], %select_n3A_663 {strides = array<i32>} : memref<32x128xf32, #tpu.memory_space<vmem>>, vector<16xf32>,
    %swap3A_676 = arith.constant 2 : i32
    %swap3A_677 = arith.index_cast %swap3A_676 : i32 to index
    %swap3A_678 = arith.constant 48 : index
    %swap3A_679 = tpu.vector_load %arg11[%swap3A_677, %swap3A_678] {strides = array<i32>} : memref<32x128xf32, #tpu.memory_space<vmem>>, vector<16xf32>,
    tpu.vector_store %arg11[%swap3A_677, %swap3A_678], %select_n3A_663 {strides = array<i32>} : memref<32x128xf32, #tpu.memory_space<vmem>>, vector<16xf32>,
    %swap3A_680 = arith.constant 2 : i32
    %swap3A_681 = arith.index_cast %swap3A_680 : i32 to index
    %swap3A_682 = arith.constant 64 : index
    %swap3A_683 = tpu.vector_load %arg11[%swap3A_681, %swap3A_682] {strides = array<i32>} : memref<32x128xf32, #tpu.memory_space<vmem>>, vector<16xf32>,
    tpu.vector_store %arg11[%swap3A_681, %swap3A_682], %select_n3A_663 {strides = array<i32>} : memref<32x128xf32, #tpu.memory_space<vmem>>, vector<16xf32>,
    %swap3A_684 = arith.constant 2 : i32
    %swap3A_685 = arith.index_cast %swap3A_684 : i32 to index
    %swap3A_686 = arith.constant 80 : index
    %swap3A_687 = tpu.vector_load %arg11[%swap3A_685, %swap3A_686] {strides = array<i32>} : memref<32x128xf32, #tpu.memory_space<vmem>>, vector<16xf32>,
    tpu.vector_store %arg11[%swap3A_685, %swap3A_686], %select_n3A_663 {strides = array<i32>} : memref<32x128xf32, #tpu.memory_space<vmem>>, vector<16xf32>,
    %swap3A_688 = arith.constant 2 : i32
    %swap3A_689 = arith.index_cast %swap3A_688 : i32 to index
    %swap3A_690 = arith.constant 96 : index
    %swap3A_691 = tpu.vector_load %arg11[%swap3A_689, %swap3A_690] {strides = array<i32>} : memref<32x128xf32, #tpu.memory_space<vmem>>, vector<16xf32>,
    tpu.vector_store %arg11[%swap3A_689, %swap3A_690], %select_n3A_663 {strides = array<i32>} : memref<32x128xf32, #tpu.memory_space<vmem>>, vector<16xf32>,
    %swap3A_692 = arith.constant 2 : i32
    %swap3A_693 = arith.index_cast %swap3A_692 : i32 to index
    %swap3A_694 = arith.constant 112 : index
    %swap3A_695 = tpu.vector_load %arg11[%swap3A_693, %swap3A_694] {strides = array<i32>} : memref<32x128xf32, #tpu.memory_space<vmem>>, vector<16xf32>,
    tpu.vector_store %arg11[%swap3A_693, %swap3A_694], %select_n3A_663 {strides = array<i32>} : memref<32x128xf32, #tpu.memory_space<vmem>>, vector<16xf32>,
    %eq3A_696 = arith.constant 0 : i32
    %eq3A_697 = arith.cmpi eq, %select_n3A_547, %eq3A_696 : i32
    %select_n3A_698 = arith.select %eq3A_697, %add3A_510, %add3A_522 : vector<16xf32>
    %slice3A_699 = vector.extract_strided_slice %select_n3A_698 {offsets = [3], sizes = [1], strides = [1]} : vector<16xf32> to vector<1xf32>
    %squeeze3A_700 = vector.extract %slice3A_699[0] : f32 from vector<1xf32>
    %ge3A_701 = arith.constant 0 : i32
    %ge3A_702 = vector.broadcast %ge3A_701 : i32 to vector<16xi32>
    %ge3A_703 = arith.cmpi sge, %iota3A, %ge3A_702 : vector<16xi32>
    %broadcast_in_dim3A_704 = vector.broadcast %squeeze3A_700 : f32 to vector<16xf32>
    %select_n3A_705 = arith.select %ge3A_703, %broadcast_in_dim3A_704, %broadcast_in_dim3A_0 : vector<16xi1>, vector<16xf32>
    %swap3A_706 = arith.constant 3 : i32
    %swap3A_707 = arith.index_cast %swap3A_706 : i32 to index
    %swap3A_708 = arith.constant 0 : index
    %swap3A_709 = tpu.vector_load %arg11[%swap3A_707, %swap3A_708] {strides = array<i32>} : memref<32x128xf32, #tpu.memory_space<vmem>>, vector<16xf32>,
    tpu.vector_store %arg11[%swap3A_707, %swap3A_708], %select_n3A_705 {strides = array<i32>} : memref<32x128xf32, #tpu.memory_space<vmem>>, vector<16xf32>,
    %swap3A_710 = arith.constant 3 : i32
    %swap3A_711 = arith.index_cast %swap3A_710 : i32 to index
    %swap3A_712 = arith.constant 16 : index
    %swap3A_713 = tpu.vector_load %arg11[%swap3A_711, %swap3A_712] {strides = array<i32>} : memref<32x128xf32, #tpu.memory_space<vmem>>, vector<16xf32>,
    tpu.vector_store %arg11[%swap3A_711, %swap3A_712], %select_n3A_705 {strides = array<i32>} : memref<32x128xf32, #tpu.memory_space<vmem>>, vector<16xf32>,
    %swap3A_714 = arith.constant 3 : i32
    %swap3A_715 = arith.index_cast %swap3A_714 : i32 to index
    %swap3A_716 = arith.constant 32 : index
    %swap3A_717 = tpu.vector_load %arg11[%swap3A_715, %swap3A_716] {strides = array<i32>} : memref<32x128xf32, #tpu.memory_space<vmem>>, vector<16xf32>,
    tpu.vector_store %arg11[%swap3A_715, %swap3A_716], %select_n3A_705 {strides = array<i32>} : memref<32x128xf32, #tpu.memory_space<vmem>>, vector<16xf32>,
    %swap3A_718 = arith.constant 3 : i32
    %swap3A_719 = arith.index_cast %swap3A_718 : i32 to index
    %swap3A_720 = arith.constant 48 : index
    %swap3A_721 = tpu.vector_load %arg11[%swap3A_719, %swap3A_720] {strides = array<i32>} : memref<32x128xf32, #tpu.memory_space<vmem>>, vector<16xf32>,
    tpu.vector_store %arg11[%swap3A_719, %swap3A_720], %select_n3A_705 {strides = array<i32>} : memref<32x128xf32, #tpu.memory_space<vmem>>, vector<16xf32>,
    %swap3A_722 = arith.constant 3 : i32
    %swap3A_723 = arith.index_cast %swap3A_722 : i32 to index
    %swap3A_724 = arith.constant 64 : index
    %swap3A_725 = tpu.vector_load %arg11[%swap3A_723, %swap3A_724] {strides = array<i32>} : memref<32x128xf32, #tpu.memory_space<vmem>>, vector<16xf32>,
    tpu.vector_store %arg11[%swap3A_723, %swap3A_724], %select_n3A_705 {strides = array<i32>} : memref<32x128xf32, #tpu.memory_space<vmem>>, vector<16xf32>,
    %swap3A_726 = arith.constant 3 : i32
    %swap3A_727 = arith.index_cast %swap3A_726 : i32 to index
    %swap3A_728 = arith.constant 80 : index
    %swap3A_729 = tpu.vector_load %arg11[%swap3A_727, %swap3A_728] {strides = array<i32>} : memref<32x128xf32, #tpu.memory_space<vmem>>, vector<16xf32>,
    tpu.vector_store %arg11[%swap3A_727, %swap3A_728], %select_n3A_705 {strides = array<i32>} : memref<32x128xf32, #tpu.memory_space<vmem>>, vector<16xf32>,
    %swap3A_730 = arith.constant 3 : i32
    %swap3A_731 = arith.index_cast %swap3A_730 : i32 to index
    %swap3A_732 = arith.constant 96 : index
    %swap3A_733 = tpu.vector_load %arg11[%swap3A_731, %swap3A_732] {strides = array<i32>} : memref<32x128xf32, #tpu.memory_space<vmem>>, vector<16xf32>,
    tpu.vector_store %arg11[%swap3A_731, %swap3A_732], %select_n3A_705 {strides = array<i32>} : memref<32x128xf32, #tpu.memory_space<vmem>>, vector<16xf32>,
    %swap3A_734 = arith.constant 3 : i32
    %swap3A_735 = arith.index_cast %swap3A_734 : i32 to index
    %swap3A_736 = arith.constant 112 : index
    %swap3A_737 = tpu.vector_load %arg11[%swap3A_735, %swap3A_736] {strides = array<i32>} : memref<32x128xf32, #tpu.memory_space<vmem>>, vector<16xf32>,
    tpu.vector_store %arg11[%swap3A_735, %swap3A_736], %select_n3A_705 {strides = array<i32>} : memref<32x128xf32, #tpu.memory_space<vmem>>, vector<16xf32>,
    %eq3A_738 = arith.constant 0 : i32
    %eq3A_739 = arith.cmpi eq, %select_n3A_547, %eq3A_738 : i32
    %select_n3A_740 = arith.select %eq3A_739, %add3A_510, %add3A_522 : vector<16xf32>
    %slice3A_741 = vector.extract_strided_slice %select_n3A_740 {offsets = [4], sizes = [1], strides = [1]} : vector<16xf32> to vector<1xf32>
    %squeeze3A_742 = vector.extract %slice3A_741[0] : f32 from vector<1xf32>
    %ge3A_743 = arith.constant 0 : i32
    %ge3A_744 = vector.broadcast %ge3A_743 : i32 to vector<16xi32>
    %ge3A_745 = arith.cmpi sge, %iota3A, %ge3A_744 : vector<16xi32>
    %broadcast_in_dim3A_746 = vector.broadcast %squeeze3A_742 : f32 to vector<16xf32>
    %select_n3A_747 = arith.select %ge3A_745, %broadcast_in_dim3A_746, %broadcast_in_dim3A_0 : vector<16xi1>, vector<16xf32>
    %swap3A_748 = arith.constant 4 : i32
    %swap3A_749 = arith.index_cast %swap3A_748 : i32 to index
    %swap3A_750 = arith.constant 0 : index
    %swap3A_751 = tpu.vector_load %arg11[%swap3A_749, %swap3A_750] {strides = array<i32>} : memref<32x128xf32, #tpu.memory_space<vmem>>, vector<16xf32>,
    tpu.vector_store %arg11[%swap3A_749, %swap3A_750], %select_n3A_747 {strides = array<i32>} : memref<32x128xf32, #tpu.memory_space<vmem>>, vector<16xf32>,
    %swap3A_752 = arith.constant 4 : i32
    %swap3A_753 = arith.index_cast %swap3A_752 : i32 to index
    %swap3A_754 = arith.constant 16 : index
    %swap3A_755 = tpu.vector_load %arg11[%swap3A_753, %swap3A_754] {strides = array<i32>} : memref<32x128xf32, #tpu.memory_space<vmem>>, vector<16xf32>,
    tpu.vector_store %arg11[%swap3A_753, %swap3A_754], %select_n3A_747 {strides = array<i32>} : memref<32x128xf32, #tpu.memory_space<vmem>>, vector<16xf32>,
    %swap3A_756 = arith.constant 4 : i32
    %swap3A_757 = arith.index_cast %swap3A_756 : i32 to index
    %swap3A_758 = arith.constant 32 : index
    %swap3A_759 = tpu.vector_load %arg11[%swap3A_757, %swap3A_758] {strides = array<i32>} : memref<32x128xf32, #tpu.memory_space<vmem>>, vector<16xf32>,
    tpu.vector_store %arg11[%swap3A_757, %swap3A_758], %select_n3A_747 {strides = array<i32>} : memref<32x128xf32, #tpu.memory_space<vmem>>, vector<16xf32>,
    %swap3A_760 = arith.constant 4 : i32
    %swap3A_761 = arith.index_cast %swap3A_760 : i32 to index
    %swap3A_762 = arith.constant 48 : index
    %swap3A_763 = tpu.vector_load %arg11[%swap3A_761, %swap3A_762] {strides = array<i32>} : memref<32x128xf32, #tpu.memory_space<vmem>>, vector<16xf32>,
    tpu.vector_store %arg11[%swap3A_761, %swap3A_762], %select_n3A_747 {strides = array<i32>} : memref<32x128xf32, #tpu.memory_space<vmem>>, vector<16xf32>,
    %swap3A_764 = arith.constant 4 : i32
    %swap3A_765 = arith.index_cast %swap3A_764 : i32 to index
    %swap3A_766 = arith.constant 64 : index
    %swap3A_767 = tpu.vector_load %arg11[%swap3A_765, %swap3A_766] {strides = array<i32>} : memref<32x128xf32, #tpu.memory_space<vmem>>, vector<16xf32>,
    tpu.vector_store %arg11[%swap3A_765, %swap3A_766], %select_n3A_747 {strides = array<i32>} : memref<32x128xf32, #tpu.memory_space<vmem>>, vector<16xf32>,
    %swap3A_768 = arith.constant 4 : i32
    %swap3A_769 = arith.index_cast %swap3A_768 : i32 to index
    %swap3A_770 = arith.constant 80 : index
    %swap3A_771 = tpu.vector_load %arg11[%swap3A_769, %swap3A_770] {strides = array<i32>} : memref<32x128xf32, #tpu.memory_space<vmem>>, vector<16xf32>,
    tpu.vector_store %arg11[%swap3A_769, %swap3A_770], %select_n3A_747 {strides = array<i32>} : memref<32x128xf32, #tpu.memory_space<vmem>>, vector<16xf32>,
    %swap3A_772 = arith.constant 4 : i32
    %swap3A_773 = arith.index_cast %swap3A_772 : i32 to index
    %swap3A_774 = arith.constant 96 : index
    %swap3A_775 = tpu.vector_load %arg11[%swap3A_773, %swap3A_774] {strides = array<i32>} : memref<32x128xf32, #tpu.memory_space<vmem>>, vector<16xf32>,
    tpu.vector_store %arg11[%swap3A_773, %swap3A_774], %select_n3A_747 {strides = array<i32>} : memref<32x128xf32, #tpu.memory_space<vmem>>, vector<16xf32>,
    %swap3A_776 = arith.constant 4 : i32
    %swap3A_777 = arith.index_cast %swap3A_776 : i32 to index
    %swap3A_778 = arith.constant 112 : index
    %swap3A_779 = tpu.vector_load %arg11[%swap3A_777, %swap3A_778] {strides = array<i32>} : memref<32x128xf32, #tpu.memory_space<vmem>>, vector<16xf32>,
    tpu.vector_store %arg11[%swap3A_777, %swap3A_778], %select_n3A_747 {strides = array<i32>} : memref<32x128xf32, #tpu.memory_space<vmem>>, vector<16xf32>,
    %eq3A_780 = arith.constant 0 : i32
    %eq3A_781 = arith.cmpi eq, %select_n3A_547, %eq3A_780 : i32
    %select_n3A_782 = arith.select %eq3A_781, %add3A_510, %add3A_522 : vector<16xf32>
    %slice3A_783 = vector.extract_strided_slice %select_n3A_782 {offsets = [5], sizes = [1], strides = [1]} : vector<16xf32> to vector<1xf32>
    %squeeze3A_784 = vector.extract %slice3A_783[0] : f32 from vector<1xf32>
    %ge3A_785 = arith.constant 0 : i32
    %ge3A_786 = vector.broadcast %ge3A_785 : i32 to vector<16xi32>
    %ge3A_787 = arith.cmpi sge, %iota3A, %ge3A_786 : vector<16xi32>
    %broadcast_in_dim3A_788 = vector.broadcast %squeeze3A_784 : f32 to vector<16xf32>
    %select_n3A_789 = arith.select %ge3A_787, %broadcast_in_dim3A_788, %broadcast_in_dim3A_0 : vector<16xi1>, vector<16xf32>
    %swap3A_790 = arith.constant 5 : i32
    %swap3A_791 = arith.index_cast %swap3A_790 : i32 to index
    %swap3A_792 = arith.constant 0 : index
    %swap3A_793 = tpu.vector_load %arg11[%swap3A_791, %swap3A_792] {strides = array<i32>} : memref<32x128xf32, #tpu.memory_space<vmem>>, vector<16xf32>,
    tpu.vector_store %arg11[%swap3A_791, %swap3A_792], %select_n3A_789 {strides = array<i32>} : memref<32x128xf32, #tpu.memory_space<vmem>>, vector<16xf32>,
    %swap3A_794 = arith.constant 5 : i32
    %swap3A_795 = arith.index_cast %swap3A_794 : i32 to index
    %swap3A_796 = arith.constant 16 : index
    %swap3A_797 = tpu.vector_load %arg11[%swap3A_795, %swap3A_796] {strides = array<i32>} : memref<32x128xf32, #tpu.memory_space<vmem>>, vector<16xf32>,
    tpu.vector_store %arg11[%swap3A_795, %swap3A_796], %select_n3A_789 {strides = array<i32>} : memref<32x128xf32, #tpu.memory_space<vmem>>, vector<16xf32>,
    %swap3A_798 = arith.constant 5 : i32
    %swap3A_799 = arith.index_cast %swap3A_798 : i32 to index
    %swap3A_800 = arith.constant 32 : index
    %swap3A_801 = tpu.vector_load %arg11[%swap3A_799, %swap3A_800] {strides = array<i32>} : memref<32x128xf32, #tpu.memory_space<vmem>>, vector<16xf32>,
    tpu.vector_store %arg11[%swap3A_799, %swap3A_800], %select_n3A_789 {strides = array<i32>} : memref<32x128xf32, #tpu.memory_space<vmem>>, vector<16xf32>,
    %swap3A_802 = arith.constant 5 : i32
    %swap3A_803 = arith.index_cast %swap3A_802 : i32 to index
    %swap3A_804 = arith.constant 48 : index
    %swap3A_805 = tpu.vector_load %arg11[%swap3A_803, %swap3A_804] {strides = array<i32>} : memref<32x128xf32, #tpu.memory_space<vmem>>, vector<16xf32>,
    tpu.vector_store %arg11[%swap3A_803, %swap3A_804], %select_n3A_789 {strides = array<i32>} : memref<32x128xf32, #tpu.memory_space<vmem>>, vector<16xf32>,
    %swap3A_806 = arith.constant 5 : i32
    %swap3A_807 = arith.index_cast %swap3A_806 : i32 to index
    %swap3A_808 = arith.constant 64 : index
    %swap3A_809 = tpu.vector_load %arg11[%swap3A_807, %swap3A_808] {strides = array<i32>} : memref<32x128xf32, #tpu.memory_space<vmem>>, vector<16xf32>,
    tpu.vector_store %arg11[%swap3A_807, %swap3A_808], %select_n3A_789 {strides = array<i32>} : memref<32x128xf32, #tpu.memory_space<vmem>>, vector<16xf32>,
    %swap3A_810 = arith.constant 5 : i32
    %swap3A_811 = arith.index_cast %swap3A_810 : i32 to index
    %swap3A_812 = arith.constant 80 : index
    %swap3A_813 = tpu.vector_load %arg11[%swap3A_811, %swap3A_812] {strides = array<i32>} : memref<32x128xf32, #tpu.memory_space<vmem>>, vector<16xf32>,
    tpu.vector_store %arg11[%swap3A_811, %swap3A_812], %select_n3A_789 {strides = array<i32>} : memref<32x128xf32, #tpu.memory_space<vmem>>, vector<16xf32>,
    %swap3A_814 = arith.constant 5 : i32
    %swap3A_815 = arith.index_cast %swap3A_814 : i32 to index
    %swap3A_816 = arith.constant 96 : index
    %swap3A_817 = tpu.vector_load %arg11[%swap3A_815, %swap3A_816] {strides = array<i32>} : memref<32x128xf32, #tpu.memory_space<vmem>>, vector<16xf32>,
    tpu.vector_store %arg11[%swap3A_815, %swap3A_816], %select_n3A_789 {strides = array<i32>} : memref<32x128xf32, #tpu.memory_space<vmem>>, vector<16xf32>,
    %swap3A_818 = arith.constant 5 : i32
    %swap3A_819 = arith.index_cast %swap3A_818 : i32 to index
    %swap3A_820 = arith.constant 112 : index
    %swap3A_821 = tpu.vector_load %arg11[%swap3A_819, %swap3A_820] {strides = array<i32>} : memref<32x128xf32, #tpu.memory_space<vmem>>, vector<16xf32>,
    tpu.vector_store %arg11[%swap3A_819, %swap3A_820], %select_n3A_789 {strides = array<i32>} : memref<32x128xf32, #tpu.memory_space<vmem>>, vector<16xf32>,
    %eq3A_822 = arith.constant 0 : i32
    %eq3A_823 = arith.cmpi eq, %select_n3A_547, %eq3A_822 : i32
    %select_n3A_824 = arith.select %eq3A_823, %add3A_510, %add3A_522 : vector<16xf32>
    %slice3A_825 = vector.extract_strided_slice %select_n3A_824 {offsets = [6], sizes = [1], strides = [1]} : vector<16xf32> to vector<1xf32>
    %squeeze3A_826 = vector.extract %slice3A_825[0] : f32 from vector<1xf32>
    %ge3A_827 = arith.constant 0 : i32
    %ge3A_828 = vector.broadcast %ge3A_827 : i32 to vector<16xi32>
    %ge3A_829 = arith.cmpi sge, %iota3A, %ge3A_828 : vector<16xi32>
    %broadcast_in_dim3A_830 = vector.broadcast %squeeze3A_826 : f32 to vector<16xf32>
    %select_n3A_831 = arith.select %ge3A_829, %broadcast_in_dim3A_830, %broadcast_in_dim3A_0 : vector<16xi1>, vector<16xf32>
    %swap3A_832 = arith.constant 6 : i32
    %swap3A_833 = arith.index_cast %swap3A_832 : i32 to index
    %swap3A_834 = arith.constant 0 : index
    %swap3A_835 = tpu.vector_load %arg11[%swap3A_833, %swap3A_834] {strides = array<i32>} : memref<32x128xf32, #tpu.memory_space<vmem>>, vector<16xf32>,
    tpu.vector_store %arg11[%swap3A_833, %swap3A_834], %select_n3A_831 {strides = array<i32>} : memref<32x128xf32, #tpu.memory_space<vmem>>, vector<16xf32>,
    %swap3A_836 = arith.constant 6 : i32
    %swap3A_837 = arith.index_cast %swap3A_836 : i32 to index
    %swap3A_838 = arith.constant 16 : index
    %swap3A_839 = tpu.vector_load %arg11[%swap3A_837, %swap3A_838] {strides = array<i32>} : memref<32x128xf32, #tpu.memory_space<vmem>>, vector<16xf32>,
    tpu.vector_store %arg11[%swap3A_837, %swap3A_838], %select_n3A_831 {strides = array<i32>} : memref<32x128xf32, #tpu.memory_space<vmem>>, vector<16xf32>,
    %swap3A_840 = arith.constant 6 : i32
    %swap3A_841 = arith.index_cast %swap3A_840 : i32 to index
    %swap3A_842 = arith.constant 32 : index
    %swap3A_843 = tpu.vector_load %arg11[%swap3A_841, %swap3A_842] {strides = array<i32>} : memref<32x128xf32, #tpu.memory_space<vmem>>, vector<16xf32>,
    tpu.vector_store %arg11[%swap3A_841, %swap3A_842], %select_n3A_831 {strides = array<i32>} : memref<32x128xf32, #tpu.memory_space<vmem>>, vector<16xf32>,
    %swap3A_844 = arith.constant 6 : i32
    %swap3A_845 = arith.index_cast %swap3A_844 : i32 to index
    %swap3A_846 = arith.constant 48 : index
    %swap3A_847 = tpu.vector_load %arg11[%swap3A_845, %swap3A_846] {strides = array<i32>} : memref<32x128xf32, #tpu.memory_space<vmem>>, vector<16xf32>,
    tpu.vector_store %arg11[%swap3A_845, %swap3A_846], %select_n3A_831 {strides = array<i32>} : memref<32x128xf32, #tpu.memory_space<vmem>>, vector<16xf32>,
    %swap3A_848 = arith.constant 6 : i32
    %swap3A_849 = arith.index_cast %swap3A_848 : i32 to index
    %swap3A_850 = arith.constant 64 : index
    %swap3A_851 = tpu.vector_load %arg11[%swap3A_849, %swap3A_850] {strides = array<i32>} : memref<32x128xf32, #tpu.memory_space<vmem>>, vector<16xf32>,
    tpu.vector_store %arg11[%swap3A_849, %swap3A_850], %select_n3A_831 {strides = array<i32>} : memref<32x128xf32, #tpu.memory_space<vmem>>, vector<16xf32>,
    %swap3A_852 = arith.constant 6 : i32
    %swap3A_853 = arith.index_cast %swap3A_852 : i32 to index
    %swap3A_854 = arith.constant 80 : index
    %swap3A_855 = tpu.vector_load %arg11[%swap3A_853, %swap3A_854] {strides = array<i32>} : memref<32x128xf32, #tpu.memory_space<vmem>>, vector<16xf32>,
    tpu.vector_store %arg11[%swap3A_853, %swap3A_854], %select_n3A_831 {strides = array<i32>} : memref<32x128xf32, #tpu.memory_space<vmem>>, vector<16xf32>,
    %swap3A_856 = arith.constant 6 : i32
    %swap3A_857 = arith.index_cast %swap3A_856 : i32 to index
    %swap3A_858 = arith.constant 96 : index
    %swap3A_859 = tpu.vector_load %arg11[%swap3A_857, %swap3A_858] {strides = array<i32>} : memref<32x128xf32, #tpu.memory_space<vmem>>, vector<16xf32>,
    tpu.vector_store %arg11[%swap3A_857, %swap3A_858], %select_n3A_831 {strides = array<i32>} : memref<32x128xf32, #tpu.memory_space<vmem>>, vector<16xf32>,
    %swap3A_860 = arith.constant 6 : i32
    %swap3A_861 = arith.index_cast %swap3A_860 : i32 to index
    %swap3A_862 = arith.constant 112 : index
    %swap3A_863 = tpu.vector_load %arg11[%swap3A_861, %swap3A_862] {strides = array<i32>} : memref<32x128xf32, #tpu.memory_space<vmem>>, vector<16xf32>,
    tpu.vector_store %arg11[%swap3A_861, %swap3A_862], %select_n3A_831 {strides = array<i32>} : memref<32x128xf32, #tpu.memory_space<vmem>>, vector<16xf32>,
    %eq3A_864 = arith.constant 0 : i32
    %eq3A_865 = arith.cmpi eq, %select_n3A_547, %eq3A_864 : i32
    %select_n3A_866 = arith.select %eq3A_865, %add3A_510, %add3A_522 : vector<16xf32>
    %slice3A_867 = vector.extract_strided_slice %select_n3A_866 {offsets = [7], sizes = [1], strides = [1]} : vector<16xf32> to vector<1xf32>
    %squeeze3A_868 = vector.extract %slice3A_867[0] : f32 from vector<1xf32>
    %ge3A_869 = arith.constant 0 : i32
    %ge3A_870 = vector.broadcast %ge3A_869 : i32 to vector<16xi32>
    %ge3A_871 = arith.cmpi sge, %iota3A, %ge3A_870 : vector<16xi32>
    %broadcast_in_dim3A_872 = vector.broadcast %squeeze3A_868 : f32 to vector<16xf32>
    %select_n3A_873 = arith.select %ge3A_871, %broadcast_in_dim3A_872, %broadcast_in_dim3A_0 : vector<16xi1>, vector<16xf32>
    %swap3A_874 = arith.constant 7 : i32
    %swap3A_875 = arith.index_cast %swap3A_874 : i32 to index
    %swap3A_876 = arith.constant 0 : index
    %swap3A_877 = tpu.vector_load %arg11[%swap3A_875, %swap3A_876] {strides = array<i32>} : memref<32x128xf32, #tpu.memory_space<vmem>>, vector<16xf32>,
    tpu.vector_store %arg11[%swap3A_875, %swap3A_876], %select_n3A_873 {strides = array<i32>} : memref<32x128xf32, #tpu.memory_space<vmem>>, vector<16xf32>,
    %swap3A_878 = arith.constant 7 : i32
    %swap3A_879 = arith.index_cast %swap3A_878 : i32 to index
    %swap3A_880 = arith.constant 16 : index
    %swap3A_881 = tpu.vector_load %arg11[%swap3A_879, %swap3A_880] {strides = array<i32>} : memref<32x128xf32, #tpu.memory_space<vmem>>, vector<16xf32>,
    tpu.vector_store %arg11[%swap3A_879, %swap3A_880], %select_n3A_873 {strides = array<i32>} : memref<32x128xf32, #tpu.memory_space<vmem>>, vector<16xf32>,
    %swap3A_882 = arith.constant 7 : i32
    %swap3A_883 = arith.index_cast %swap3A_882 : i32 to index
    %swap3A_884 = arith.constant 32 : index
    %swap3A_885 = tpu.vector_load %arg11[%swap3A_883, %swap3A_884] {strides = array<i32>} : memref<32x128xf32, #tpu.memory_space<vmem>>, vector<16xf32>,
    tpu.vector_store %arg11[%swap3A_883, %swap3A_884], %select_n3A_873 {strides = array<i32>} : memref<32x128xf32, #tpu.memory_space<vmem>>, vector<16xf32>,
    %swap3A_886 = arith.constant 7 : i32
    %swap3A_887 = arith.index_cast %swap3A_886 : i32 to index
    %swap3A_888 = arith.constant 48 : index
    %swap3A_889 = tpu.vector_load %arg11[%swap3A_887, %swap3A_888] {strides = array<i32>} : memref<32x128xf32, #tpu.memory_space<vmem>>, vector<16xf32>,
    tpu.vector_store %arg11[%swap3A_887, %swap3A_888], %select_n3A_873 {strides = array<i32>} : memref<32x128xf32, #tpu.memory_space<vmem>>, vector<16xf32>,
    %swap3A_890 = arith.constant 7 : i32
    %swap3A_891 = arith.index_cast %swap3A_890 : i32 to index
    %swap3A_892 = arith.constant 64 : index
    %swap3A_893 = tpu.vector_load %arg11[%swap3A_891, %swap3A_892] {strides = array<i32>} : memref<32x128xf32, #tpu.memory_space<vmem>>, vector<16xf32>,
    tpu.vector_store %arg11[%swap3A_891, %swap3A_892], %select_n3A_873 {strides = array<i32>} : memref<32x128xf32, #tpu.memory_space<vmem>>, vector<16xf32>,
    %swap3A_894 = arith.constant 7 : i32
    %swap3A_895 = arith.index_cast %swap3A_894 : i32 to index
    %swap3A_896 = arith.constant 80 : index
    %swap3A_897 = tpu.vector_load %arg11[%swap3A_895, %swap3A_896] {strides = array<i32>} : memref<32x128xf32, #tpu.memory_space<vmem>>, vector<16xf32>,
    tpu.vector_store %arg11[%swap3A_895, %swap3A_896], %select_n3A_873 {strides = array<i32>} : memref<32x128xf32, #tpu.memory_space<vmem>>, vector<16xf32>,
    %swap3A_898 = arith.constant 7 : i32
    %swap3A_899 = arith.index_cast %swap3A_898 : i32 to index
    %swap3A_900 = arith.constant 96 : index
    %swap3A_901 = tpu.vector_load %arg11[%swap3A_899, %swap3A_900] {strides = array<i32>} : memref<32x128xf32, #tpu.memory_space<vmem>>, vector<16xf32>,
    tpu.vector_store %arg11[%swap3A_899, %swap3A_900], %select_n3A_873 {strides = array<i32>} : memref<32x128xf32, #tpu.memory_space<vmem>>, vector<16xf32>,
    %swap3A_902 = arith.constant 7 : i32
    %swap3A_903 = arith.index_cast %swap3A_902 : i32 to index
    %swap3A_904 = arith.constant 112 : index
    %swap3A_905 = tpu.vector_load %arg11[%swap3A_903, %swap3A_904] {strides = array<i32>} : memref<32x128xf32, #tpu.memory_space<vmem>>, vector<16xf32>,
    tpu.vector_store %arg11[%swap3A_903, %swap3A_904], %select_n3A_873 {strides = array<i32>} : memref<32x128xf32, #tpu.memory_space<vmem>>, vector<16xf32>,
    %eq3A_906 = arith.constant 0 : i32
    %eq3A_907 = arith.cmpi eq, %select_n3A_547, %eq3A_906 : i32
    %select_n3A_908 = arith.select %eq3A_907, %add3A_510, %add3A_522 : vector<16xf32>
    %slice3A_909 = vector.extract_strided_slice %select_n3A_908 {offsets = [8], sizes = [1], strides = [1]} : vector<16xf32> to vector<1xf32>
    %squeeze3A_910 = vector.extract %slice3A_909[0] : f32 from vector<1xf32>
    %ge3A_911 = arith.constant 0 : i32
    %ge3A_912 = vector.broadcast %ge3A_911 : i32 to vector<16xi32>
    %ge3A_913 = arith.cmpi sge, %iota3A, %ge3A_912 : vector<16xi32>
    %broadcast_in_dim3A_914 = vector.broadcast %squeeze3A_910 : f32 to vector<16xf32>
    %select_n3A_915 = arith.select %ge3A_913, %broadcast_in_dim3A_914, %broadcast_in_dim3A_0 : vector<16xi1>, vector<16xf32>
    %swap3A_916 = arith.constant 8 : i32
    %swap3A_917 = arith.index_cast %swap3A_916 : i32 to index
    %swap3A_918 = arith.constant 0 : index
    %swap3A_919 = tpu.vector_load %arg11[%swap3A_917, %swap3A_918] {strides = array<i32>} : memref<32x128xf32, #tpu.memory_space<vmem>>, vector<16xf32>,
    tpu.vector_store %arg11[%swap3A_917, %swap3A_918], %select_n3A_915 {strides = array<i32>} : memref<32x128xf32, #tpu.memory_space<vmem>>, vector<16xf32>,
    %swap3A_920 = arith.constant 8 : i32
    %swap3A_921 = arith.index_cast %swap3A_920 : i32 to index
    %swap3A_922 = arith.constant 16 : index
    %swap3A_923 = tpu.vector_load %arg11[%swap3A_921, %swap3A_922] {strides = array<i32>} : memref<32x128xf32, #tpu.memory_space<vmem>>, vector<16xf32>,
    tpu.vector_store %arg11[%swap3A_921, %swap3A_922], %select_n3A_915 {strides = array<i32>} : memref<32x128xf32, #tpu.memory_space<vmem>>, vector<16xf32>,
    %swap3A_924 = arith.constant 8 : i32
    %swap3A_925 = arith.index_cast %swap3A_924 : i32 to index
    %swap3A_926 = arith.constant 32 : index
    %swap3A_927 = tpu.vector_load %arg11[%swap3A_925, %swap3A_926] {strides = array<i32>} : memref<32x128xf32, #tpu.memory_space<vmem>>, vector<16xf32>,
    tpu.vector_store %arg11[%swap3A_925, %swap3A_926], %select_n3A_915 {strides = array<i32>} : memref<32x128xf32, #tpu.memory_space<vmem>>, vector<16xf32>,
    %swap3A_928 = arith.constant 8 : i32
    %swap3A_929 = arith.index_cast %swap3A_928 : i32 to index
    %swap3A_930 = arith.constant 48 : index
    %swap3A_931 = tpu.vector_load %arg11[%swap3A_929, %swap3A_930] {strides = array<i32>} : memref<32x128xf32, #tpu.memory_space<vmem>>, vector<16xf32>,
    tpu.vector_store %arg11[%swap3A_929, %swap3A_930], %select_n3A_915 {strides = array<i32>} : memref<32x128xf32, #tpu.memory_space<vmem>>, vector<16xf32>,
    %swap3A_932 = arith.constant 8 : i32
    %swap3A_933 = arith.index_cast %swap3A_932 : i32 to index
    %swap3A_934 = arith.constant 64 : index
    %swap3A_935 = tpu.vector_load %arg11[%swap3A_933, %swap3A_934] {strides = array<i32>} : memref<32x128xf32, #tpu.memory_space<vmem>>, vector<16xf32>,
    tpu.vector_store %arg11[%swap3A_933, %swap3A_934], %select_n3A_915 {strides = array<i32>} : memref<32x128xf32, #tpu.memory_space<vmem>>, vector<16xf32>,
    %swap3A_936 = arith.constant 8 : i32
    %swap3A_937 = arith.index_cast %swap3A_936 : i32 to index
    %swap3A_938 = arith.constant 80 : index
    %swap3A_939 = tpu.vector_load %arg11[%swap3A_937, %swap3A_938] {strides = array<i32>} : memref<32x128xf32, #tpu.memory_space<vmem>>, vector<16xf32>,
    tpu.vector_store %arg11[%swap3A_937, %swap3A_938], %select_n3A_915 {strides = array<i32>} : memref<32x128xf32, #tpu.memory_space<vmem>>, vector<16xf32>,
    %swap3A_940 = arith.constant 8 : i32
    %swap3A_941 = arith.index_cast %swap3A_940 : i32 to index
    %swap3A_942 = arith.constant 96 : index
    %swap3A_943 = tpu.vector_load %arg11[%swap3A_941, %swap3A_942] {strides = array<i32>} : memref<32x128xf32, #tpu.memory_space<vmem>>, vector<16xf32>,
    tpu.vector_store %arg11[%swap3A_941, %swap3A_942], %select_n3A_915 {strides = array<i32>} : memref<32x128xf32, #tpu.memory_space<vmem>>, vector<16xf32>,
    %swap3A_944 = arith.constant 8 : i32
    %swap3A_945 = arith.index_cast %swap3A_944 : i32 to index
    %swap3A_946 = arith.constant 112 : index
    %swap3A_947 = tpu.vector_load %arg11[%swap3A_945, %swap3A_946] {strides = array<i32>} : memref<32x128xf32, #tpu.memory_space<vmem>>, vector<16xf32>,
    tpu.vector_store %arg11[%swap3A_945, %swap3A_946], %select_n3A_915 {strides = array<i32>} : memref<32x128xf32, #tpu.memory_space<vmem>>, vector<16xf32>,
    %eq3A_948 = arith.constant 0 : i32
    %eq3A_949 = arith.cmpi eq, %select_n3A_547, %eq3A_948 : i32
    %select_n3A_950 = arith.select %eq3A_949, %add3A_510, %add3A_522 : vector<16xf32>
    %slice3A_951 = vector.extract_strided_slice %select_n3A_950 {offsets = [9], sizes = [1], strides = [1]} : vector<16xf32> to vector<1xf32>
    %squeeze3A_952 = vector.extract %slice3A_951[0] : f32 from vector<1xf32>
    %ge3A_953 = arith.constant 0 : i32
    %ge3A_954 = vector.broadcast %ge3A_953 : i32 to vector<16xi32>
    %ge3A_955 = arith.cmpi sge, %iota3A, %ge3A_954 : vector<16xi32>
    %broadcast_in_dim3A_956 = vector.broadcast %squeeze3A_952 : f32 to vector<16xf32>
    %select_n3A_957 = arith.select %ge3A_955, %broadcast_in_dim3A_956, %broadcast_in_dim3A_0 : vector<16xi1>, vector<16xf32>
    %swap3A_958 = arith.constant 9 : i32
    %swap3A_959 = arith.index_cast %swap3A_958 : i32 to index
    %swap3A_960 = arith.constant 0 : index
    %swap3A_961 = tpu.vector_load %arg11[%swap3A_959, %swap3A_960] {strides = array<i32>} : memref<32x128xf32, #tpu.memory_space<vmem>>, vector<16xf32>,
    tpu.vector_store %arg11[%swap3A_959, %swap3A_960], %select_n3A_957 {strides = array<i32>} : memref<32x128xf32, #tpu.memory_space<vmem>>, vector<16xf32>,
    %swap3A_962 = arith.constant 9 : i32
    %swap3A_963 = arith.index_cast %swap3A_962 : i32 to index
    %swap3A_964 = arith.constant 16 : index
    %swap3A_965 = tpu.vector_load %arg11[%swap3A_963, %swap3A_964] {strides = array<i32>} : memref<32x128xf32, #tpu.memory_space<vmem>>, vector<16xf32>,
    tpu.vector_store %arg11[%swap3A_963, %swap3A_964], %select_n3A_957 {strides = array<i32>} : memref<32x128xf32, #tpu.memory_space<vmem>>, vector<16xf32>,
    %swap3A_966 = arith.constant 9 : i32
    %swap3A_967 = arith.index_cast %swap3A_966 : i32 to index
    %swap3A_968 = arith.constant 32 : index
    %swap3A_969 = tpu.vector_load %arg11[%swap3A_967, %swap3A_968] {strides = array<i32>} : memref<32x128xf32, #tpu.memory_space<vmem>>, vector<16xf32>,
    tpu.vector_store %arg11[%swap3A_967, %swap3A_968], %select_n3A_957 {strides = array<i32>} : memref<32x128xf32, #tpu.memory_space<vmem>>, vector<16xf32>,
    %swap3A_970 = arith.constant 9 : i32
    %swap3A_971 = arith.index_cast %swap3A_970 : i32 to index
    %swap3A_972 = arith.constant 48 : index
    %swap3A_973 = tpu.vector_load %arg11[%swap3A_971, %swap3A_972] {strides = array<i32>} : memref<32x128xf32, #tpu.memory_space<vmem>>, vector<16xf32>,
    tpu.vector_store %arg11[%swap3A_971, %swap3A_972], %select_n3A_957 {strides = array<i32>} : memref<32x128xf32, #tpu.memory_space<vmem>>, vector<16xf32>,
    %swap3A_974 = arith.constant 9 : i32
    %swap3A_975 = arith.index_cast %swap3A_974 : i32 to index
    %swap3A_976 = arith.constant 64 : index
    %swap3A_977 = tpu.vector_load %arg11[%swap3A_975, %swap3A_976] {strides = array<i32>} : memref<32x128xf32, #tpu.memory_space<vmem>>, vector<16xf32>,
    tpu.vector_store %arg11[%swap3A_975, %swap3A_976], %select_n3A_957 {strides = array<i32>} : memref<32x128xf32, #tpu.memory_space<vmem>>, vector<16xf32>,
    %swap3A_978 = arith.constant 9 : i32
    %swap3A_979 = arith.index_cast %swap3A_978 : i32 to index
    %swap3A_980 = arith.constant 80 : index
    %swap3A_981 = tpu.vector_load %arg11[%swap3A_979, %swap3A_980] {strides = array<i32>} : memref<32x128xf32, #tpu.memory_space<vmem>>, vector<16xf32>,
    tpu.vector_store %arg11[%swap3A_979, %swap3A_980], %select_n3A_957 {strides = array<i32>} : memref<32x128xf32, #tpu.memory_space<vmem>>, vector<16xf32>,
    %swap3A_982 = arith.constant 9 : i32
    %swap3A_983 = arith.index_cast %swap3A_982 : i32 to index
    %swap3A_984 = arith.constant 96 : index
    %swap3A_985 = tpu.vector_load %arg11[%swap3A_983, %swap3A_984] {strides = array<i32>} : memref<32x128xf32, #tpu.memory_space<vmem>>, vector<16xf32>,
    tpu.vector_store %arg11[%swap3A_983, %swap3A_984], %select_n3A_957 {strides = array<i32>} : memref<32x128xf32, #tpu.memory_space<vmem>>, vector<16xf32>,
    %swap3A_986 = arith.constant 9 : i32
    %swap3A_987 = arith.index_cast %swap3A_986 : i32 to index
    %swap3A_988 = arith.constant 112 : index
    %swap3A_989 = tpu.vector_load %arg11[%swap3A_987, %swap3A_988] {strides = array<i32>} : memref<32x128xf32, #tpu.memory_space<vmem>>, vector<16xf32>,
    tpu.vector_store %arg11[%swap3A_987, %swap3A_988], %select_n3A_957 {strides = array<i32>} : memref<32x128xf32, #tpu.memory_space<vmem>>, vector<16xf32>,
    %eq3A_990 = arith.constant 0 : i32
    %eq3A_991 = arith.cmpi eq, %select_n3A_547, %eq3A_990 : i32
    %select_n3A_992 = arith.select %eq3A_991, %add3A_510, %add3A_522 : vector<16xf32>
    %slice3A_993 = vector.extract_strided_slice %select_n3A_992 {offsets = [10], sizes = [1], strides = [1]} : vector<16xf32> to vector<1xf32>
    %squeeze3A_994 = vector.extract %slice3A_993[0] : f32 from vector<1xf32>
    %ge3A_995 = arith.constant 0 : i32
    %ge3A_996 = vector.broadcast %ge3A_995 : i32 to vector<16xi32>
    %ge3A_997 = arith.cmpi sge, %iota3A, %ge3A_996 : vector<16xi32>
    %broadcast_in_dim3A_998 = vector.broadcast %squeeze3A_994 : f32 to vector<16xf32>
    %select_n3A_999 = arith.select %ge3A_997, %broadcast_in_dim3A_998, %broadcast_in_dim3A_0 : vector<16xi1>, vector<16xf32>
    %swap3A_1000 = arith.constant 10 : i32
    %swap3A_1001 = arith.index_cast %swap3A_1000 : i32 to index
    %swap3A_1002 = arith.constant 0 : index
    %swap3A_1003 = tpu.vector_load %arg11[%swap3A_1001, %swap3A_1002] {strides = array<i32>} : memref<32x128xf32, #tpu.memory_space<vmem>>, vector<16xf32>,
    tpu.vector_store %arg11[%swap3A_1001, %swap3A_1002], %select_n3A_999 {strides = array<i32>} : memref<32x128xf32, #tpu.memory_space<vmem>>, vector<16xf32>,
    %swap3A_1004 = arith.constant 10 : i32
    %swap3A_1005 = arith.index_cast %swap3A_1004 : i32 to index
    %swap3A_1006 = arith.constant 16 : index
    %swap3A_1007 = tpu.vector_load %arg11[%swap3A_1005, %swap3A_1006] {strides = array<i32>} : memref<32x128xf32, #tpu.memory_space<vmem>>, vector<16xf32>,
    tpu.vector_store %arg11[%swap3A_1005, %swap3A_1006], %select_n3A_999 {strides = array<i32>} : memref<32x128xf32, #tpu.memory_space<vmem>>, vector<16xf32>,
    %swap3A_1008 = arith.constant 10 : i32
    %swap3A_1009 = arith.index_cast %swap3A_1008 : i32 to index
    %swap3A_1010 = arith.constant 32 : index
    %swap3A_1011 = tpu.vector_load %arg11[%swap3A_1009, %swap3A_1010] {strides = array<i32>} : memref<32x128xf32, #tpu.memory_space<vmem>>, vector<16xf32>,
    tpu.vector_store %arg11[%swap3A_1009, %swap3A_1010], %select_n3A_999 {strides = array<i32>} : memref<32x128xf32, #tpu.memory_space<vmem>>, vector<16xf32>,
    %swap3A_1012 = arith.constant 10 : i32
    %swap3A_1013 = arith.index_cast %swap3A_1012 : i32 to index
    %swap3A_1014 = arith.constant 48 : index
    %swap3A_1015 = tpu.vector_load %arg11[%swap3A_1013, %swap3A_1014] {strides = array<i32>} : memref<32x128xf32, #tpu.memory_space<vmem>>, vector<16xf32>,
    tpu.vector_store %arg11[%swap3A_1013, %swap3A_1014], %select_n3A_999 {strides = array<i32>} : memref<32x128xf32, #tpu.memory_space<vmem>>, vector<16xf32>,
    %swap3A_1016 = arith.constant 10 : i32
    %swap3A_1017 = arith.index_cast %swap3A_1016 : i32 to index
    %swap3A_1018 = arith.constant 64 : index
    %swap3A_1019 = tpu.vector_load %arg11[%swap3A_1017, %swap3A_1018] {strides = array<i32>} : memref<32x128xf32, #tpu.memory_space<vmem>>, vector<16xf32>,
    tpu.vector_store %arg11[%swap3A_1017, %swap3A_1018], %select_n3A_999 {strides = array<i32>} : memref<32x128xf32, #tpu.memory_space<vmem>>, vector<16xf32>,
    %swap3A_1020 = arith.constant 10 : i32
    %swap3A_1021 = arith.index_cast %swap3A_1020 : i32 to index
    %swap3A_1022 = arith.constant 80 : index
    %swap3A_1023 = tpu.vector_load %arg11[%swap3A_1021, %swap3A_1022] {strides = array<i32>} : memref<32x128xf32, #tpu.memory_space<vmem>>, vector<16xf32>,
    tpu.vector_store %arg11[%swap3A_1021, %swap3A_1022], %select_n3A_999 {strides = array<i32>} : memref<32x128xf32, #tpu.memory_space<vmem>>, vector<16xf32>,
    %swap3A_1024 = arith.constant 10 : i32
    %swap3A_1025 = arith.index_cast %swap3A_1024 : i32 to index
    %swap3A_1026 = arith.constant 96 : index
    %swap3A_1027 = tpu.vector_load %arg11[%swap3A_1025, %swap3A_1026] {strides = array<i32>} : memref<32x128xf32, #tpu.memory_space<vmem>>, vector<16xf32>,
    tpu.vector_store %arg11[%swap3A_1025, %swap3A_1026], %select_n3A_999 {strides = array<i32>} : memref<32x128xf32, #tpu.memory_space<vmem>>, vector<16xf32>,
    %swap3A_1028 = arith.constant 10 : i32
    %swap3A_1029 = arith.index_cast %swap3A_1028 : i32 to index
    %swap3A_1030 = arith.constant 112 : index
    %swap3A_1031 = tpu.vector_load %arg11[%swap3A_1029, %swap3A_1030] {strides = array<i32>} : memref<32x128xf32, #tpu.memory_space<vmem>>, vector<16xf32>,
    tpu.vector_store %arg11[%swap3A_1029, %swap3A_1030], %select_n3A_999 {strides = array<i32>} : memref<32x128xf32, #tpu.memory_space<vmem>>, vector<16xf32>,
    %eq3A_1032 = arith.constant 0 : i32
    %eq3A_1033 = arith.cmpi eq, %select_n3A_547, %eq3A_1032 : i32
    %select_n3A_1034 = arith.select %eq3A_1033, %add3A_510, %add3A_522 : vector<16xf32>
    %slice3A_1035 = vector.extract_strided_slice %select_n3A_1034 {offsets = [11], sizes = [1], strides = [1]} : vector<16xf32> to vector<1xf32>
    %squeeze3A_1036 = vector.extract %slice3A_1035[0] : f32 from vector<1xf32>
    %ge3A_1037 = arith.constant 0 : i32
    %ge3A_1038 = vector.broadcast %ge3A_1037 : i32 to vector<16xi32>
    %ge3A_1039 = arith.cmpi sge, %iota3A, %ge3A_1038 : vector<16xi32>
    %broadcast_in_dim3A_1040 = vector.broadcast %squeeze3A_1036 : f32 to vector<16xf32>
    %select_n3A_1041 = arith.select %ge3A_1039, %broadcast_in_dim3A_1040, %broadcast_in_dim3A_0 : vector<16xi1>, vector<16xf32>
    %swap3A_1042 = arith.constant 11 : i32
    %swap3A_1043 = arith.index_cast %swap3A_1042 : i32 to index
    %swap3A_1044 = arith.constant 0 : index
    %swap3A_1045 = tpu.vector_load %arg11[%swap3A_1043, %swap3A_1044] {strides = array<i32>} : memref<32x128xf32, #tpu.memory_space<vmem>>, vector<16xf32>,
    tpu.vector_store %arg11[%swap3A_1043, %swap3A_1044], %select_n3A_1041 {strides = array<i32>} : memref<32x128xf32, #tpu.memory_space<vmem>>, vector<16xf32>,
    %swap3A_1046 = arith.constant 11 : i32
    %swap3A_1047 = arith.index_cast %swap3A_1046 : i32 to index
    %swap3A_1048 = arith.constant 16 : index
    %swap3A_1049 = tpu.vector_load %arg11[%swap3A_1047, %swap3A_1048] {strides = array<i32>} : memref<32x128xf32, #tpu.memory_space<vmem>>, vector<16xf32>,
    tpu.vector_store %arg11[%swap3A_1047, %swap3A_1048], %select_n3A_1041 {strides = array<i32>} : memref<32x128xf32, #tpu.memory_space<vmem>>, vector<16xf32>,
    %swap3A_1050 = arith.constant 11 : i32
    %swap3A_1051 = arith.index_cast %swap3A_1050 : i32 to index
    %swap3A_1052 = arith.constant 32 : index
    %swap3A_1053 = tpu.vector_load %arg11[%swap3A_1051, %swap3A_1052] {strides = array<i32>} : memref<32x128xf32, #tpu.memory_space<vmem>>, vector<16xf32>,
    tpu.vector_store %arg11[%swap3A_1051, %swap3A_1052], %select_n3A_1041 {strides = array<i32>} : memref<32x128xf32, #tpu.memory_space<vmem>>, vector<16xf32>,
    %swap3A_1054 = arith.constant 11 : i32
    %swap3A_1055 = arith.index_cast %swap3A_1054 : i32 to index
    %swap3A_1056 = arith.constant 48 : index
    %swap3A_1057 = tpu.vector_load %arg11[%swap3A_1055, %swap3A_1056] {strides = array<i32>} : memref<32x128xf32, #tpu.memory_space<vmem>>, vector<16xf32>,
    tpu.vector_store %arg11[%swap3A_1055, %swap3A_1056], %select_n3A_1041 {strides = array<i32>} : memref<32x128xf32, #tpu.memory_space<vmem>>, vector<16xf32>,
    %swap3A_1058 = arith.constant 11 : i32
    %swap3A_1059 = arith.index_cast %swap3A_1058 : i32 to index
    %swap3A_1060 = arith.constant 64 : index
    %swap3A_1061 = tpu.vector_load %arg11[%swap3A_1059, %swap3A_1060] {strides = array<i32>} : memref<32x128xf32, #tpu.memory_space<vmem>>, vector<16xf32>,
    tpu.vector_store %arg11[%swap3A_1059, %swap3A_1060], %select_n3A_1041 {strides = array<i32>} : memref<32x128xf32, #tpu.memory_space<vmem>>, vector<16xf32>,
    %swap3A_1062 = arith.constant 11 : i32
    %swap3A_1063 = arith.index_cast %swap3A_1062 : i32 to index
    %swap3A_1064 = arith.constant 80 : index
    %swap3A_1065 = tpu.vector_load %arg11[%swap3A_1063, %swap3A_1064] {strides = array<i32>} : memref<32x128xf32, #tpu.memory_space<vmem>>, vector<16xf32>,
    tpu.vector_store %arg11[%swap3A_1063, %swap3A_1064], %select_n3A_1041 {strides = array<i32>} : memref<32x128xf32, #tpu.memory_space<vmem>>, vector<16xf32>,
    %swap3A_1066 = arith.constant 11 : i32
    %swap3A_1067 = arith.index_cast %swap3A_1066 : i32 to index
    %swap3A_1068 = arith.constant 96 : index
    %swap3A_1069 = tpu.vector_load %arg11[%swap3A_1067, %swap3A_1068] {strides = array<i32>} : memref<32x128xf32, #tpu.memory_space<vmem>>, vector<16xf32>,
    tpu.vector_store %arg11[%swap3A_1067, %swap3A_1068], %select_n3A_1041 {strides = array<i32>} : memref<32x128xf32, #tpu.memory_space<vmem>>, vector<16xf32>,
    %swap3A_1070 = arith.constant 11 : i32
    %swap3A_1071 = arith.index_cast %swap3A_1070 : i32 to index
    %swap3A_1072 = arith.constant 112 : index
    %swap3A_1073 = tpu.vector_load %arg11[%swap3A_1071, %swap3A_1072] {strides = array<i32>} : memref<32x128xf32, #tpu.memory_space<vmem>>, vector<16xf32>,
    tpu.vector_store %arg11[%swap3A_1071, %swap3A_1072], %select_n3A_1041 {strides = array<i32>} : memref<32x128xf32, #tpu.memory_space<vmem>>, vector<16xf32>,
    %eq3A_1074 = arith.constant 0 : i32
    %eq3A_1075 = arith.cmpi eq, %select_n3A_547, %eq3A_1074 : i32
    %select_n3A_1076 = arith.select %eq3A_1075, %add3A_510, %add3A_522 : vector<16xf32>
    %slice3A_1077 = vector.extract_strided_slice %select_n3A_1076 {offsets = [12], sizes = [1], strides = [1]} : vector<16xf32> to vector<1xf32>
    %squeeze3A_1078 = vector.extract %slice3A_1077[0] : f32 from vector<1xf32>
    %ge3A_1079 = arith.constant 0 : i32
    %ge3A_1080 = vector.broadcast %ge3A_1079 : i32 to vector<16xi32>
    %ge3A_1081 = arith.cmpi sge, %iota3A, %ge3A_1080 : vector<16xi32>
    %broadcast_in_dim3A_1082 = vector.broadcast %squeeze3A_1078 : f32 to vector<16xf32>
    %select_n3A_1083 = arith.select %ge3A_1081, %broadcast_in_dim3A_1082, %broadcast_in_dim3A_0 : vector<16xi1>, vector<16xf32>
    %swap3A_1084 = arith.constant 12 : i32
    %swap3A_1085 = arith.index_cast %swap3A_1084 : i32 to index
    %swap3A_1086 = arith.constant 0 : index
    %swap3A_1087 = tpu.vector_load %arg11[%swap3A_1085, %swap3A_1086] {strides = array<i32>} : memref<32x128xf32, #tpu.memory_space<vmem>>, vector<16xf32>,
    tpu.vector_store %arg11[%swap3A_1085, %swap3A_1086], %select_n3A_1083 {strides = array<i32>} : memref<32x128xf32, #tpu.memory_space<vmem>>, vector<16xf32>,
    %swap3A_1088 = arith.constant 12 : i32
    %swap3A_1089 = arith.index_cast %swap3A_1088 : i32 to index
    %swap3A_1090 = arith.constant 16 : index
    %swap3A_1091 = tpu.vector_load %arg11[%swap3A_1089, %swap3A_1090] {strides = array<i32>} : memref<32x128xf32, #tpu.memory_space<vmem>>, vector<16xf32>,
    tpu.vector_store %arg11[%swap3A_1089, %swap3A_1090], %select_n3A_1083 {strides = array<i32>} : memref<32x128xf32, #tpu.memory_space<vmem>>, vector<16xf32>,
    %swap3A_1092 = arith.constant 12 : i32
    %swap3A_1093 = arith.index_cast %swap3A_1092 : i32 to index
    %swap3A_1094 = arith.constant 32 : index
    %swap3A_1095 = tpu.vector_load %arg11[%swap3A_1093, %swap3A_1094] {strides = array<i32>} : memref<32x128xf32, #tpu.memory_space<vmem>>, vector<16xf32>,
    tpu.vector_store %arg11[%swap3A_1093, %swap3A_1094], %select_n3A_1083 {strides = array<i32>} : memref<32x128xf32, #tpu.memory_space<vmem>>, vector<16xf32>,
    %swap3A_1096 = arith.constant 12 : i32
    %swap3A_1097 = arith.index_cast %swap3A_1096 : i32 to index
    %swap3A_1098 = arith.constant 48 : index
    %swap3A_1099 = tpu.vector_load %arg11[%swap3A_1097, %swap3A_1098] {strides = array<i32>} : memref<32x128xf32, #tpu.memory_space<vmem>>, vector<16xf32>,
    tpu.vector_store %arg11[%swap3A_1097, %swap3A_1098], %select_n3A_1083 {strides = array<i32>} : memref<32x128xf32, #tpu.memory_space<vmem>>, vector<16xf32>,
    %swap3A_1100 = arith.constant 12 : i32
    %swap3A_1101 = arith.index_cast %swap3A_1100 : i32 to index
    %swap3A_1102 = arith.constant 64 : index
    %swap3A_1103 = tpu.vector_load %arg11[%swap3A_1101, %swap3A_1102] {strides = array<i32>} : memref<32x128xf32, #tpu.memory_space<vmem>>, vector<16xf32>,
    tpu.vector_store %arg11[%swap3A_1101, %swap3A_1102], %select_n3A_1083 {strides = array<i32>} : memref<32x128xf32, #tpu.memory_space<vmem>>, vector<16xf32>,
    %swap3A_1104 = arith.constant 12 : i32
    %swap3A_1105 = arith.index_cast %swap3A_1104 : i32 to index
    %swap3A_1106 = arith.constant 80 : index
    %swap3A_1107 = tpu.vector_load %arg11[%swap3A_1105, %swap3A_1106] {strides = array<i32>} : memref<32x128xf32, #tpu.memory_space<vmem>>, vector<16xf32>,
    tpu.vector_store %arg11[%swap3A_1105, %swap3A_1106], %select_n3A_1083 {strides = array<i32>} : memref<32x128xf32, #tpu.memory_space<vmem>>, vector<16xf32>,
    %swap3A_1108 = arith.constant 12 : i32
    %swap3A_1109 = arith.index_cast %swap3A_1108 : i32 to index
    %swap3A_1110 = arith.constant 96 : index
    %swap3A_1111 = tpu.vector_load %arg11[%swap3A_1109, %swap3A_1110] {strides = array<i32>} : memref<32x128xf32, #tpu.memory_space<vmem>>, vector<16xf32>,
    tpu.vector_store %arg11[%swap3A_1109, %swap3A_1110], %select_n3A_1083 {strides = array<i32>} : memref<32x128xf32, #tpu.memory_space<vmem>>, vector<16xf32>,
    %swap3A_1112 = arith.constant 12 : i32
    %swap3A_1113 = arith.index_cast %swap3A_1112 : i32 to index
    %swap3A_1114 = arith.constant 112 : index
    %swap3A_1115 = tpu.vector_load %arg11[%swap3A_1113, %swap3A_1114] {strides = array<i32>} : memref<32x128xf32, #tpu.memory_space<vmem>>, vector<16xf32>,
    tpu.vector_store %arg11[%swap3A_1113, %swap3A_1114], %select_n3A_1083 {strides = array<i32>} : memref<32x128xf32, #tpu.memory_space<vmem>>, vector<16xf32>,
    %eq3A_1116 = arith.constant 0 : i32
    %eq3A_1117 = arith.cmpi eq, %select_n3A_547, %eq3A_1116 : i32
    %select_n3A_1118 = arith.select %eq3A_1117, %add3A_510, %add3A_522 : vector<16xf32>
    %slice3A_1119 = vector.extract_strided_slice %select_n3A_1118 {offsets = [13], sizes = [1], strides = [1]} : vector<16xf32> to vector<1xf32>
    %squeeze3A_1120 = vector.extract %slice3A_1119[0] : f32 from vector<1xf32>
    %ge3A_1121 = arith.constant 0 : i32
    %ge3A_1122 = vector.broadcast %ge3A_1121 : i32 to vector<16xi32>
    %ge3A_1123 = arith.cmpi sge, %iota3A, %ge3A_1122 : vector<16xi32>
    %broadcast_in_dim3A_1124 = vector.broadcast %squeeze3A_1120 : f32 to vector<16xf32>
    %select_n3A_1125 = arith.select %ge3A_1123, %broadcast_in_dim3A_1124, %broadcast_in_dim3A_0 : vector<16xi1>, vector<16xf32>
    %swap3A_1126 = arith.constant 13 : i32
    %swap3A_1127 = arith.index_cast %swap3A_1126 : i32 to index
    %swap3A_1128 = arith.constant 0 : index
    %swap3A_1129 = tpu.vector_load %arg11[%swap3A_1127, %swap3A_1128] {strides = array<i32>} : memref<32x128xf32, #tpu.memory_space<vmem>>, vector<16xf32>,
    tpu.vector_store %arg11[%swap3A_1127, %swap3A_1128], %select_n3A_1125 {strides = array<i32>} : memref<32x128xf32, #tpu.memory_space<vmem>>, vector<16xf32>,
    %swap3A_1130 = arith.constant 13 : i32
    %swap3A_1131 = arith.index_cast %swap3A_1130 : i32 to index
    %swap3A_1132 = arith.constant 16 : index
    %swap3A_1133 = tpu.vector_load %arg11[%swap3A_1131, %swap3A_1132] {strides = array<i32>} : memref<32x128xf32, #tpu.memory_space<vmem>>, vector<16xf32>,
    tpu.vector_store %arg11[%swap3A_1131, %swap3A_1132], %select_n3A_1125 {strides = array<i32>} : memref<32x128xf32, #tpu.memory_space<vmem>>, vector<16xf32>,
    %swap3A_1134 = arith.constant 13 : i32
    %swap3A_1135 = arith.index_cast %swap3A_1134 : i32 to index
    %swap3A_1136 = arith.constant 32 : index
    %swap3A_1137 = tpu.vector_load %arg11[%swap3A_1135, %swap3A_1136] {strides = array<i32>} : memref<32x128xf32, #tpu.memory_space<vmem>>, vector<16xf32>,
    tpu.vector_store %arg11[%swap3A_1135, %swap3A_1136], %select_n3A_1125 {strides = array<i32>} : memref<32x128xf32, #tpu.memory_space<vmem>>, vector<16xf32>,
    %swap3A_1138 = arith.constant 13 : i32
    %swap3A_1139 = arith.index_cast %swap3A_1138 : i32 to index
    %swap3A_1140 = arith.constant 48 : index
    %swap3A_1141 = tpu.vector_load %arg11[%swap3A_1139, %swap3A_1140] {strides = array<i32>} : memref<32x128xf32, #tpu.memory_space<vmem>>, vector<16xf32>,
    tpu.vector_store %arg11[%swap3A_1139, %swap3A_1140], %select_n3A_1125 {strides = array<i32>} : memref<32x128xf32, #tpu.memory_space<vmem>>, vector<16xf32>,
    %swap3A_1142 = arith.constant 13 : i32
    %swap3A_1143 = arith.index_cast %swap3A_1142 : i32 to index
    %swap3A_1144 = arith.constant 64 : index
    %swap3A_1145 = tpu.vector_load %arg11[%swap3A_1143, %swap3A_1144] {strides = array<i32>} : memref<32x128xf32, #tpu.memory_space<vmem>>, vector<16xf32>,
    tpu.vector_store %arg11[%swap3A_1143, %swap3A_1144], %select_n3A_1125 {strides = array<i32>} : memref<32x128xf32, #tpu.memory_space<vmem>>, vector<16xf32>,
    %swap3A_1146 = arith.constant 13 : i32
    %swap3A_1147 = arith.index_cast %swap3A_1146 : i32 to index
    %swap3A_1148 = arith.constant 80 : index
    %swap3A_1149 = tpu.vector_load %arg11[%swap3A_1147, %swap3A_1148] {strides = array<i32>} : memref<32x128xf32, #tpu.memory_space<vmem>>, vector<16xf32>,
    tpu.vector_store %arg11[%swap3A_1147, %swap3A_1148], %select_n3A_1125 {strides = array<i32>} : memref<32x128xf32, #tpu.memory_space<vmem>>, vector<16xf32>,
    %swap3A_1150 = arith.constant 13 : i32
    %swap3A_1151 = arith.index_cast %swap3A_1150 : i32 to index
    %swap3A_1152 = arith.constant 96 : index
    %swap3A_1153 = tpu.vector_load %arg11[%swap3A_1151, %swap3A_1152] {strides = array<i32>} : memref<32x128xf32, #tpu.memory_space<vmem>>, vector<16xf32>,
    tpu.vector_store %arg11[%swap3A_1151, %swap3A_1152], %select_n3A_1125 {strides = array<i32>} : memref<32x128xf32, #tpu.memory_space<vmem>>, vector<16xf32>,
    %swap3A_1154 = arith.constant 13 : i32
    %swap3A_1155 = arith.index_cast %swap3A_1154 : i32 to index
    %swap3A_1156 = arith.constant 112 : index
    %swap3A_1157 = tpu.vector_load %arg11[%swap3A_1155, %swap3A_1156] {strides = array<i32>} : memref<32x128xf32, #tpu.memory_space<vmem>>, vector<16xf32>,
    tpu.vector_store %arg11[%swap3A_1155, %swap3A_1156], %select_n3A_1125 {strides = array<i32>} : memref<32x128xf32, #tpu.memory_space<vmem>>, vector<16xf32>,
    %eq3A_1158 = arith.constant 0 : i32
    %eq3A_1159 = arith.cmpi eq, %select_n3A_547, %eq3A_1158 : i32
    %select_n3A_1160 = arith.select %eq3A_1159, %add3A_510, %add3A_522 : vector<16xf32>
    %slice3A_1161 = vector.extract_strided_slice %select_n3A_1160 {offsets = [14], sizes = [1], strides = [1]} : vector<16xf32> to vector<1xf32>
    %squeeze3A_1162 = vector.extract %slice3A_1161[0] : f32 from vector<1xf32>
    %ge3A_1163 = arith.constant 0 : i32
    %ge3A_1164 = vector.broadcast %ge3A_1163 : i32 to vector<16xi32>
    %ge3A_1165 = arith.cmpi sge, %iota3A, %ge3A_1164 : vector<16xi32>
    %broadcast_in_dim3A_1166 = vector.broadcast %squeeze3A_1162 : f32 to vector<16xf32>
    %select_n3A_1167 = arith.select %ge3A_1165, %broadcast_in_dim3A_1166, %broadcast_in_dim3A_0 : vector<16xi1>, vector<16xf32>
    %swap3A_1168 = arith.constant 14 : i32
    %swap3A_1169 = arith.index_cast %swap3A_1168 : i32 to index
    %swap3A_1170 = arith.constant 0 : index
    %swap3A_1171 = tpu.vector_load %arg11[%swap3A_1169, %swap3A_1170] {strides = array<i32>} : memref<32x128xf32, #tpu.memory_space<vmem>>, vector<16xf32>,
    tpu.vector_store %arg11[%swap3A_1169, %swap3A_1170], %select_n3A_1167 {strides = array<i32>} : memref<32x128xf32, #tpu.memory_space<vmem>>, vector<16xf32>,
    %swap3A_1172 = arith.constant 14 : i32
    %swap3A_1173 = arith.index_cast %swap3A_1172 : i32 to index
    %swap3A_1174 = arith.constant 16 : index
    %swap3A_1175 = tpu.vector_load %arg11[%swap3A_1173, %swap3A_1174] {strides = array<i32>} : memref<32x128xf32, #tpu.memory_space<vmem>>, vector<16xf32>,
    tpu.vector_store %arg11[%swap3A_1173, %swap3A_1174], %select_n3A_1167 {strides = array<i32>} : memref<32x128xf32, #tpu.memory_space<vmem>>, vector<16xf32>,
    %swap3A_1176 = arith.constant 14 : i32
    %swap3A_1177 = arith.index_cast %swap3A_1176 : i32 to index
    %swap3A_1178 = arith.constant 32 : index
    %swap3A_1179 = tpu.vector_load %arg11[%swap3A_1177, %swap3A_1178] {strides = array<i32>} : memref<32x128xf32, #tpu.memory_space<vmem>>, vector<16xf32>,
    tpu.vector_store %arg11[%swap3A_1177, %swap3A_1178], %select_n3A_1167 {strides = array<i32>} : memref<32x128xf32, #tpu.memory_space<vmem>>, vector<16xf32>,
    %swap3A_1180 = arith.constant 14 : i32
    %swap3A_1181 = arith.index_cast %swap3A_1180 : i32 to index
    %swap3A_1182 = arith.constant 48 : index
    %swap3A_1183 = tpu.vector_load %arg11[%swap3A_1181, %swap3A_1182] {strides = array<i32>} : memref<32x128xf32, #tpu.memory_space<vmem>>, vector<16xf32>,
    tpu.vector_store %arg11[%swap3A_1181, %swap3A_1182], %select_n3A_1167 {strides = array<i32>} : memref<32x128xf32, #tpu.memory_space<vmem>>, vector<16xf32>,
    %swap3A_1184 = arith.constant 14 : i32
    %swap3A_1185 = arith.index_cast %swap3A_1184 : i32 to index
    %swap3A_1186 = arith.constant 64 : index
    %swap3A_1187 = tpu.vector_load %arg11[%swap3A_1185, %swap3A_1186] {strides = array<i32>} : memref<32x128xf32, #tpu.memory_space<vmem>>, vector<16xf32>,
    tpu.vector_store %arg11[%swap3A_1185, %swap3A_1186], %select_n3A_1167 {strides = array<i32>} : memref<32x128xf32, #tpu.memory_space<vmem>>, vector<16xf32>,
    %swap3A_1188 = arith.constant 14 : i32
    %swap3A_1189 = arith.index_cast %swap3A_1188 : i32 to index
    %swap3A_1190 = arith.constant 80 : index
    %swap3A_1191 = tpu.vector_load %arg11[%swap3A_1189, %swap3A_1190] {strides = array<i32>} : memref<32x128xf32, #tpu.memory_space<vmem>>, vector<16xf32>,
    tpu.vector_store %arg11[%swap3A_1189, %swap3A_1190], %select_n3A_1167 {strides = array<i32>} : memref<32x128xf32, #tpu.memory_space<vmem>>, vector<16xf32>,
    %swap3A_1192 = arith.constant 14 : i32
    %swap3A_1193 = arith.index_cast %swap3A_1192 : i32 to index
    %swap3A_1194 = arith.constant 96 : index
    %swap3A_1195 = tpu.vector_load %arg11[%swap3A_1193, %swap3A_1194] {strides = array<i32>} : memref<32x128xf32, #tpu.memory_space<vmem>>, vector<16xf32>,
    tpu.vector_store %arg11[%swap3A_1193, %swap3A_1194], %select_n3A_1167 {strides = array<i32>} : memref<32x128xf32, #tpu.memory_space<vmem>>, vector<16xf32>,
    %swap3A_1196 = arith.constant 14 : i32
    %swap3A_1197 = arith.index_cast %swap3A_1196 : i32 to index
    %swap3A_1198 = arith.constant 112 : index
    %swap3A_1199 = tpu.vector_load %arg11[%swap3A_1197, %swap3A_1198] {strides = array<i32>} : memref<32x128xf32, #tpu.memory_space<vmem>>, vector<16xf32>,
    tpu.vector_store %arg11[%swap3A_1197, %swap3A_1198], %select_n3A_1167 {strides = array<i32>} : memref<32x128xf32, #tpu.memory_space<vmem>>, vector<16xf32>,
    %eq3A_1200 = arith.constant 0 : i32
    %eq3A_1201 = arith.cmpi eq, %select_n3A_547, %eq3A_1200 : i32
    %select_n3A_1202 = arith.select %eq3A_1201, %add3A_510, %add3A_522 : vector<16xf32>
    %slice3A_1203 = vector.extract_strided_slice %select_n3A_1202 {offsets = [15], sizes = [1], strides = [1]} : vector<16xf32> to vector<1xf32>
    %squeeze3A_1204 = vector.extract %slice3A_1203[0] : f32 from vector<1xf32>
    %ge3A_1205 = arith.constant 0 : i32
    %ge3A_1206 = vector.broadcast %ge3A_1205 : i32 to vector<16xi32>
    %ge3A_1207 = arith.cmpi sge, %iota3A, %ge3A_1206 : vector<16xi32>
    %broadcast_in_dim3A_1208 = vector.broadcast %squeeze3A_1204 : f32 to vector<16xf32>
    %select_n3A_1209 = arith.select %ge3A_1207, %broadcast_in_dim3A_1208, %broadcast_in_dim3A_0 : vector<16xi1>, vector<16xf32>
    %swap3A_1210 = arith.constant 15 : i32
    %swap3A_1211 = arith.index_cast %swap3A_1210 : i32 to index
    %swap3A_1212 = arith.constant 0 : index
    %swap3A_1213 = tpu.vector_load %arg11[%swap3A_1211, %swap3A_1212] {strides = array<i32>} : memref<32x128xf32, #tpu.memory_space<vmem>>, vector<16xf32>,
    tpu.vector_store %arg11[%swap3A_1211, %swap3A_1212], %select_n3A_1209 {strides = array<i32>} : memref<32x128xf32, #tpu.memory_space<vmem>>, vector<16xf32>,
    %swap3A_1214 = arith.constant 15 : i32
    %swap3A_1215 = arith.index_cast %swap3A_1214 : i32 to index
    %swap3A_1216 = arith.constant 16 : index
    %swap3A_1217 = tpu.vector_load %arg11[%swap3A_1215, %swap3A_1216] {strides = array<i32>} : memref<32x128xf32, #tpu.memory_space<vmem>>, vector<16xf32>,
    tpu.vector_store %arg11[%swap3A_1215, %swap3A_1216], %select_n3A_1209 {strides = array<i32>} : memref<32x128xf32, #tpu.memory_space<vmem>>, vector<16xf32>,
    %swap3A_1218 = arith.constant 15 : i32
    %swap3A_1219 = arith.index_cast %swap3A_1218 : i32 to index
    %swap3A_1220 = arith.constant 32 : index
    %swap3A_1221 = tpu.vector_load %arg11[%swap3A_1219, %swap3A_1220] {strides = array<i32>} : memref<32x128xf32, #tpu.memory_space<vmem>>, vector<16xf32>,
    tpu.vector_store %arg11[%swap3A_1219, %swap3A_1220], %select_n3A_1209 {strides = array<i32>} : memref<32x128xf32, #tpu.memory_space<vmem>>, vector<16xf32>,
    %swap3A_1222 = arith.constant 15 : i32
    %swap3A_1223 = arith.index_cast %swap3A_1222 : i32 to index
    %swap3A_1224 = arith.constant 48 : index
    %swap3A_1225 = tpu.vector_load %arg11[%swap3A_1223, %swap3A_1224] {strides = array<i32>} : memref<32x128xf32, #tpu.memory_space<vmem>>, vector<16xf32>,
    tpu.vector_store %arg11[%swap3A_1223, %swap3A_1224], %select_n3A_1209 {strides = array<i32>} : memref<32x128xf32, #tpu.memory_space<vmem>>, vector<16xf32>,
    %swap3A_1226 = arith.constant 15 : i32
    %swap3A_1227 = arith.index_cast %swap3A_1226 : i32 to index
    %swap3A_1228 = arith.constant 64 : index
    %swap3A_1229 = tpu.vector_load %arg11[%swap3A_1227, %swap3A_1228] {strides = array<i32>} : memref<32x128xf32, #tpu.memory_space<vmem>>, vector<16xf32>,
    tpu.vector_store %arg11[%swap3A_1227, %swap3A_1228], %select_n3A_1209 {strides = array<i32>} : memref<32x128xf32, #tpu.memory_space<vmem>>, vector<16xf32>,
    %swap3A_1230 = arith.constant 15 : i32
    %swap3A_1231 = arith.index_cast %swap3A_1230 : i32 to index
    %swap3A_1232 = arith.constant 80 : index
    %swap3A_1233 = tpu.vector_load %arg11[%swap3A_1231, %swap3A_1232] {strides = array<i32>} : memref<32x128xf32, #tpu.memory_space<vmem>>, vector<16xf32>,
    tpu.vector_store %arg11[%swap3A_1231, %swap3A_1232], %select_n3A_1209 {strides = array<i32>} : memref<32x128xf32, #tpu.memory_space<vmem>>, vector<16xf32>,
    %swap3A_1234 = arith.constant 15 : i32
    %swap3A_1235 = arith.index_cast %swap3A_1234 : i32 to index
    %swap3A_1236 = arith.constant 96 : index
    %swap3A_1237 = tpu.vector_load %arg11[%swap3A_1235, %swap3A_1236] {strides = array<i32>} : memref<32x128xf32, #tpu.memory_space<vmem>>, vector<16xf32>,
    tpu.vector_store %arg11[%swap3A_1235, %swap3A_1236], %select_n3A_1209 {strides = array<i32>} : memref<32x128xf32, #tpu.memory_space<vmem>>, vector<16xf32>,
    %swap3A_1238 = arith.constant 15 : i32
    %swap3A_1239 = arith.index_cast %swap3A_1238 : i32 to index
    %swap3A_1240 = arith.constant 112 : index
    %swap3A_1241 = tpu.vector_load %arg11[%swap3A_1239, %swap3A_1240] {strides = array<i32>} : memref<32x128xf32, #tpu.memory_space<vmem>>, vector<16xf32>,
    tpu.vector_store %arg11[%swap3A_1239, %swap3A_1240], %select_n3A_1209 {strides = array<i32>} : memref<32x128xf32, #tpu.memory_space<vmem>>, vector<16xf32>,
    %eq3A_1242 = arith.constant 0 : i32
    %eq3A_1243 = arith.cmpi eq, %select_n3A_547, %eq3A_1242 : i32
    %select_n3A_1244 = arith.select %eq3A_1243, %add3A_516, %add3A_528 : vector<16xf32>
    %slice3A_1245 = vector.extract_strided_slice %select_n3A_1244 {offsets = [0], sizes = [1], strides = [1]} : vector<16xf32> to vector<1xf32>
    %squeeze3A_1246 = vector.extract %slice3A_1245[0] : f32 from vector<1xf32>
    %ge3A_1247 = arith.constant 0 : i32
    %ge3A_1248 = vector.broadcast %ge3A_1247 : i32 to vector<16xi32>
    %ge3A_1249 = arith.cmpi sge, %iota3A, %ge3A_1248 : vector<16xi32>
    %broadcast_in_dim3A_1250 = vector.broadcast %squeeze3A_1246 : f32 to vector<16xf32>
    %select_n3A_1251 = arith.select %ge3A_1249, %broadcast_in_dim3A_1250, %broadcast_in_dim3A_0 : vector<16xi1>, vector<16xf32>
    %swap3A_1252 = arith.constant 16 : i32
    %swap3A_1253 = arith.index_cast %swap3A_1252 : i32 to index
    %swap3A_1254 = arith.constant 0 : index
    %swap3A_1255 = tpu.vector_load %arg11[%swap3A_1253, %swap3A_1254] {strides = array<i32>} : memref<32x128xf32, #tpu.memory_space<vmem>>, vector<16xf32>,
    tpu.vector_store %arg11[%swap3A_1253, %swap3A_1254], %select_n3A_1251 {strides = array<i32>} : memref<32x128xf32, #tpu.memory_space<vmem>>, vector<16xf32>,
    %swap3A_1256 = arith.constant 16 : i32
    %swap3A_1257 = arith.index_cast %swap3A_1256 : i32 to index
    %swap3A_1258 = arith.constant 16 : index
    %swap3A_1259 = tpu.vector_load %arg11[%swap3A_1257, %swap3A_1258] {strides = array<i32>} : memref<32x128xf32, #tpu.memory_space<vmem>>, vector<16xf32>,
    tpu.vector_store %arg11[%swap3A_1257, %swap3A_1258], %select_n3A_1251 {strides = array<i32>} : memref<32x128xf32, #tpu.memory_space<vmem>>, vector<16xf32>,
    %swap3A_1260 = arith.constant 16 : i32
    %swap3A_1261 = arith.index_cast %swap3A_1260 : i32 to index
    %swap3A_1262 = arith.constant 32 : index
    %swap3A_1263 = tpu.vector_load %arg11[%swap3A_1261, %swap3A_1262] {strides = array<i32>} : memref<32x128xf32, #tpu.memory_space<vmem>>, vector<16xf32>,
    tpu.vector_store %arg11[%swap3A_1261, %swap3A_1262], %select_n3A_1251 {strides = array<i32>} : memref<32x128xf32, #tpu.memory_space<vmem>>, vector<16xf32>,
    %swap3A_1264 = arith.constant 16 : i32
    %swap3A_1265 = arith.index_cast %swap3A_1264 : i32 to index
    %swap3A_1266 = arith.constant 48 : index
    %swap3A_1267 = tpu.vector_load %arg11[%swap3A_1265, %swap3A_1266] {strides = array<i32>} : memref<32x128xf32, #tpu.memory_space<vmem>>, vector<16xf32>,
    tpu.vector_store %arg11[%swap3A_1265, %swap3A_1266], %select_n3A_1251 {strides = array<i32>} : memref<32x128xf32, #tpu.memory_space<vmem>>, vector<16xf32>,
    %swap3A_1268 = arith.constant 16 : i32
    %swap3A_1269 = arith.index_cast %swap3A_1268 : i32 to index
    %swap3A_1270 = arith.constant 64 : index
    %swap3A_1271 = tpu.vector_load %arg11[%swap3A_1269, %swap3A_1270] {strides = array<i32>} : memref<32x128xf32, #tpu.memory_space<vmem>>, vector<16xf32>,
    tpu.vector_store %arg11[%swap3A_1269, %swap3A_1270], %select_n3A_1251 {strides = array<i32>} : memref<32x128xf32, #tpu.memory_space<vmem>>, vector<16xf32>,
    %swap3A_1272 = arith.constant 16 : i32
    %swap3A_1273 = arith.index_cast %swap3A_1272 : i32 to index
    %swap3A_1274 = arith.constant 80 : index
    %swap3A_1275 = tpu.vector_load %arg11[%swap3A_1273, %swap3A_1274] {strides = array<i32>} : memref<32x128xf32, #tpu.memory_space<vmem>>, vector<16xf32>,
    tpu.vector_store %arg11[%swap3A_1273, %swap3A_1274], %select_n3A_1251 {strides = array<i32>} : memref<32x128xf32, #tpu.memory_space<vmem>>, vector<16xf32>,
    %swap3A_1276 = arith.constant 16 : i32
    %swap3A_1277 = arith.index_cast %swap3A_1276 : i32 to index
    %swap3A_1278 = arith.constant 96 : index
    %swap3A_1279 = tpu.vector_load %arg11[%swap3A_1277, %swap3A_1278] {strides = array<i32>} : memref<32x128xf32, #tpu.memory_space<vmem>>, vector<16xf32>,
    tpu.vector_store %arg11[%swap3A_1277, %swap3A_1278], %select_n3A_1251 {strides = array<i32>} : memref<32x128xf32, #tpu.memory_space<vmem>>, vector<16xf32>,
    %swap3A_1280 = arith.constant 16 : i32
    %swap3A_1281 = arith.index_cast %swap3A_1280 : i32 to index
    %swap3A_1282 = arith.constant 112 : index
    %swap3A_1283 = tpu.vector_load %arg11[%swap3A_1281, %swap3A_1282] {strides = array<i32>} : memref<32x128xf32, #tpu.memory_space<vmem>>, vector<16xf32>,
    tpu.vector_store %arg11[%swap3A_1281, %swap3A_1282], %select_n3A_1251 {strides = array<i32>} : memref<32x128xf32, #tpu.memory_space<vmem>>, vector<16xf32>,
    %eq3A_1284 = arith.constant 0 : i32
    %eq3A_1285 = arith.cmpi eq, %select_n3A_547, %eq3A_1284 : i32
    %select_n3A_1286 = arith.select %eq3A_1285, %add3A_516, %add3A_528 : vector<16xf32>
    %slice3A_1287 = vector.extract_strided_slice %select_n3A_1286 {offsets = [1], sizes = [1], strides = [1]} : vector<16xf32> to vector<1xf32>
    %squeeze3A_1288 = vector.extract %slice3A_1287[0] : f32 from vector<1xf32>
    %ge3A_1289 = arith.constant 0 : i32
    %ge3A_1290 = vector.broadcast %ge3A_1289 : i32 to vector<16xi32>
    %ge3A_1291 = arith.cmpi sge, %iota3A, %ge3A_1290 : vector<16xi32>
    %broadcast_in_dim3A_1292 = vector.broadcast %squeeze3A_1288 : f32 to vector<16xf32>
    %select_n3A_1293 = arith.select %ge3A_1291, %broadcast_in_dim3A_1292, %broadcast_in_dim3A_0 : vector<16xi1>, vector<16xf32>
    %swap3A_1294 = arith.constant 17 : i32
    %swap3A_1295 = arith.index_cast %swap3A_1294 : i32 to index
    %swap3A_1296 = arith.constant 0 : index
    %swap3A_1297 = tpu.vector_load %arg11[%swap3A_1295, %swap3A_1296] {strides = array<i32>} : memref<32x128xf32, #tpu.memory_space<vmem>>, vector<16xf32>,
    tpu.vector_store %arg11[%swap3A_1295, %swap3A_1296], %select_n3A_1293 {strides = array<i32>} : memref<32x128xf32, #tpu.memory_space<vmem>>, vector<16xf32>,
    %swap3A_1298 = arith.constant 17 : i32
    %swap3A_1299 = arith.index_cast %swap3A_1298 : i32 to index
    %swap3A_1300 = arith.constant 16 : index
    %swap3A_1301 = tpu.vector_load %arg11[%swap3A_1299, %swap3A_1300] {strides = array<i32>} : memref<32x128xf32, #tpu.memory_space<vmem>>, vector<16xf32>,
    tpu.vector_store %arg11[%swap3A_1299, %swap3A_1300], %select_n3A_1293 {strides = array<i32>} : memref<32x128xf32, #tpu.memory_space<vmem>>, vector<16xf32>,
    %swap3A_1302 = arith.constant 17 : i32
    %swap3A_1303 = arith.index_cast %swap3A_1302 : i32 to index
    %swap3A_1304 = arith.constant 32 : index
    %swap3A_1305 = tpu.vector_load %arg11[%swap3A_1303, %swap3A_1304] {strides = array<i32>} : memref<32x128xf32, #tpu.memory_space<vmem>>, vector<16xf32>,
    tpu.vector_store %arg11[%swap3A_1303, %swap3A_1304], %select_n3A_1293 {strides = array<i32>} : memref<32x128xf32, #tpu.memory_space<vmem>>, vector<16xf32>,
    %swap3A_1306 = arith.constant 17 : i32
    %swap3A_1307 = arith.index_cast %swap3A_1306 : i32 to index
    %swap3A_1308 = arith.constant 48 : index
    %swap3A_1309 = tpu.vector_load %arg11[%swap3A_1307, %swap3A_1308] {strides = array<i32>} : memref<32x128xf32, #tpu.memory_space<vmem>>, vector<16xf32>,
    tpu.vector_store %arg11[%swap3A_1307, %swap3A_1308], %select_n3A_1293 {strides = array<i32>} : memref<32x128xf32, #tpu.memory_space<vmem>>, vector<16xf32>,
    %swap3A_1310 = arith.constant 17 : i32
    %swap3A_1311 = arith.index_cast %swap3A_1310 : i32 to index
    %swap3A_1312 = arith.constant 64 : index
    %swap3A_1313 = tpu.vector_load %arg11[%swap3A_1311, %swap3A_1312] {strides = array<i32>} : memref<32x128xf32, #tpu.memory_space<vmem>>, vector<16xf32>,
    tpu.vector_store %arg11[%swap3A_1311, %swap3A_1312], %select_n3A_1293 {strides = array<i32>} : memref<32x128xf32, #tpu.memory_space<vmem>>, vector<16xf32>,
    %swap3A_1314 = arith.constant 17 : i32
    %swap3A_1315 = arith.index_cast %swap3A_1314 : i32 to index
    %swap3A_1316 = arith.constant 80 : index
    %swap3A_1317 = tpu.vector_load %arg11[%swap3A_1315, %swap3A_1316] {strides = array<i32>} : memref<32x128xf32, #tpu.memory_space<vmem>>, vector<16xf32>,
    tpu.vector_store %arg11[%swap3A_1315, %swap3A_1316], %select_n3A_1293 {strides = array<i32>} : memref<32x128xf32, #tpu.memory_space<vmem>>, vector<16xf32>,
    %swap3A_1318 = arith.constant 17 : i32
    %swap3A_1319 = arith.index_cast %swap3A_1318 : i32 to index
    %swap3A_1320 = arith.constant 96 : index
    %swap3A_1321 = tpu.vector_load %arg11[%swap3A_1319, %swap3A_1320] {strides = array<i32>} : memref<32x128xf32, #tpu.memory_space<vmem>>, vector<16xf32>,
    tpu.vector_store %arg11[%swap3A_1319, %swap3A_1320], %select_n3A_1293 {strides = array<i32>} : memref<32x128xf32, #tpu.memory_space<vmem>>, vector<16xf32>,
    %swap3A_1322 = arith.constant 17 : i32
    %swap3A_1323 = arith.index_cast %swap3A_1322 : i32 to index
    %swap3A_1324 = arith.constant 112 : index
    %swap3A_1325 = tpu.vector_load %arg11[%swap3A_1323, %swap3A_1324] {strides = array<i32>} : memref<32x128xf32, #tpu.memory_space<vmem>>, vector<16xf32>,
    tpu.vector_store %arg11[%swap3A_1323, %swap3A_1324], %select_n3A_1293 {strides = array<i32>} : memref<32x128xf32, #tpu.memory_space<vmem>>, vector<16xf32>,
    %eq3A_1326 = arith.constant 0 : i32
    %eq3A_1327 = arith.cmpi eq, %select_n3A_547, %eq3A_1326 : i32
    %select_n3A_1328 = arith.select %eq3A_1327, %add3A_516, %add3A_528 : vector<16xf32>
    %slice3A_1329 = vector.extract_strided_slice %select_n3A_1328 {offsets = [2], sizes = [1], strides = [1]} : vector<16xf32> to vector<1xf32>
    %squeeze3A_1330 = vector.extract %slice3A_1329[0] : f32 from vector<1xf32>
    %ge3A_1331 = arith.constant 0 : i32
    %ge3A_1332 = vector.broadcast %ge3A_1331 : i32 to vector<16xi32>
    %ge3A_1333 = arith.cmpi sge, %iota3A, %ge3A_1332 : vector<16xi32>
    %broadcast_in_dim3A_1334 = vector.broadcast %squeeze3A_1330 : f32 to vector<16xf32>
    %select_n3A_1335 = arith.select %ge3A_1333, %broadcast_in_dim3A_1334, %broadcast_in_dim3A_0 : vector<16xi1>, vector<16xf32>
    %swap3A_1336 = arith.constant 18 : i32
    %swap3A_1337 = arith.index_cast %swap3A_1336 : i32 to index
    %swap3A_1338 = arith.constant 0 : index
    %swap3A_1339 = tpu.vector_load %arg11[%swap3A_1337, %swap3A_1338] {strides = array<i32>} : memref<32x128xf32, #tpu.memory_space<vmem>>, vector<16xf32>,
    tpu.vector_store %arg11[%swap3A_1337, %swap3A_1338], %select_n3A_1335 {strides = array<i32>} : memref<32x128xf32, #tpu.memory_space<vmem>>, vector<16xf32>,
    %swap3A_1340 = arith.constant 18 : i32
    %swap3A_1341 = arith.index_cast %swap3A_1340 : i32 to index
    %swap3A_1342 = arith.constant 16 : index
    %swap3A_1343 = tpu.vector_load %arg11[%swap3A_1341, %swap3A_1342] {strides = array<i32>} : memref<32x128xf32, #tpu.memory_space<vmem>>, vector<16xf32>,
    tpu.vector_store %arg11[%swap3A_1341, %swap3A_1342], %select_n3A_1335 {strides = array<i32>} : memref<32x128xf32, #tpu.memory_space<vmem>>, vector<16xf32>,
    %swap3A_1344 = arith.constant 18 : i32
    %swap3A_1345 = arith.index_cast %swap3A_1344 : i32 to index
    %swap3A_1346 = arith.constant 32 : index
    %swap3A_1347 = tpu.vector_load %arg11[%swap3A_1345, %swap3A_1346] {strides = array<i32>} : memref<32x128xf32, #tpu.memory_space<vmem>>, vector<16xf32>,
    tpu.vector_store %arg11[%swap3A_1345, %swap3A_1346], %select_n3A_1335 {strides = array<i32>} : memref<32x128xf32, #tpu.memory_space<vmem>>, vector<16xf32>,
    %swap3A_1348 = arith.constant 18 : i32
    %swap3A_1349 = arith.index_cast %swap3A_1348 : i32 to index
    %swap3A_1350 = arith.constant 48 : index
    %swap3A_1351 = tpu.vector_load %arg11[%swap3A_1349, %swap3A_1350] {strides = array<i32>} : memref<32x128xf32, #tpu.memory_space<vmem>>, vector<16xf32>,
    tpu.vector_store %arg11[%swap3A_1349, %swap3A_1350], %select_n3A_1335 {strides = array<i32>} : memref<32x128xf32, #tpu.memory_space<vmem>>, vector<16xf32>,
    %swap3A_1352 = arith.constant 18 : i32
    %swap3A_1353 = arith.index_cast %swap3A_1352 : i32 to index
    %swap3A_1354 = arith.constant 64 : index
    %swap3A_1355 = tpu.vector_load %arg11[%swap3A_1353, %swap3A_1354] {strides = array<i32>} : memref<32x128xf32, #tpu.memory_space<vmem>>, vector<16xf32>,
    tpu.vector_store %arg11[%swap3A_1353, %swap3A_1354], %select_n3A_1335 {strides = array<i32>} : memref<32x128xf32, #tpu.memory_space<vmem>>, vector<16xf32>,
    %swap3A_1356 = arith.constant 18 : i32
    %swap3A_1357 = arith.index_cast %swap3A_1356 : i32 to index
    %swap3A_1358 = arith.constant 80 : index
    %swap3A_1359 = tpu.vector_load %arg11[%swap3A_1357, %swap3A_1358] {strides = array<i32>} : memref<32x128xf32, #tpu.memory_space<vmem>>, vector<16xf32>,
    tpu.vector_store %arg11[%swap3A_1357, %swap3A_1358], %select_n3A_1335 {strides = array<i32>} : memref<32x128xf32, #tpu.memory_space<vmem>>, vector<16xf32>,
    %swap3A_1360 = arith.constant 18 : i32
    %swap3A_1361 = arith.index_cast %swap3A_1360 : i32 to index
    %swap3A_1362 = arith.constant 96 : index
    %swap3A_1363 = tpu.vector_load %arg11[%swap3A_1361, %swap3A_1362] {strides = array<i32>} : memref<32x128xf32, #tpu.memory_space<vmem>>, vector<16xf32>,
    tpu.vector_store %arg11[%swap3A_1361, %swap3A_1362], %select_n3A_1335 {strides = array<i32>} : memref<32x128xf32, #tpu.memory_space<vmem>>, vector<16xf32>,
    %swap3A_1364 = arith.constant 18 : i32
    %swap3A_1365 = arith.index_cast %swap3A_1364 : i32 to index
    %swap3A_1366 = arith.constant 112 : index
    %swap3A_1367 = tpu.vector_load %arg11[%swap3A_1365, %swap3A_1366] {strides = array<i32>} : memref<32x128xf32, #tpu.memory_space<vmem>>, vector<16xf32>,
    tpu.vector_store %arg11[%swap3A_1365, %swap3A_1366], %select_n3A_1335 {strides = array<i32>} : memref<32x128xf32, #tpu.memory_space<vmem>>, vector<16xf32>,
    %eq3A_1368 = arith.constant 0 : i32
    %eq3A_1369 = arith.cmpi eq, %select_n3A_547, %eq3A_1368 : i32
    %select_n3A_1370 = arith.select %eq3A_1369, %add3A_516, %add3A_528 : vector<16xf32>
    %slice3A_1371 = vector.extract_strided_slice %select_n3A_1370 {offsets = [3], sizes = [1], strides = [1]} : vector<16xf32> to vector<1xf32>
    %squeeze3A_1372 = vector.extract %slice3A_1371[0] : f32 from vector<1xf32>
    %ge3A_1373 = arith.constant 0 : i32
    %ge3A_1374 = vector.broadcast %ge3A_1373 : i32 to vector<16xi32>
    %ge3A_1375 = arith.cmpi sge, %iota3A, %ge3A_1374 : vector<16xi32>
    %broadcast_in_dim3A_1376 = vector.broadcast %squeeze3A_1372 : f32 to vector<16xf32>
    %select_n3A_1377 = arith.select %ge3A_1375, %broadcast_in_dim3A_1376, %broadcast_in_dim3A_0 : vector<16xi1>, vector<16xf32>
    %swap3A_1378 = arith.constant 19 : i32
    %swap3A_1379 = arith.index_cast %swap3A_1378 : i32 to index
    %swap3A_1380 = arith.constant 0 : index
    %swap3A_1381 = tpu.vector_load %arg11[%swap3A_1379, %swap3A_1380] {strides = array<i32>} : memref<32x128xf32, #tpu.memory_space<vmem>>, vector<16xf32>,
    tpu.vector_store %arg11[%swap3A_1379, %swap3A_1380], %select_n3A_1377 {strides = array<i32>} : memref<32x128xf32, #tpu.memory_space<vmem>>, vector<16xf32>,
    %swap3A_1382 = arith.constant 19 : i32
    %swap3A_1383 = arith.index_cast %swap3A_1382 : i32 to index
    %swap3A_1384 = arith.constant 16 : index
    %swap3A_1385 = tpu.vector_load %arg11[%swap3A_1383, %swap3A_1384] {strides = array<i32>} : memref<32x128xf32, #tpu.memory_space<vmem>>, vector<16xf32>,
    tpu.vector_store %arg11[%swap3A_1383, %swap3A_1384], %select_n3A_1377 {strides = array<i32>} : memref<32x128xf32, #tpu.memory_space<vmem>>, vector<16xf32>,
    %swap3A_1386 = arith.constant 19 : i32
    %swap3A_1387 = arith.index_cast %swap3A_1386 : i32 to index
    %swap3A_1388 = arith.constant 32 : index
    %swap3A_1389 = tpu.vector_load %arg11[%swap3A_1387, %swap3A_1388] {strides = array<i32>} : memref<32x128xf32, #tpu.memory_space<vmem>>, vector<16xf32>,
    tpu.vector_store %arg11[%swap3A_1387, %swap3A_1388], %select_n3A_1377 {strides = array<i32>} : memref<32x128xf32, #tpu.memory_space<vmem>>, vector<16xf32>,
    %swap3A_1390 = arith.constant 19 : i32
    %swap3A_1391 = arith.index_cast %swap3A_1390 : i32 to index
    %swap3A_1392 = arith.constant 48 : index
    %swap3A_1393 = tpu.vector_load %arg11[%swap3A_1391, %swap3A_1392] {strides = array<i32>} : memref<32x128xf32, #tpu.memory_space<vmem>>, vector<16xf32>,
    tpu.vector_store %arg11[%swap3A_1391, %swap3A_1392], %select_n3A_1377 {strides = array<i32>} : memref<32x128xf32, #tpu.memory_space<vmem>>, vector<16xf32>,
    %swap3A_1394 = arith.constant 19 : i32
    %swap3A_1395 = arith.index_cast %swap3A_1394 : i32 to index
    %swap3A_1396 = arith.constant 64 : index
    %swap3A_1397 = tpu.vector_load %arg11[%swap3A_1395, %swap3A_1396] {strides = array<i32>} : memref<32x128xf32, #tpu.memory_space<vmem>>, vector<16xf32>,
    tpu.vector_store %arg11[%swap3A_1395, %swap3A_1396], %select_n3A_1377 {strides = array<i32>} : memref<32x128xf32, #tpu.memory_space<vmem>>, vector<16xf32>,
    %swap3A_1398 = arith.constant 19 : i32
    %swap3A_1399 = arith.index_cast %swap3A_1398 : i32 to index
    %swap3A_1400 = arith.constant 80 : index
    %swap3A_1401 = tpu.vector_load %arg11[%swap3A_1399, %swap3A_1400] {strides = array<i32>} : memref<32x128xf32, #tpu.memory_space<vmem>>, vector<16xf32>,
    tpu.vector_store %arg11[%swap3A_1399, %swap3A_1400], %select_n3A_1377 {strides = array<i32>} : memref<32x128xf32, #tpu.memory_space<vmem>>, vector<16xf32>,
    %swap3A_1402 = arith.constant 19 : i32
    %swap3A_1403 = arith.index_cast %swap3A_1402 : i32 to index
    %swap3A_1404 = arith.constant 96 : index
    %swap3A_1405 = tpu.vector_load %arg11[%swap3A_1403, %swap3A_1404] {strides = array<i32>} : memref<32x128xf32, #tpu.memory_space<vmem>>, vector<16xf32>,
    tpu.vector_store %arg11[%swap3A_1403, %swap3A_1404], %select_n3A_1377 {strides = array<i32>} : memref<32x128xf32, #tpu.memory_space<vmem>>, vector<16xf32>,
    %swap3A_1406 = arith.constant 19 : i32
    %swap3A_1407 = arith.index_cast %swap3A_1406 : i32 to index
    %swap3A_1408 = arith.constant 112 : index
    %swap3A_1409 = tpu.vector_load %arg11[%swap3A_1407, %swap3A_1408] {strides = array<i32>} : memref<32x128xf32, #tpu.memory_space<vmem>>, vector<16xf32>,
    tpu.vector_store %arg11[%swap3A_1407, %swap3A_1408], %select_n3A_1377 {strides = array<i32>} : memref<32x128xf32, #tpu.memory_space<vmem>>, vector<16xf32>,
    %eq3A_1410 = arith.constant 0 : i32
    %eq3A_1411 = arith.cmpi eq, %select_n3A_547, %eq3A_1410 : i32
    %select_n3A_1412 = arith.select %eq3A_1411, %add3A_516, %add3A_528 : vector<16xf32>
    %slice3A_1413 = vector.extract_strided_slice %select_n3A_1412 {offsets = [4], sizes = [1], strides = [1]} : vector<16xf32> to vector<1xf32>
    %squeeze3A_1414 = vector.extract %slice3A_1413[0] : f32 from vector<1xf32>
    %ge3A_1415 = arith.constant 0 : i32
    %ge3A_1416 = vector.broadcast %ge3A_1415 : i32 to vector<16xi32>
    %ge3A_1417 = arith.cmpi sge, %iota3A, %ge3A_1416 : vector<16xi32>
    %broadcast_in_dim3A_1418 = vector.broadcast %squeeze3A_1414 : f32 to vector<16xf32>
    %select_n3A_1419 = arith.select %ge3A_1417, %broadcast_in_dim3A_1418, %broadcast_in_dim3A_0 : vector<16xi1>, vector<16xf32>
    %swap3A_1420 = arith.constant 20 : i32
    %swap3A_1421 = arith.index_cast %swap3A_1420 : i32 to index
    %swap3A_1422 = arith.constant 0 : index
    %swap3A_1423 = tpu.vector_load %arg11[%swap3A_1421, %swap3A_1422] {strides = array<i32>} : memref<32x128xf32, #tpu.memory_space<vmem>>, vector<16xf32>,
    tpu.vector_store %arg11[%swap3A_1421, %swap3A_1422], %select_n3A_1419 {strides = array<i32>} : memref<32x128xf32, #tpu.memory_space<vmem>>, vector<16xf32>,
    %swap3A_1424 = arith.constant 20 : i32
    %swap3A_1425 = arith.index_cast %swap3A_1424 : i32 to index
    %swap3A_1426 = arith.constant 16 : index
    %swap3A_1427 = tpu.vector_load %arg11[%swap3A_1425, %swap3A_1426] {strides = array<i32>} : memref<32x128xf32, #tpu.memory_space<vmem>>, vector<16xf32>,
    tpu.vector_store %arg11[%swap3A_1425, %swap3A_1426], %select_n3A_1419 {strides = array<i32>} : memref<32x128xf32, #tpu.memory_space<vmem>>, vector<16xf32>,
    %swap3A_1428 = arith.constant 20 : i32
    %swap3A_1429 = arith.index_cast %swap3A_1428 : i32 to index
    %swap3A_1430 = arith.constant 32 : index
    %swap3A_1431 = tpu.vector_load %arg11[%swap3A_1429, %swap3A_1430] {strides = array<i32>} : memref<32x128xf32, #tpu.memory_space<vmem>>, vector<16xf32>,
    tpu.vector_store %arg11[%swap3A_1429, %swap3A_1430], %select_n3A_1419 {strides = array<i32>} : memref<32x128xf32, #tpu.memory_space<vmem>>, vector<16xf32>,
    %swap3A_1432 = arith.constant 20 : i32
    %swap3A_1433 = arith.index_cast %swap3A_1432 : i32 to index
    %swap3A_1434 = arith.constant 48 : index
    %swap3A_1435 = tpu.vector_load %arg11[%swap3A_1433, %swap3A_1434] {strides = array<i32>} : memref<32x128xf32, #tpu.memory_space<vmem>>, vector<16xf32>,
    tpu.vector_store %arg11[%swap3A_1433, %swap3A_1434], %select_n3A_1419 {strides = array<i32>} : memref<32x128xf32, #tpu.memory_space<vmem>>, vector<16xf32>,
    %swap3A_1436 = arith.constant 20 : i32
    %swap3A_1437 = arith.index_cast %swap3A_1436 : i32 to index
    %swap3A_1438 = arith.constant 64 : index
    %swap3A_1439 = tpu.vector_load %arg11[%swap3A_1437, %swap3A_1438] {strides = array<i32>} : memref<32x128xf32, #tpu.memory_space<vmem>>, vector<16xf32>,
    tpu.vector_store %arg11[%swap3A_1437, %swap3A_1438], %select_n3A_1419 {strides = array<i32>} : memref<32x128xf32, #tpu.memory_space<vmem>>, vector<16xf32>,
    %swap3A_1440 = arith.constant 20 : i32
    %swap3A_1441 = arith.index_cast %swap3A_1440 : i32 to index
    %swap3A_1442 = arith.constant 80 : index
    %swap3A_1443 = tpu.vector_load %arg11[%swap3A_1441, %swap3A_1442] {strides = array<i32>} : memref<32x128xf32, #tpu.memory_space<vmem>>, vector<16xf32>,
    tpu.vector_store %arg11[%swap3A_1441, %swap3A_1442], %select_n3A_1419 {strides = array<i32>} : memref<32x128xf32, #tpu.memory_space<vmem>>, vector<16xf32>,
    %swap3A_1444 = arith.constant 20 : i32
    %swap3A_1445 = arith.index_cast %swap3A_1444 : i32 to index
    %swap3A_1446 = arith.constant 96 : index
    %swap3A_1447 = tpu.vector_load %arg11[%swap3A_1445, %swap3A_1446] {strides = array<i32>} : memref<32x128xf32, #tpu.memory_space<vmem>>, vector<16xf32>,
    tpu.vector_store %arg11[%swap3A_1445, %swap3A_1446], %select_n3A_1419 {strides = array<i32>} : memref<32x128xf32, #tpu.memory_space<vmem>>, vector<16xf32>,
    %swap3A_1448 = arith.constant 20 : i32
    %swap3A_1449 = arith.index_cast %swap3A_1448 : i32 to index
    %swap3A_1450 = arith.constant 112 : index
    %swap3A_1451 = tpu.vector_load %arg11[%swap3A_1449, %swap3A_1450] {strides = array<i32>} : memref<32x128xf32, #tpu.memory_space<vmem>>, vector<16xf32>,
    tpu.vector_store %arg11[%swap3A_1449, %swap3A_1450], %select_n3A_1419 {strides = array<i32>} : memref<32x128xf32, #tpu.memory_space<vmem>>, vector<16xf32>,
    %eq3A_1452 = arith.constant 0 : i32
    %eq3A_1453 = arith.cmpi eq, %select_n3A_547, %eq3A_1452 : i32
    %select_n3A_1454 = arith.select %eq3A_1453, %add3A_516, %add3A_528 : vector<16xf32>
    %slice3A_1455 = vector.extract_strided_slice %select_n3A_1454 {offsets = [5], sizes = [1], strides = [1]} : vector<16xf32> to vector<1xf32>
    %squeeze3A_1456 = vector.extract %slice3A_1455[0] : f32 from vector<1xf32>
    %ge3A_1457 = arith.constant 0 : i32
    %ge3A_1458 = vector.broadcast %ge3A_1457 : i32 to vector<16xi32>
    %ge3A_1459 = arith.cmpi sge, %iota3A, %ge3A_1458 : vector<16xi32>
    %broadcast_in_dim3A_1460 = vector.broadcast %squeeze3A_1456 : f32 to vector<16xf32>
    %select_n3A_1461 = arith.select %ge3A_1459, %broadcast_in_dim3A_1460, %broadcast_in_dim3A_0 : vector<16xi1>, vector<16xf32>
    %swap3A_1462 = arith.constant 21 : i32
    %swap3A_1463 = arith.index_cast %swap3A_1462 : i32 to index
    %swap3A_1464 = arith.constant 0 : index
    %swap3A_1465 = tpu.vector_load %arg11[%swap3A_1463, %swap3A_1464] {strides = array<i32>} : memref<32x128xf32, #tpu.memory_space<vmem>>, vector<16xf32>,
    tpu.vector_store %arg11[%swap3A_1463, %swap3A_1464], %select_n3A_1461 {strides = array<i32>} : memref<32x128xf32, #tpu.memory_space<vmem>>, vector<16xf32>,
    %swap3A_1466 = arith.constant 21 : i32
    %swap3A_1467 = arith.index_cast %swap3A_1466 : i32 to index
    %swap3A_1468 = arith.constant 16 : index
    %swap3A_1469 = tpu.vector_load %arg11[%swap3A_1467, %swap3A_1468] {strides = array<i32>} : memref<32x128xf32, #tpu.memory_space<vmem>>, vector<16xf32>,
    tpu.vector_store %arg11[%swap3A_1467, %swap3A_1468], %select_n3A_1461 {strides = array<i32>} : memref<32x128xf32, #tpu.memory_space<vmem>>, vector<16xf32>,
    %swap3A_1470 = arith.constant 21 : i32
    %swap3A_1471 = arith.index_cast %swap3A_1470 : i32 to index
    %swap3A_1472 = arith.constant 32 : index
    %swap3A_1473 = tpu.vector_load %arg11[%swap3A_1471, %swap3A_1472] {strides = array<i32>} : memref<32x128xf32, #tpu.memory_space<vmem>>, vector<16xf32>,
    tpu.vector_store %arg11[%swap3A_1471, %swap3A_1472], %select_n3A_1461 {strides = array<i32>} : memref<32x128xf32, #tpu.memory_space<vmem>>, vector<16xf32>,
    %swap3A_1474 = arith.constant 21 : i32
    %swap3A_1475 = arith.index_cast %swap3A_1474 : i32 to index
    %swap3A_1476 = arith.constant 48 : index
    %swap3A_1477 = tpu.vector_load %arg11[%swap3A_1475, %swap3A_1476] {strides = array<i32>} : memref<32x128xf32, #tpu.memory_space<vmem>>, vector<16xf32>,
    tpu.vector_store %arg11[%swap3A_1475, %swap3A_1476], %select_n3A_1461 {strides = array<i32>} : memref<32x128xf32, #tpu.memory_space<vmem>>, vector<16xf32>,
    %swap3A_1478 = arith.constant 21 : i32
    %swap3A_1479 = arith.index_cast %swap3A_1478 : i32 to index
    %swap3A_1480 = arith.constant 64 : index
    %swap3A_1481 = tpu.vector_load %arg11[%swap3A_1479, %swap3A_1480] {strides = array<i32>} : memref<32x128xf32, #tpu.memory_space<vmem>>, vector<16xf32>,
    tpu.vector_store %arg11[%swap3A_1479, %swap3A_1480], %select_n3A_1461 {strides = array<i32>} : memref<32x128xf32, #tpu.memory_space<vmem>>, vector<16xf32>,
    %swap3A_1482 = arith.constant 21 : i32
    %swap3A_1483 = arith.index_cast %swap3A_1482 : i32 to index
    %swap3A_1484 = arith.constant 80 : index
    %swap3A_1485 = tpu.vector_load %arg11[%swap3A_1483, %swap3A_1484] {strides = array<i32>} : memref<32x128xf32, #tpu.memory_space<vmem>>, vector<16xf32>,
    tpu.vector_store %arg11[%swap3A_1483, %swap3A_1484], %select_n3A_1461 {strides = array<i32>} : memref<32x128xf32, #tpu.memory_space<vmem>>, vector<16xf32>,
    %swap3A_1486 = arith.constant 21 : i32
    %swap3A_1487 = arith.index_cast %swap3A_1486 : i32 to index
    %swap3A_1488 = arith.constant 96 : index
    %swap3A_1489 = tpu.vector_load %arg11[%swap3A_1487, %swap3A_1488] {strides = array<i32>} : memref<32x128xf32, #tpu.memory_space<vmem>>, vector<16xf32>,
    tpu.vector_store %arg11[%swap3A_1487, %swap3A_1488], %select_n3A_1461 {strides = array<i32>} : memref<32x128xf32, #tpu.memory_space<vmem>>, vector<16xf32>,
    %swap3A_1490 = arith.constant 21 : i32
    %swap3A_1491 = arith.index_cast %swap3A_1490 : i32 to index
    %swap3A_1492 = arith.constant 112 : index
    %swap3A_1493 = tpu.vector_load %arg11[%swap3A_1491, %swap3A_1492] {strides = array<i32>} : memref<32x128xf32, #tpu.memory_space<vmem>>, vector<16xf32>,
    tpu.vector_store %arg11[%swap3A_1491, %swap3A_1492], %select_n3A_1461 {strides = array<i32>} : memref<32x128xf32, #tpu.memory_space<vmem>>, vector<16xf32>,
    %eq3A_1494 = arith.constant 0 : i32
    %eq3A_1495 = arith.cmpi eq, %select_n3A_547, %eq3A_1494 : i32
    %select_n3A_1496 = arith.select %eq3A_1495, %add3A_516, %add3A_528 : vector<16xf32>
    %slice3A_1497 = vector.extract_strided_slice %select_n3A_1496 {offsets = [6], sizes = [1], strides = [1]} : vector<16xf32> to vector<1xf32>
    %squeeze3A_1498 = vector.extract %slice3A_1497[0] : f32 from vector<1xf32>
    %ge3A_1499 = arith.constant 0 : i32
    %ge3A_1500 = vector.broadcast %ge3A_1499 : i32 to vector<16xi32>
    %ge3A_1501 = arith.cmpi sge, %iota3A, %ge3A_1500 : vector<16xi32>
    %broadcast_in_dim3A_1502 = vector.broadcast %squeeze3A_1498 : f32 to vector<16xf32>
    %select_n3A_1503 = arith.select %ge3A_1501, %broadcast_in_dim3A_1502, %broadcast_in_dim3A_0 : vector<16xi1>, vector<16xf32>
    %swap3A_1504 = arith.constant 22 : i32
    %swap3A_1505 = arith.index_cast %swap3A_1504 : i32 to index
    %swap3A_1506 = arith.constant 0 : index
    %swap3A_1507 = tpu.vector_load %arg11[%swap3A_1505, %swap3A_1506] {strides = array<i32>} : memref<32x128xf32, #tpu.memory_space<vmem>>, vector<16xf32>,
    tpu.vector_store %arg11[%swap3A_1505, %swap3A_1506], %select_n3A_1503 {strides = array<i32>} : memref<32x128xf32, #tpu.memory_space<vmem>>, vector<16xf32>,
    %swap3A_1508 = arith.constant 22 : i32
    %swap3A_1509 = arith.index_cast %swap3A_1508 : i32 to index
    %swap3A_1510 = arith.constant 16 : index
    %swap3A_1511 = tpu.vector_load %arg11[%swap3A_1509, %swap3A_1510] {strides = array<i32>} : memref<32x128xf32, #tpu.memory_space<vmem>>, vector<16xf32>,
    tpu.vector_store %arg11[%swap3A_1509, %swap3A_1510], %select_n3A_1503 {strides = array<i32>} : memref<32x128xf32, #tpu.memory_space<vmem>>, vector<16xf32>,
    %swap3A_1512 = arith.constant 22 : i32
    %swap3A_1513 = arith.index_cast %swap3A_1512 : i32 to index
    %swap3A_1514 = arith.constant 32 : index
    %swap3A_1515 = tpu.vector_load %arg11[%swap3A_1513, %swap3A_1514] {strides = array<i32>} : memref<32x128xf32, #tpu.memory_space<vmem>>, vector<16xf32>,
    tpu.vector_store %arg11[%swap3A_1513, %swap3A_1514], %select_n3A_1503 {strides = array<i32>} : memref<32x128xf32, #tpu.memory_space<vmem>>, vector<16xf32>,
    %swap3A_1516 = arith.constant 22 : i32
    %swap3A_1517 = arith.index_cast %swap3A_1516 : i32 to index
    %swap3A_1518 = arith.constant 48 : index
    %swap3A_1519 = tpu.vector_load %arg11[%swap3A_1517, %swap3A_1518] {strides = array<i32>} : memref<32x128xf32, #tpu.memory_space<vmem>>, vector<16xf32>,
    tpu.vector_store %arg11[%swap3A_1517, %swap3A_1518], %select_n3A_1503 {strides = array<i32>} : memref<32x128xf32, #tpu.memory_space<vmem>>, vector<16xf32>,
    %swap3A_1520 = arith.constant 22 : i32
    %swap3A_1521 = arith.index_cast %swap3A_1520 : i32 to index
    %swap3A_1522 = arith.constant 64 : index
    %swap3A_1523 = tpu.vector_load %arg11[%swap3A_1521, %swap3A_1522] {strides = array<i32>} : memref<32x128xf32, #tpu.memory_space<vmem>>, vector<16xf32>,
    tpu.vector_store %arg11[%swap3A_1521, %swap3A_1522], %select_n3A_1503 {strides = array<i32>} : memref<32x128xf32, #tpu.memory_space<vmem>>, vector<16xf32>,
    %swap3A_1524 = arith.constant 22 : i32
    %swap3A_1525 = arith.index_cast %swap3A_1524 : i32 to index
    %swap3A_1526 = arith.constant 80 : index
    %swap3A_1527 = tpu.vector_load %arg11[%swap3A_1525, %swap3A_1526] {strides = array<i32>} : memref<32x128xf32, #tpu.memory_space<vmem>>, vector<16xf32>,
    tpu.vector_store %arg11[%swap3A_1525, %swap3A_1526], %select_n3A_1503 {strides = array<i32>} : memref<32x128xf32, #tpu.memory_space<vmem>>, vector<16xf32>,
    %swap3A_1528 = arith.constant 22 : i32
    %swap3A_1529 = arith.index_cast %swap3A_1528 : i32 to index
    %swap3A_1530 = arith.constant 96 : index
    %swap3A_1531 = tpu.vector_load %arg11[%swap3A_1529, %swap3A_1530] {strides = array<i32>} : memref<32x128xf32, #tpu.memory_space<vmem>>, vector<16xf32>,
    tpu.vector_store %arg11[%swap3A_1529, %swap3A_1530], %select_n3A_1503 {strides = array<i32>} : memref<32x128xf32, #tpu.memory_space<vmem>>, vector<16xf32>,
    %swap3A_1532 = arith.constant 22 : i32
    %swap3A_1533 = arith.index_cast %swap3A_1532 : i32 to index
    %swap3A_1534 = arith.constant 112 : index
    %swap3A_1535 = tpu.vector_load %arg11[%swap3A_1533, %swap3A_1534] {strides = array<i32>} : memref<32x128xf32, #tpu.memory_space<vmem>>, vector<16xf32>,
    tpu.vector_store %arg11[%swap3A_1533, %swap3A_1534], %select_n3A_1503 {strides = array<i32>} : memref<32x128xf32, #tpu.memory_space<vmem>>, vector<16xf32>,
    %eq3A_1536 = arith.constant 0 : i32
    %eq3A_1537 = arith.cmpi eq, %select_n3A_547, %eq3A_1536 : i32
    %select_n3A_1538 = arith.select %eq3A_1537, %add3A_516, %add3A_528 : vector<16xf32>
    %slice3A_1539 = vector.extract_strided_slice %select_n3A_1538 {offsets = [7], sizes = [1], strides = [1]} : vector<16xf32> to vector<1xf32>
    %squeeze3A_1540 = vector.extract %slice3A_1539[0] : f32 from vector<1xf32>
    %ge3A_1541 = arith.constant 0 : i32
    %ge3A_1542 = vector.broadcast %ge3A_1541 : i32 to vector<16xi32>
    %ge3A_1543 = arith.cmpi sge, %iota3A, %ge3A_1542 : vector<16xi32>
    %broadcast_in_dim3A_1544 = vector.broadcast %squeeze3A_1540 : f32 to vector<16xf32>
    %select_n3A_1545 = arith.select %ge3A_1543, %broadcast_in_dim3A_1544, %broadcast_in_dim3A_0 : vector<16xi1>, vector<16xf32>
    %swap3A_1546 = arith.constant 23 : i32
    %swap3A_1547 = arith.index_cast %swap3A_1546 : i32 to index
    %swap3A_1548 = arith.constant 0 : index
    %swap3A_1549 = tpu.vector_load %arg11[%swap3A_1547, %swap3A_1548] {strides = array<i32>} : memref<32x128xf32, #tpu.memory_space<vmem>>, vector<16xf32>,
    tpu.vector_store %arg11[%swap3A_1547, %swap3A_1548], %select_n3A_1545 {strides = array<i32>} : memref<32x128xf32, #tpu.memory_space<vmem>>, vector<16xf32>,
    %swap3A_1550 = arith.constant 23 : i32
    %swap3A_1551 = arith.index_cast %swap3A_1550 : i32 to index
    %swap3A_1552 = arith.constant 16 : index
    %swap3A_1553 = tpu.vector_load %arg11[%swap3A_1551, %swap3A_1552] {strides = array<i32>} : memref<32x128xf32, #tpu.memory_space<vmem>>, vector<16xf32>,
    tpu.vector_store %arg11[%swap3A_1551, %swap3A_1552], %select_n3A_1545 {strides = array<i32>} : memref<32x128xf32, #tpu.memory_space<vmem>>, vector<16xf32>,
    %swap3A_1554 = arith.constant 23 : i32
    %swap3A_1555 = arith.index_cast %swap3A_1554 : i32 to index
    %swap3A_1556 = arith.constant 32 : index
    %swap3A_1557 = tpu.vector_load %arg11[%swap3A_1555, %swap3A_1556] {strides = array<i32>} : memref<32x128xf32, #tpu.memory_space<vmem>>, vector<16xf32>,
    tpu.vector_store %arg11[%swap3A_1555, %swap3A_1556], %select_n3A_1545 {strides = array<i32>} : memref<32x128xf32, #tpu.memory_space<vmem>>, vector<16xf32>,
    %swap3A_1558 = arith.constant 23 : i32
    %swap3A_1559 = arith.index_cast %swap3A_1558 : i32 to index
    %swap3A_1560 = arith.constant 48 : index
    %swap3A_1561 = tpu.vector_load %arg11[%swap3A_1559, %swap3A_1560] {strides = array<i32>} : memref<32x128xf32, #tpu.memory_space<vmem>>, vector<16xf32>,
    tpu.vector_store %arg11[%swap3A_1559, %swap3A_1560], %select_n3A_1545 {strides = array<i32>} : memref<32x128xf32, #tpu.memory_space<vmem>>, vector<16xf32>,
    %swap3A_1562 = arith.constant 23 : i32
    %swap3A_1563 = arith.index_cast %swap3A_1562 : i32 to index
    %swap3A_1564 = arith.constant 64 : index
    %swap3A_1565 = tpu.vector_load %arg11[%swap3A_1563, %swap3A_1564] {strides = array<i32>} : memref<32x128xf32, #tpu.memory_space<vmem>>, vector<16xf32>,
    tpu.vector_store %arg11[%swap3A_1563, %swap3A_1564], %select_n3A_1545 {strides = array<i32>} : memref<32x128xf32, #tpu.memory_space<vmem>>, vector<16xf32>,
    %swap3A_1566 = arith.constant 23 : i32
    %swap3A_1567 = arith.index_cast %swap3A_1566 : i32 to index
    %swap3A_1568 = arith.constant 80 : index
    %swap3A_1569 = tpu.vector_load %arg11[%swap3A_1567, %swap3A_1568] {strides = array<i32>} : memref<32x128xf32, #tpu.memory_space<vmem>>, vector<16xf32>,
    tpu.vector_store %arg11[%swap3A_1567, %swap3A_1568], %select_n3A_1545 {strides = array<i32>} : memref<32x128xf32, #tpu.memory_space<vmem>>, vector<16xf32>,
    %swap3A_1570 = arith.constant 23 : i32
    %swap3A_1571 = arith.index_cast %swap3A_1570 : i32 to index
    %swap3A_1572 = arith.constant 96 : index
    %swap3A_1573 = tpu.vector_load %arg11[%swap3A_1571, %swap3A_1572] {strides = array<i32>} : memref<32x128xf32, #tpu.memory_space<vmem>>, vector<16xf32>,
    tpu.vector_store %arg11[%swap3A_1571, %swap3A_1572], %select_n3A_1545 {strides = array<i32>} : memref<32x128xf32, #tpu.memory_space<vmem>>, vector<16xf32>,
    %swap3A_1574 = arith.constant 23 : i32
    %swap3A_1575 = arith.index_cast %swap3A_1574 : i32 to index
    %swap3A_1576 = arith.constant 112 : index
    %swap3A_1577 = tpu.vector_load %arg11[%swap3A_1575, %swap3A_1576] {strides = array<i32>} : memref<32x128xf32, #tpu.memory_space<vmem>>, vector<16xf32>,
    tpu.vector_store %arg11[%swap3A_1575, %swap3A_1576], %select_n3A_1545 {strides = array<i32>} : memref<32x128xf32, #tpu.memory_space<vmem>>, vector<16xf32>,
    %eq3A_1578 = arith.constant 0 : i32
    %eq3A_1579 = arith.cmpi eq, %select_n3A_547, %eq3A_1578 : i32
    %select_n3A_1580 = arith.select %eq3A_1579, %add3A_516, %add3A_528 : vector<16xf32>
    %slice3A_1581 = vector.extract_strided_slice %select_n3A_1580 {offsets = [8], sizes = [1], strides = [1]} : vector<16xf32> to vector<1xf32>
    %squeeze3A_1582 = vector.extract %slice3A_1581[0] : f32 from vector<1xf32>
    %ge3A_1583 = arith.constant 0 : i32
    %ge3A_1584 = vector.broadcast %ge3A_1583 : i32 to vector<16xi32>
    %ge3A_1585 = arith.cmpi sge, %iota3A, %ge3A_1584 : vector<16xi32>
    %broadcast_in_dim3A_1586 = vector.broadcast %squeeze3A_1582 : f32 to vector<16xf32>
    %select_n3A_1587 = arith.select %ge3A_1585, %broadcast_in_dim3A_1586, %broadcast_in_dim3A_0 : vector<16xi1>, vector<16xf32>
    %swap3A_1588 = arith.constant 24 : i32
    %swap3A_1589 = arith.index_cast %swap3A_1588 : i32 to index
    %swap3A_1590 = arith.constant 0 : index
    %swap3A_1591 = tpu.vector_load %arg11[%swap3A_1589, %swap3A_1590] {strides = array<i32>} : memref<32x128xf32, #tpu.memory_space<vmem>>, vector<16xf32>,
    tpu.vector_store %arg11[%swap3A_1589, %swap3A_1590], %select_n3A_1587 {strides = array<i32>} : memref<32x128xf32, #tpu.memory_space<vmem>>, vector<16xf32>,
    %swap3A_1592 = arith.constant 24 : i32
    %swap3A_1593 = arith.index_cast %swap3A_1592 : i32 to index
    %swap3A_1594 = arith.constant 16 : index
    %swap3A_1595 = tpu.vector_load %arg11[%swap3A_1593, %swap3A_1594] {strides = array<i32>} : memref<32x128xf32, #tpu.memory_space<vmem>>, vector<16xf32>,
    tpu.vector_store %arg11[%swap3A_1593, %swap3A_1594], %select_n3A_1587 {strides = array<i32>} : memref<32x128xf32, #tpu.memory_space<vmem>>, vector<16xf32>,
    %swap3A_1596 = arith.constant 24 : i32
    %swap3A_1597 = arith.index_cast %swap3A_1596 : i32 to index
    %swap3A_1598 = arith.constant 32 : index
    %swap3A_1599 = tpu.vector_load %arg11[%swap3A_1597, %swap3A_1598] {strides = array<i32>} : memref<32x128xf32, #tpu.memory_space<vmem>>, vector<16xf32>,
    tpu.vector_store %arg11[%swap3A_1597, %swap3A_1598], %select_n3A_1587 {strides = array<i32>} : memref<32x128xf32, #tpu.memory_space<vmem>>, vector<16xf32>,
    %swap3A_1600 = arith.constant 24 : i32
    %swap3A_1601 = arith.index_cast %swap3A_1600 : i32 to index
    %swap3A_1602 = arith.constant 48 : index
    %swap3A_1603 = tpu.vector_load %arg11[%swap3A_1601, %swap3A_1602] {strides = array<i32>} : memref<32x128xf32, #tpu.memory_space<vmem>>, vector<16xf32>,
    tpu.vector_store %arg11[%swap3A_1601, %swap3A_1602], %select_n3A_1587 {strides = array<i32>} : memref<32x128xf32, #tpu.memory_space<vmem>>, vector<16xf32>,
    %swap3A_1604 = arith.constant 24 : i32
    %swap3A_1605 = arith.index_cast %swap3A_1604 : i32 to index
    %swap3A_1606 = arith.constant 64 : index
    %swap3A_1607 = tpu.vector_load %arg11[%swap3A_1605, %swap3A_1606] {strides = array<i32>} : memref<32x128xf32, #tpu.memory_space<vmem>>, vector<16xf32>,
    tpu.vector_store %arg11[%swap3A_1605, %swap3A_1606], %select_n3A_1587 {strides = array<i32>} : memref<32x128xf32, #tpu.memory_space<vmem>>, vector<16xf32>,
    %swap3A_1608 = arith.constant 24 : i32
    %swap3A_1609 = arith.index_cast %swap3A_1608 : i32 to index
    %swap3A_1610 = arith.constant 80 : index
    %swap3A_1611 = tpu.vector_load %arg11[%swap3A_1609, %swap3A_1610] {strides = array<i32>} : memref<32x128xf32, #tpu.memory_space<vmem>>, vector<16xf32>,
    tpu.vector_store %arg11[%swap3A_1609, %swap3A_1610], %select_n3A_1587 {strides = array<i32>} : memref<32x128xf32, #tpu.memory_space<vmem>>, vector<16xf32>,
    %swap3A_1612 = arith.constant 24 : i32
    %swap3A_1613 = arith.index_cast %swap3A_1612 : i32 to index
    %swap3A_1614 = arith.constant 96 : index
    %swap3A_1615 = tpu.vector_load %arg11[%swap3A_1613, %swap3A_1614] {strides = array<i32>} : memref<32x128xf32, #tpu.memory_space<vmem>>, vector<16xf32>,
    tpu.vector_store %arg11[%swap3A_1613, %swap3A_1614], %select_n3A_1587 {strides = array<i32>} : memref<32x128xf32, #tpu.memory_space<vmem>>, vector<16xf32>,
    %swap3A_1616 = arith.constant 24 : i32
    %swap3A_1617 = arith.index_cast %swap3A_1616 : i32 to index
    %swap3A_1618 = arith.constant 112 : index
    %swap3A_1619 = tpu.vector_load %arg11[%swap3A_1617, %swap3A_1618] {strides = array<i32>} : memref<32x128xf32, #tpu.memory_space<vmem>>, vector<16xf32>,
    tpu.vector_store %arg11[%swap3A_1617, %swap3A_1618], %select_n3A_1587 {strides = array<i32>} : memref<32x128xf32, #tpu.memory_space<vmem>>, vector<16xf32>,
    %eq3A_1620 = arith.constant 0 : i32
    %eq3A_1621 = arith.cmpi eq, %select_n3A_547, %eq3A_1620 : i32
    %select_n3A_1622 = arith.select %eq3A_1621, %add3A_516, %add3A_528 : vector<16xf32>
    %slice3A_1623 = vector.extract_strided_slice %select_n3A_1622 {offsets = [9], sizes = [1], strides = [1]} : vector<16xf32> to vector<1xf32>
    %squeeze3A_1624 = vector.extract %slice3A_1623[0] : f32 from vector<1xf32>
    %ge3A_1625 = arith.constant 0 : i32
    %ge3A_1626 = vector.broadcast %ge3A_1625 : i32 to vector<16xi32>
    %ge3A_1627 = arith.cmpi sge, %iota3A, %ge3A_1626 : vector<16xi32>
    %broadcast_in_dim3A_1628 = vector.broadcast %squeeze3A_1624 : f32 to vector<16xf32>
    %select_n3A_1629 = arith.select %ge3A_1627, %broadcast_in_dim3A_1628, %broadcast_in_dim3A_0 : vector<16xi1>, vector<16xf32>
    %swap3A_1630 = arith.constant 25 : i32
    %swap3A_1631 = arith.index_cast %swap3A_1630 : i32 to index
    %swap3A_1632 = arith.constant 0 : index
    %swap3A_1633 = tpu.vector_load %arg11[%swap3A_1631, %swap3A_1632] {strides = array<i32>} : memref<32x128xf32, #tpu.memory_space<vmem>>, vector<16xf32>,
    tpu.vector_store %arg11[%swap3A_1631, %swap3A_1632], %select_n3A_1629 {strides = array<i32>} : memref<32x128xf32, #tpu.memory_space<vmem>>, vector<16xf32>,
    %swap3A_1634 = arith.constant 25 : i32
    %swap3A_1635 = arith.index_cast %swap3A_1634 : i32 to index
    %swap3A_1636 = arith.constant 16 : index
    %swap3A_1637 = tpu.vector_load %arg11[%swap3A_1635, %swap3A_1636] {strides = array<i32>} : memref<32x128xf32, #tpu.memory_space<vmem>>, vector<16xf32>,
    tpu.vector_store %arg11[%swap3A_1635, %swap3A_1636], %select_n3A_1629 {strides = array<i32>} : memref<32x128xf32, #tpu.memory_space<vmem>>, vector<16xf32>,
    %swap3A_1638 = arith.constant 25 : i32
    %swap3A_1639 = arith.index_cast %swap3A_1638 : i32 to index
    %swap3A_1640 = arith.constant 32 : index
    %swap3A_1641 = tpu.vector_load %arg11[%swap3A_1639, %swap3A_1640] {strides = array<i32>} : memref<32x128xf32, #tpu.memory_space<vmem>>, vector<16xf32>,
    tpu.vector_store %arg11[%swap3A_1639, %swap3A_1640], %select_n3A_1629 {strides = array<i32>} : memref<32x128xf32, #tpu.memory_space<vmem>>, vector<16xf32>,
    %swap3A_1642 = arith.constant 25 : i32
    %swap3A_1643 = arith.index_cast %swap3A_1642 : i32 to index
    %swap3A_1644 = arith.constant 48 : index
    %swap3A_1645 = tpu.vector_load %arg11[%swap3A_1643, %swap3A_1644] {strides = array<i32>} : memref<32x128xf32, #tpu.memory_space<vmem>>, vector<16xf32>,
    tpu.vector_store %arg11[%swap3A_1643, %swap3A_1644], %select_n3A_1629 {strides = array<i32>} : memref<32x128xf32, #tpu.memory_space<vmem>>, vector<16xf32>,
    %swap3A_1646 = arith.constant 25 : i32
    %swap3A_1647 = arith.index_cast %swap3A_1646 : i32 to index
    %swap3A_1648 = arith.constant 64 : index
    %swap3A_1649 = tpu.vector_load %arg11[%swap3A_1647, %swap3A_1648] {strides = array<i32>} : memref<32x128xf32, #tpu.memory_space<vmem>>, vector<16xf32>,
    tpu.vector_store %arg11[%swap3A_1647, %swap3A_1648], %select_n3A_1629 {strides = array<i32>} : memref<32x128xf32, #tpu.memory_space<vmem>>, vector<16xf32>,
    %swap3A_1650 = arith.constant 25 : i32
    %swap3A_1651 = arith.index_cast %swap3A_1650 : i32 to index
    %swap3A_1652 = arith.constant 80 : index
    %swap3A_1653 = tpu.vector_load %arg11[%swap3A_1651, %swap3A_1652] {strides = array<i32>} : memref<32x128xf32, #tpu.memory_space<vmem>>, vector<16xf32>,
    tpu.vector_store %arg11[%swap3A_1651, %swap3A_1652], %select_n3A_1629 {strides = array<i32>} : memref<32x128xf32, #tpu.memory_space<vmem>>, vector<16xf32>,
    %swap3A_1654 = arith.constant 25 : i32
    %swap3A_1655 = arith.index_cast %swap3A_1654 : i32 to index
    %swap3A_1656 = arith.constant 96 : index
    %swap3A_1657 = tpu.vector_load %arg11[%swap3A_1655, %swap3A_1656] {strides = array<i32>} : memref<32x128xf32, #tpu.memory_space<vmem>>, vector<16xf32>,
    tpu.vector_store %arg11[%swap3A_1655, %swap3A_1656], %select_n3A_1629 {strides = array<i32>} : memref<32x128xf32, #tpu.memory_space<vmem>>, vector<16xf32>,
    %swap3A_1658 = arith.constant 25 : i32
    %swap3A_1659 = arith.index_cast %swap3A_1658 : i32 to index
    %swap3A_1660 = arith.constant 112 : index
    %swap3A_1661 = tpu.vector_load %arg11[%swap3A_1659, %swap3A_1660] {strides = array<i32>} : memref<32x128xf32, #tpu.memory_space<vmem>>, vector<16xf32>,
    tpu.vector_store %arg11[%swap3A_1659, %swap3A_1660], %select_n3A_1629 {strides = array<i32>} : memref<32x128xf32, #tpu.memory_space<vmem>>, vector<16xf32>,
    %eq3A_1662 = arith.constant 0 : i32
    %eq3A_1663 = arith.cmpi eq, %select_n3A_547, %eq3A_1662 : i32
    %select_n3A_1664 = arith.select %eq3A_1663, %add3A_516, %add3A_528 : vector<16xf32>
    %slice3A_1665 = vector.extract_strided_slice %select_n3A_1664 {offsets = [10], sizes = [1], strides = [1]} : vector<16xf32> to vector<1xf32>
    %squeeze3A_1666 = vector.extract %slice3A_1665[0] : f32 from vector<1xf32>
    %ge3A_1667 = arith.constant 0 : i32
    %ge3A_1668 = vector.broadcast %ge3A_1667 : i32 to vector<16xi32>
    %ge3A_1669 = arith.cmpi sge, %iota3A, %ge3A_1668 : vector<16xi32>
    %broadcast_in_dim3A_1670 = vector.broadcast %squeeze3A_1666 : f32 to vector<16xf32>
    %select_n3A_1671 = arith.select %ge3A_1669, %broadcast_in_dim3A_1670, %broadcast_in_dim3A_0 : vector<16xi1>, vector<16xf32>
    %swap3A_1672 = arith.constant 26 : i32
    %swap3A_1673 = arith.index_cast %swap3A_1672 : i32 to index
    %swap3A_1674 = arith.constant 0 : index
    %swap3A_1675 = tpu.vector_load %arg11[%swap3A_1673, %swap3A_1674] {strides = array<i32>} : memref<32x128xf32, #tpu.memory_space<vmem>>, vector<16xf32>,
    tpu.vector_store %arg11[%swap3A_1673, %swap3A_1674], %select_n3A_1671 {strides = array<i32>} : memref<32x128xf32, #tpu.memory_space<vmem>>, vector<16xf32>,
    %swap3A_1676 = arith.constant 26 : i32
    %swap3A_1677 = arith.index_cast %swap3A_1676 : i32 to index
    %swap3A_1678 = arith.constant 16 : index
    %swap3A_1679 = tpu.vector_load %arg11[%swap3A_1677, %swap3A_1678] {strides = array<i32>} : memref<32x128xf32, #tpu.memory_space<vmem>>, vector<16xf32>,
    tpu.vector_store %arg11[%swap3A_1677, %swap3A_1678], %select_n3A_1671 {strides = array<i32>} : memref<32x128xf32, #tpu.memory_space<vmem>>, vector<16xf32>,
    %swap3A_1680 = arith.constant 26 : i32
    %swap3A_1681 = arith.index_cast %swap3A_1680 : i32 to index
    %swap3A_1682 = arith.constant 32 : index
    %swap3A_1683 = tpu.vector_load %arg11[%swap3A_1681, %swap3A_1682] {strides = array<i32>} : memref<32x128xf32, #tpu.memory_space<vmem>>, vector<16xf32>,
    tpu.vector_store %arg11[%swap3A_1681, %swap3A_1682], %select_n3A_1671 {strides = array<i32>} : memref<32x128xf32, #tpu.memory_space<vmem>>, vector<16xf32>,
    %swap3A_1684 = arith.constant 26 : i32
    %swap3A_1685 = arith.index_cast %swap3A_1684 : i32 to index
    %swap3A_1686 = arith.constant 48 : index
    %swap3A_1687 = tpu.vector_load %arg11[%swap3A_1685, %swap3A_1686] {strides = array<i32>} : memref<32x128xf32, #tpu.memory_space<vmem>>, vector<16xf32>,
    tpu.vector_store %arg11[%swap3A_1685, %swap3A_1686], %select_n3A_1671 {strides = array<i32>} : memref<32x128xf32, #tpu.memory_space<vmem>>, vector<16xf32>,
    %swap3A_1688 = arith.constant 26 : i32
    %swap3A_1689 = arith.index_cast %swap3A_1688 : i32 to index
    %swap3A_1690 = arith.constant 64 : index
    %swap3A_1691 = tpu.vector_load %arg11[%swap3A_1689, %swap3A_1690] {strides = array<i32>} : memref<32x128xf32, #tpu.memory_space<vmem>>, vector<16xf32>,
    tpu.vector_store %arg11[%swap3A_1689, %swap3A_1690], %select_n3A_1671 {strides = array<i32>} : memref<32x128xf32, #tpu.memory_space<vmem>>, vector<16xf32>,
    %swap3A_1692 = arith.constant 26 : i32
    %swap3A_1693 = arith.index_cast %swap3A_1692 : i32 to index
    %swap3A_1694 = arith.constant 80 : index
    %swap3A_1695 = tpu.vector_load %arg11[%swap3A_1693, %swap3A_1694] {strides = array<i32>} : memref<32x128xf32, #tpu.memory_space<vmem>>, vector<16xf32>,
    tpu.vector_store %arg11[%swap3A_1693, %swap3A_1694], %select_n3A_1671 {strides = array<i32>} : memref<32x128xf32, #tpu.memory_space<vmem>>, vector<16xf32>,
    %swap3A_1696 = arith.constant 26 : i32
    %swap3A_1697 = arith.index_cast %swap3A_1696 : i32 to index
    %swap3A_1698 = arith.constant 96 : index
    %swap3A_1699 = tpu.vector_load %arg11[%swap3A_1697, %swap3A_1698] {strides = array<i32>} : memref<32x128xf32, #tpu.memory_space<vmem>>, vector<16xf32>,
    tpu.vector_store %arg11[%swap3A_1697, %swap3A_1698], %select_n3A_1671 {strides = array<i32>} : memref<32x128xf32, #tpu.memory_space<vmem>>, vector<16xf32>,
    %swap3A_1700 = arith.constant 26 : i32
    %swap3A_1701 = arith.index_cast %swap3A_1700 : i32 to index
    %swap3A_1702 = arith.constant 112 : index
    %swap3A_1703 = tpu.vector_load %arg11[%swap3A_1701, %swap3A_1702] {strides = array<i32>} : memref<32x128xf32, #tpu.memory_space<vmem>>, vector<16xf32>,
    tpu.vector_store %arg11[%swap3A_1701, %swap3A_1702], %select_n3A_1671 {strides = array<i32>} : memref<32x128xf32, #tpu.memory_space<vmem>>, vector<16xf32>,
    %eq3A_1704 = arith.constant 0 : i32
    %eq3A_1705 = arith.cmpi eq, %select_n3A_547, %eq3A_1704 : i32
    %select_n3A_1706 = arith.select %eq3A_1705, %add3A_516, %add3A_528 : vector<16xf32>
    %slice3A_1707 = vector.extract_strided_slice %select_n3A_1706 {offsets = [11], sizes = [1], strides = [1]} : vector<16xf32> to vector<1xf32>
    %squeeze3A_1708 = vector.extract %slice3A_1707[0] : f32 from vector<1xf32>
    %ge3A_1709 = arith.constant 0 : i32
    %ge3A_1710 = vector.broadcast %ge3A_1709 : i32 to vector<16xi32>
    %ge3A_1711 = arith.cmpi sge, %iota3A, %ge3A_1710 : vector<16xi32>
    %broadcast_in_dim3A_1712 = vector.broadcast %squeeze3A_1708 : f32 to vector<16xf32>
    %select_n3A_1713 = arith.select %ge3A_1711, %broadcast_in_dim3A_1712, %broadcast_in_dim3A_0 : vector<16xi1>, vector<16xf32>
    %swap3A_1714 = arith.constant 27 : i32
    %swap3A_1715 = arith.index_cast %swap3A_1714 : i32 to index
    %swap3A_1716 = arith.constant 0 : index
    %swap3A_1717 = tpu.vector_load %arg11[%swap3A_1715, %swap3A_1716] {strides = array<i32>} : memref<32x128xf32, #tpu.memory_space<vmem>>, vector<16xf32>,
    tpu.vector_store %arg11[%swap3A_1715, %swap3A_1716], %select_n3A_1713 {strides = array<i32>} : memref<32x128xf32, #tpu.memory_space<vmem>>, vector<16xf32>,
    %swap3A_1718 = arith.constant 27 : i32
    %swap3A_1719 = arith.index_cast %swap3A_1718 : i32 to index
    %swap3A_1720 = arith.constant 16 : index
    %swap3A_1721 = tpu.vector_load %arg11[%swap3A_1719, %swap3A_1720] {strides = array<i32>} : memref<32x128xf32, #tpu.memory_space<vmem>>, vector<16xf32>,
    tpu.vector_store %arg11[%swap3A_1719, %swap3A_1720], %select_n3A_1713 {strides = array<i32>} : memref<32x128xf32, #tpu.memory_space<vmem>>, vector<16xf32>,
    %swap3A_1722 = arith.constant 27 : i32
    %swap3A_1723 = arith.index_cast %swap3A_1722 : i32 to index
    %swap3A_1724 = arith.constant 32 : index
    %swap3A_1725 = tpu.vector_load %arg11[%swap3A_1723, %swap3A_1724] {strides = array<i32>} : memref<32x128xf32, #tpu.memory_space<vmem>>, vector<16xf32>,
    tpu.vector_store %arg11[%swap3A_1723, %swap3A_1724], %select_n3A_1713 {strides = array<i32>} : memref<32x128xf32, #tpu.memory_space<vmem>>, vector<16xf32>,
    %swap3A_1726 = arith.constant 27 : i32
    %swap3A_1727 = arith.index_cast %swap3A_1726 : i32 to index
    %swap3A_1728 = arith.constant 48 : index
    %swap3A_1729 = tpu.vector_load %arg11[%swap3A_1727, %swap3A_1728] {strides = array<i32>} : memref<32x128xf32, #tpu.memory_space<vmem>>, vector<16xf32>,
    tpu.vector_store %arg11[%swap3A_1727, %swap3A_1728], %select_n3A_1713 {strides = array<i32>} : memref<32x128xf32, #tpu.memory_space<vmem>>, vector<16xf32>,
    %swap3A_1730 = arith.constant 27 : i32
    %swap3A_1731 = arith.index_cast %swap3A_1730 : i32 to index
    %swap3A_1732 = arith.constant 64 : index
    %swap3A_1733 = tpu.vector_load %arg11[%swap3A_1731, %swap3A_1732] {strides = array<i32>} : memref<32x128xf32, #tpu.memory_space<vmem>>, vector<16xf32>,
    tpu.vector_store %arg11[%swap3A_1731, %swap3A_1732], %select_n3A_1713 {strides = array<i32>} : memref<32x128xf32, #tpu.memory_space<vmem>>, vector<16xf32>,
    %swap3A_1734 = arith.constant 27 : i32
    %swap3A_1735 = arith.index_cast %swap3A_1734 : i32 to index
    %swap3A_1736 = arith.constant 80 : index
    %swap3A_1737 = tpu.vector_load %arg11[%swap3A_1735, %swap3A_1736] {strides = array<i32>} : memref<32x128xf32, #tpu.memory_space<vmem>>, vector<16xf32>,
    tpu.vector_store %arg11[%swap3A_1735, %swap3A_1736], %select_n3A_1713 {strides = array<i32>} : memref<32x128xf32, #tpu.memory_space<vmem>>, vector<16xf32>,
    %swap3A_1738 = arith.constant 27 : i32
    %swap3A_1739 = arith.index_cast %swap3A_1738 : i32 to index
    %swap3A_1740 = arith.constant 96 : index
    %swap3A_1741 = tpu.vector_load %arg11[%swap3A_1739, %swap3A_1740] {strides = array<i32>} : memref<32x128xf32, #tpu.memory_space<vmem>>, vector<16xf32>,
    tpu.vector_store %arg11[%swap3A_1739, %swap3A_1740], %select_n3A_1713 {strides = array<i32>} : memref<32x128xf32, #tpu.memory_space<vmem>>, vector<16xf32>,
    %swap3A_1742 = arith.constant 27 : i32
    %swap3A_1743 = arith.index_cast %swap3A_1742 : i32 to index
    %swap3A_1744 = arith.constant 112 : index
    %swap3A_1745 = tpu.vector_load %arg11[%swap3A_1743, %swap3A_1744] {strides = array<i32>} : memref<32x128xf32, #tpu.memory_space<vmem>>, vector<16xf32>,
    tpu.vector_store %arg11[%swap3A_1743, %swap3A_1744], %select_n3A_1713 {strides = array<i32>} : memref<32x128xf32, #tpu.memory_space<vmem>>, vector<16xf32>,
    %eq3A_1746 = arith.constant 0 : i32
    %eq3A_1747 = arith.cmpi eq, %select_n3A_547, %eq3A_1746 : i32
    %select_n3A_1748 = arith.select %eq3A_1747, %add3A_516, %add3A_528 : vector<16xf32>
    %slice3A_1749 = vector.extract_strided_slice %select_n3A_1748 {offsets = [12], sizes = [1], strides = [1]} : vector<16xf32> to vector<1xf32>
    %squeeze3A_1750 = vector.extract %slice3A_1749[0] : f32 from vector<1xf32>
    %ge3A_1751 = arith.constant 0 : i32
    %ge3A_1752 = vector.broadcast %ge3A_1751 : i32 to vector<16xi32>
    %ge3A_1753 = arith.cmpi sge, %iota3A, %ge3A_1752 : vector<16xi32>
    %broadcast_in_dim3A_1754 = vector.broadcast %squeeze3A_1750 : f32 to vector<16xf32>
    %select_n3A_1755 = arith.select %ge3A_1753, %broadcast_in_dim3A_1754, %broadcast_in_dim3A_0 : vector<16xi1>, vector<16xf32>
    %swap3A_1756 = arith.constant 28 : i32
    %swap3A_1757 = arith.index_cast %swap3A_1756 : i32 to index
    %swap3A_1758 = arith.constant 0 : index
    %swap3A_1759 = tpu.vector_load %arg11[%swap3A_1757, %swap3A_1758] {strides = array<i32>} : memref<32x128xf32, #tpu.memory_space<vmem>>, vector<16xf32>,
    tpu.vector_store %arg11[%swap3A_1757, %swap3A_1758], %select_n3A_1755 {strides = array<i32>} : memref<32x128xf32, #tpu.memory_space<vmem>>, vector<16xf32>,
    %swap3A_1760 = arith.constant 28 : i32
    %swap3A_1761 = arith.index_cast %swap3A_1760 : i32 to index
    %swap3A_1762 = arith.constant 16 : index
    %swap3A_1763 = tpu.vector_load %arg11[%swap3A_1761, %swap3A_1762] {strides = array<i32>} : memref<32x128xf32, #tpu.memory_space<vmem>>, vector<16xf32>,
    tpu.vector_store %arg11[%swap3A_1761, %swap3A_1762], %select_n3A_1755 {strides = array<i32>} : memref<32x128xf32, #tpu.memory_space<vmem>>, vector<16xf32>,
    %swap3A_1764 = arith.constant 28 : i32
    %swap3A_1765 = arith.index_cast %swap3A_1764 : i32 to index
    %swap3A_1766 = arith.constant 32 : index
    %swap3A_1767 = tpu.vector_load %arg11[%swap3A_1765, %swap3A_1766] {strides = array<i32>} : memref<32x128xf32, #tpu.memory_space<vmem>>, vector<16xf32>,
    tpu.vector_store %arg11[%swap3A_1765, %swap3A_1766], %select_n3A_1755 {strides = array<i32>} : memref<32x128xf32, #tpu.memory_space<vmem>>, vector<16xf32>,
    %swap3A_1768 = arith.constant 28 : i32
    %swap3A_1769 = arith.index_cast %swap3A_1768 : i32 to index
    %swap3A_1770 = arith.constant 48 : index
    %swap3A_1771 = tpu.vector_load %arg11[%swap3A_1769, %swap3A_1770] {strides = array<i32>} : memref<32x128xf32, #tpu.memory_space<vmem>>, vector<16xf32>,
    tpu.vector_store %arg11[%swap3A_1769, %swap3A_1770], %select_n3A_1755 {strides = array<i32>} : memref<32x128xf32, #tpu.memory_space<vmem>>, vector<16xf32>,
    %swap3A_1772 = arith.constant 28 : i32
    %swap3A_1773 = arith.index_cast %swap3A_1772 : i32 to index
    %swap3A_1774 = arith.constant 64 : index
    %swap3A_1775 = tpu.vector_load %arg11[%swap3A_1773, %swap3A_1774] {strides = array<i32>} : memref<32x128xf32, #tpu.memory_space<vmem>>, vector<16xf32>,
    tpu.vector_store %arg11[%swap3A_1773, %swap3A_1774], %select_n3A_1755 {strides = array<i32>} : memref<32x128xf32, #tpu.memory_space<vmem>>, vector<16xf32>,
    %swap3A_1776 = arith.constant 28 : i32
    %swap3A_1777 = arith.index_cast %swap3A_1776 : i32 to index
    %swap3A_1778 = arith.constant 80 : index
    %swap3A_1779 = tpu.vector_load %arg11[%swap3A_1777, %swap3A_1778] {strides = array<i32>} : memref<32x128xf32, #tpu.memory_space<vmem>>, vector<16xf32>,
    tpu.vector_store %arg11[%swap3A_1777, %swap3A_1778], %select_n3A_1755 {strides = array<i32>} : memref<32x128xf32, #tpu.memory_space<vmem>>, vector<16xf32>,
    %swap3A_1780 = arith.constant 28 : i32
    %swap3A_1781 = arith.index_cast %swap3A_1780 : i32 to index
    %swap3A_1782 = arith.constant 96 : index
    %swap3A_1783 = tpu.vector_load %arg11[%swap3A_1781, %swap3A_1782] {strides = array<i32>} : memref<32x128xf32, #tpu.memory_space<vmem>>, vector<16xf32>,
    tpu.vector_store %arg11[%swap3A_1781, %swap3A_1782], %select_n3A_1755 {strides = array<i32>} : memref<32x128xf32, #tpu.memory_space<vmem>>, vector<16xf32>,
    %swap3A_1784 = arith.constant 28 : i32
    %swap3A_1785 = arith.index_cast %swap3A_1784 : i32 to index
    %swap3A_1786 = arith.constant 112 : index
    %swap3A_1787 = tpu.vector_load %arg11[%swap3A_1785, %swap3A_1786] {strides = array<i32>} : memref<32x128xf32, #tpu.memory_space<vmem>>, vector<16xf32>,
    tpu.vector_store %arg11[%swap3A_1785, %swap3A_1786], %select_n3A_1755 {strides = array<i32>} : memref<32x128xf32, #tpu.memory_space<vmem>>, vector<16xf32>,
    %eq3A_1788 = arith.constant 0 : i32
    %eq3A_1789 = arith.cmpi eq, %select_n3A_547, %eq3A_1788 : i32
    %select_n3A_1790 = arith.select %eq3A_1789, %add3A_516, %add3A_528 : vector<16xf32>
    %slice3A_1791 = vector.extract_strided_slice %select_n3A_1790 {offsets = [13], sizes = [1], strides = [1]} : vector<16xf32> to vector<1xf32>
    %squeeze3A_1792 = vector.extract %slice3A_1791[0] : f32 from vector<1xf32>
    %ge3A_1793 = arith.constant 0 : i32
    %ge3A_1794 = vector.broadcast %ge3A_1793 : i32 to vector<16xi32>
    %ge3A_1795 = arith.cmpi sge, %iota3A, %ge3A_1794 : vector<16xi32>
    %broadcast_in_dim3A_1796 = vector.broadcast %squeeze3A_1792 : f32 to vector<16xf32>
    %select_n3A_1797 = arith.select %ge3A_1795, %broadcast_in_dim3A_1796, %broadcast_in_dim3A_0 : vector<16xi1>, vector<16xf32>
    %swap3A_1798 = arith.constant 29 : i32
    %swap3A_1799 = arith.index_cast %swap3A_1798 : i32 to index
    %swap3A_1800 = arith.constant 0 : index
    %swap3A_1801 = tpu.vector_load %arg11[%swap3A_1799, %swap3A_1800] {strides = array<i32>} : memref<32x128xf32, #tpu.memory_space<vmem>>, vector<16xf32>,
    tpu.vector_store %arg11[%swap3A_1799, %swap3A_1800], %select_n3A_1797 {strides = array<i32>} : memref<32x128xf32, #tpu.memory_space<vmem>>, vector<16xf32>,
    %swap3A_1802 = arith.constant 29 : i32
    %swap3A_1803 = arith.index_cast %swap3A_1802 : i32 to index
    %swap3A_1804 = arith.constant 16 : index
    %swap3A_1805 = tpu.vector_load %arg11[%swap3A_1803, %swap3A_1804] {strides = array<i32>} : memref<32x128xf32, #tpu.memory_space<vmem>>, vector<16xf32>,
    tpu.vector_store %arg11[%swap3A_1803, %swap3A_1804], %select_n3A_1797 {strides = array<i32>} : memref<32x128xf32, #tpu.memory_space<vmem>>, vector<16xf32>,
    %swap3A_1806 = arith.constant 29 : i32
    %swap3A_1807 = arith.index_cast %swap3A_1806 : i32 to index
    %swap3A_1808 = arith.constant 32 : index
    %swap3A_1809 = tpu.vector_load %arg11[%swap3A_1807, %swap3A_1808] {strides = array<i32>} : memref<32x128xf32, #tpu.memory_space<vmem>>, vector<16xf32>,
    tpu.vector_store %arg11[%swap3A_1807, %swap3A_1808], %select_n3A_1797 {strides = array<i32>} : memref<32x128xf32, #tpu.memory_space<vmem>>, vector<16xf32>,
    %swap3A_1810 = arith.constant 29 : i32
    %swap3A_1811 = arith.index_cast %swap3A_1810 : i32 to index
    %swap3A_1812 = arith.constant 48 : index
    %swap3A_1813 = tpu.vector_load %arg11[%swap3A_1811, %swap3A_1812] {strides = array<i32>} : memref<32x128xf32, #tpu.memory_space<vmem>>, vector<16xf32>,
    tpu.vector_store %arg11[%swap3A_1811, %swap3A_1812], %select_n3A_1797 {strides = array<i32>} : memref<32x128xf32, #tpu.memory_space<vmem>>, vector<16xf32>,
    %swap3A_1814 = arith.constant 29 : i32
    %swap3A_1815 = arith.index_cast %swap3A_1814 : i32 to index
    %swap3A_1816 = arith.constant 64 : index
    %swap3A_1817 = tpu.vector_load %arg11[%swap3A_1815, %swap3A_1816] {strides = array<i32>} : memref<32x128xf32, #tpu.memory_space<vmem>>, vector<16xf32>,
    tpu.vector_store %arg11[%swap3A_1815, %swap3A_1816], %select_n3A_1797 {strides = array<i32>} : memref<32x128xf32, #tpu.memory_space<vmem>>, vector<16xf32>,
    %swap3A_1818 = arith.constant 29 : i32
    %swap3A_1819 = arith.index_cast %swap3A_1818 : i32 to index
    %swap3A_1820 = arith.constant 80 : index
    %swap3A_1821 = tpu.vector_load %arg11[%swap3A_1819, %swap3A_1820] {strides = array<i32>} : memref<32x128xf32, #tpu.memory_space<vmem>>, vector<16xf32>,
    tpu.vector_store %arg11[%swap3A_1819, %swap3A_1820], %select_n3A_1797 {strides = array<i32>} : memref<32x128xf32, #tpu.memory_space<vmem>>, vector<16xf32>,
    %swap3A_1822 = arith.constant 29 : i32
    %swap3A_1823 = arith.index_cast %swap3A_1822 : i32 to index
    %swap3A_1824 = arith.constant 96 : index
    %swap3A_1825 = tpu.vector_load %arg11[%swap3A_1823, %swap3A_1824] {strides = array<i32>} : memref<32x128xf32, #tpu.memory_space<vmem>>, vector<16xf32>,
    tpu.vector_store %arg11[%swap3A_1823, %swap3A_1824], %select_n3A_1797 {strides = array<i32>} : memref<32x128xf32, #tpu.memory_space<vmem>>, vector<16xf32>,
    %swap3A_1826 = arith.constant 29 : i32
    %swap3A_1827 = arith.index_cast %swap3A_1826 : i32 to index
    %swap3A_1828 = arith.constant 112 : index
    %swap3A_1829 = tpu.vector_load %arg11[%swap3A_1827, %swap3A_1828] {strides = array<i32>} : memref<32x128xf32, #tpu.memory_space<vmem>>, vector<16xf32>,
    tpu.vector_store %arg11[%swap3A_1827, %swap3A_1828], %select_n3A_1797 {strides = array<i32>} : memref<32x128xf32, #tpu.memory_space<vmem>>, vector<16xf32>,
    %eq3A_1830 = arith.constant 0 : i32
    %eq3A_1831 = arith.cmpi eq, %select_n3A_547, %eq3A_1830 : i32
    %select_n3A_1832 = arith.select %eq3A_1831, %add3A_516, %add3A_528 : vector<16xf32>
    %slice3A_1833 = vector.extract_strided_slice %select_n3A_1832 {offsets = [14], sizes = [1], strides = [1]} : vector<16xf32> to vector<1xf32>
    %squeeze3A_1834 = vector.extract %slice3A_1833[0] : f32 from vector<1xf32>
    %ge3A_1835 = arith.constant 0 : i32
    %ge3A_1836 = vector.broadcast %ge3A_1835 : i32 to vector<16xi32>
    %ge3A_1837 = arith.cmpi sge, %iota3A, %ge3A_1836 : vector<16xi32>
    %broadcast_in_dim3A_1838 = vector.broadcast %squeeze3A_1834 : f32 to vector<16xf32>
    %select_n3A_1839 = arith.select %ge3A_1837, %broadcast_in_dim3A_1838, %broadcast_in_dim3A_0 : vector<16xi1>, vector<16xf32>
    %swap3A_1840 = arith.constant 30 : i32
    %swap3A_1841 = arith.index_cast %swap3A_1840 : i32 to index
    %swap3A_1842 = arith.constant 0 : index
    %swap3A_1843 = tpu.vector_load %arg11[%swap3A_1841, %swap3A_1842] {strides = array<i32>} : memref<32x128xf32, #tpu.memory_space<vmem>>, vector<16xf32>,
    tpu.vector_store %arg11[%swap3A_1841, %swap3A_1842], %select_n3A_1839 {strides = array<i32>} : memref<32x128xf32, #tpu.memory_space<vmem>>, vector<16xf32>,
    %swap3A_1844 = arith.constant 30 : i32
    %swap3A_1845 = arith.index_cast %swap3A_1844 : i32 to index
    %swap3A_1846 = arith.constant 16 : index
    %swap3A_1847 = tpu.vector_load %arg11[%swap3A_1845, %swap3A_1846] {strides = array<i32>} : memref<32x128xf32, #tpu.memory_space<vmem>>, vector<16xf32>,
    tpu.vector_store %arg11[%swap3A_1845, %swap3A_1846], %select_n3A_1839 {strides = array<i32>} : memref<32x128xf32, #tpu.memory_space<vmem>>, vector<16xf32>,
    %swap3A_1848 = arith.constant 30 : i32
    %swap3A_1849 = arith.index_cast %swap3A_1848 : i32 to index
    %swap3A_1850 = arith.constant 32 : index
    %swap3A_1851 = tpu.vector_load %arg11[%swap3A_1849, %swap3A_1850] {strides = array<i32>} : memref<32x128xf32, #tpu.memory_space<vmem>>, vector<16xf32>,
    tpu.vector_store %arg11[%swap3A_1849, %swap3A_1850], %select_n3A_1839 {strides = array<i32>} : memref<32x128xf32, #tpu.memory_space<vmem>>, vector<16xf32>,
    %swap3A_1852 = arith.constant 30 : i32
    %swap3A_1853 = arith.index_cast %swap3A_1852 : i32 to index
    %swap3A_1854 = arith.constant 48 : index
    %swap3A_1855 = tpu.vector_load %arg11[%swap3A_1853, %swap3A_1854] {strides = array<i32>} : memref<32x128xf32, #tpu.memory_space<vmem>>, vector<16xf32>,
    tpu.vector_store %arg11[%swap3A_1853, %swap3A_1854], %select_n3A_1839 {strides = array<i32>} : memref<32x128xf32, #tpu.memory_space<vmem>>, vector<16xf32>,
    %swap3A_1856 = arith.constant 30 : i32
    %swap3A_1857 = arith.index_cast %swap3A_1856 : i32 to index
    %swap3A_1858 = arith.constant 64 : index
    %swap3A_1859 = tpu.vector_load %arg11[%swap3A_1857, %swap3A_1858] {strides = array<i32>} : memref<32x128xf32, #tpu.memory_space<vmem>>, vector<16xf32>,
    tpu.vector_store %arg11[%swap3A_1857, %swap3A_1858], %select_n3A_1839 {strides = array<i32>} : memref<32x128xf32, #tpu.memory_space<vmem>>, vector<16xf32>,
    %swap3A_1860 = arith.constant 30 : i32
    %swap3A_1861 = arith.index_cast %swap3A_1860 : i32 to index
    %swap3A_1862 = arith.constant 80 : index
    %swap3A_1863 = tpu.vector_load %arg11[%swap3A_1861, %swap3A_1862] {strides = array<i32>} : memref<32x128xf32, #tpu.memory_space<vmem>>, vector<16xf32>,
    tpu.vector_store %arg11[%swap3A_1861, %swap3A_1862], %select_n3A_1839 {strides = array<i32>} : memref<32x128xf32, #tpu.memory_space<vmem>>, vector<16xf32>,
    %swap3A_1864 = arith.constant 30 : i32
    %swap3A_1865 = arith.index_cast %swap3A_1864 : i32 to index
    %swap3A_1866 = arith.constant 96 : index
    %swap3A_1867 = tpu.vector_load %arg11[%swap3A_1865, %swap3A_1866] {strides = array<i32>} : memref<32x128xf32, #tpu.memory_space<vmem>>, vector<16xf32>,
    tpu.vector_store %arg11[%swap3A_1865, %swap3A_1866], %select_n3A_1839 {strides = array<i32>} : memref<32x128xf32, #tpu.memory_space<vmem>>, vector<16xf32>,
    %swap3A_1868 = arith.constant 30 : i32
    %swap3A_1869 = arith.index_cast %swap3A_1868 : i32 to index
    %swap3A_1870 = arith.constant 112 : index
    %swap3A_1871 = tpu.vector_load %arg11[%swap3A_1869, %swap3A_1870] {strides = array<i32>} : memref<32x128xf32, #tpu.memory_space<vmem>>, vector<16xf32>,
    tpu.vector_store %arg11[%swap3A_1869, %swap3A_1870], %select_n3A_1839 {strides = array<i32>} : memref<32x128xf32, #tpu.memory_space<vmem>>, vector<16xf32>,
    %eq3A_1872 = arith.constant 0 : i32
    %eq3A_1873 = arith.cmpi eq, %select_n3A_547, %eq3A_1872 : i32
    %select_n3A_1874 = arith.select %eq3A_1873, %add3A_516, %add3A_528 : vector<16xf32>
    %slice3A_1875 = vector.extract_strided_slice %select_n3A_1874 {offsets = [15], sizes = [1], strides = [1]} : vector<16xf32> to vector<1xf32>
    %squeeze3A_1876 = vector.extract %slice3A_1875[0] : f32 from vector<1xf32>
    %ge3A_1877 = arith.constant 0 : i32
    %ge3A_1878 = vector.broadcast %ge3A_1877 : i32 to vector<16xi32>
    %ge3A_1879 = arith.cmpi sge, %iota3A, %ge3A_1878 : vector<16xi32>
    %broadcast_in_dim3A_1880 = vector.broadcast %squeeze3A_1876 : f32 to vector<16xf32>
    %select_n3A_1881 = arith.select %ge3A_1879, %broadcast_in_dim3A_1880, %broadcast_in_dim3A_0 : vector<16xi1>, vector<16xf32>
    %swap3A_1882 = arith.constant 31 : i32
    %swap3A_1883 = arith.index_cast %swap3A_1882 : i32 to index
    %swap3A_1884 = arith.constant 0 : index
    %swap3A_1885 = tpu.vector_load %arg11[%swap3A_1883, %swap3A_1884] {strides = array<i32>} : memref<32x128xf32, #tpu.memory_space<vmem>>, vector<16xf32>,
    tpu.vector_store %arg11[%swap3A_1883, %swap3A_1884], %select_n3A_1881 {strides = array<i32>} : memref<32x128xf32, #tpu.memory_space<vmem>>, vector<16xf32>,
    %swap3A_1886 = arith.constant 31 : i32
    %swap3A_1887 = arith.index_cast %swap3A_1886 : i32 to index
    %swap3A_1888 = arith.constant 16 : index
    %swap3A_1889 = tpu.vector_load %arg11[%swap3A_1887, %swap3A_1888] {strides = array<i32>} : memref<32x128xf32, #tpu.memory_space<vmem>>, vector<16xf32>,
    tpu.vector_store %arg11[%swap3A_1887, %swap3A_1888], %select_n3A_1881 {strides = array<i32>} : memref<32x128xf32, #tpu.memory_space<vmem>>, vector<16xf32>,
    %swap3A_1890 = arith.constant 31 : i32
    %swap3A_1891 = arith.index_cast %swap3A_1890 : i32 to index
    %swap3A_1892 = arith.constant 32 : index
    %swap3A_1893 = tpu.vector_load %arg11[%swap3A_1891, %swap3A_1892] {strides = array<i32>} : memref<32x128xf32, #tpu.memory_space<vmem>>, vector<16xf32>,
    tpu.vector_store %arg11[%swap3A_1891, %swap3A_1892], %select_n3A_1881 {strides = array<i32>} : memref<32x128xf32, #tpu.memory_space<vmem>>, vector<16xf32>,
    %swap3A_1894 = arith.constant 31 : i32
    %swap3A_1895 = arith.index_cast %swap3A_1894 : i32 to index
    %swap3A_1896 = arith.constant 48 : index
    %swap3A_1897 = tpu.vector_load %arg11[%swap3A_1895, %swap3A_1896] {strides = array<i32>} : memref<32x128xf32, #tpu.memory_space<vmem>>, vector<16xf32>,
    tpu.vector_store %arg11[%swap3A_1895, %swap3A_1896], %select_n3A_1881 {strides = array<i32>} : memref<32x128xf32, #tpu.memory_space<vmem>>, vector<16xf32>,
    %swap3A_1898 = arith.constant 31 : i32
    %swap3A_1899 = arith.index_cast %swap3A_1898 : i32 to index
    %swap3A_1900 = arith.constant 64 : index
    %swap3A_1901 = tpu.vector_load %arg11[%swap3A_1899, %swap3A_1900] {strides = array<i32>} : memref<32x128xf32, #tpu.memory_space<vmem>>, vector<16xf32>,
    tpu.vector_store %arg11[%swap3A_1899, %swap3A_1900], %select_n3A_1881 {strides = array<i32>} : memref<32x128xf32, #tpu.memory_space<vmem>>, vector<16xf32>,
    %swap3A_1902 = arith.constant 31 : i32
    %swap3A_1903 = arith.index_cast %swap3A_1902 : i32 to index
    %swap3A_1904 = arith.constant 80 : index
    %swap3A_1905 = tpu.vector_load %arg11[%swap3A_1903, %swap3A_1904] {strides = array<i32>} : memref<32x128xf32, #tpu.memory_space<vmem>>, vector<16xf32>,
    tpu.vector_store %arg11[%swap3A_1903, %swap3A_1904], %select_n3A_1881 {strides = array<i32>} : memref<32x128xf32, #tpu.memory_space<vmem>>, vector<16xf32>,
    %swap3A_1906 = arith.constant 31 : i32
    %swap3A_1907 = arith.index_cast %swap3A_1906 : i32 to index
    %swap3A_1908 = arith.constant 96 : index
    %swap3A_1909 = tpu.vector_load %arg11[%swap3A_1907, %swap3A_1908] {strides = array<i32>} : memref<32x128xf32, #tpu.memory_space<vmem>>, vector<16xf32>,
    tpu.vector_store %arg11[%swap3A_1907, %swap3A_1908], %select_n3A_1881 {strides = array<i32>} : memref<32x128xf32, #tpu.memory_space<vmem>>, vector<16xf32>,
    %swap3A_1910 = arith.constant 31 : i32
    %swap3A_1911 = arith.index_cast %swap3A_1910 : i32 to index
    %swap3A_1912 = arith.constant 112 : index
    %swap3A_1913 = tpu.vector_load %arg11[%swap3A_1911, %swap3A_1912] {strides = array<i32>} : memref<32x128xf32, #tpu.memory_space<vmem>>, vector<16xf32>,
    tpu.vector_store %arg11[%swap3A_1911, %swap3A_1912], %select_n3A_1881 {strides = array<i32>} : memref<32x128xf32, #tpu.memory_space<vmem>>, vector<16xf32>,
    %mul3A_1914 = arith.constant 32 : i32
    %mul3A_1915 = arith.muli %select_n3A_547, %mul3A_1914 : i32
    %mul3A_1916 = arith.constant 128 : i32
    %mul3A_1917 = arith.muli %select_n3A_571, %mul3A_1916 : i32
    "tpu.region"() ({
      %run_scoped3A = tpu.sem_alloc : memref<!tpu.dma_semaphore, #tpu.memory_space<semaphore_mem>>
      %dma_start3A_1918 = tpu.memref_slice %arg5[%mul3A_1915, %mul3A_1917] : memref<64x1958xf32, #tpu.memory_space<hbm>> -> memref<32x128xf32, #tpu.memory_space<hbm>>
      %dma_start3A_1919 = tpu.memref_slice %arg5[%mul3A_1915, %mul3A_1917] : memref<64x1958xf32, #tpu.memory_space<hbm>> -> memref<32x128xf32, #tpu.memory_space<hbm>>
      tpu.enqueue_dma source(%arg11 : memref<32x128xf32, #tpu.memory_space<vmem>>) target(%dma_start3A_1919 : memref<32x128xf32, #tpu.memory_space<hbm>>) target_semaphore(%run_scoped3A : memref<!tpu.dma_semaphore, #tpu.memory_space<semaphore_mem>>)
      %dma_wait3A_1920 = tpu.memref_slice %arg5[%mul3A_1915, %mul3A_1917] : memref<64x1958xf32, #tpu.memory_space<hbm>> -> memref<32x128xf32, #tpu.memory_space<hbm>>
      %dma_wait3A_1921 = tpu.memref_slice %arg5[%mul3A_1915, %mul3A_1917] : memref<64x1958xf32, #tpu.memory_space<hbm>> -> memref<32x128xf32, #tpu.memory_space<hbm>>
      tpu.wait_dma2 semaphore(%run_scoped3A : memref<!tpu.dma_semaphore, #tpu.memory_space<semaphore_mem>>) src(%arg11 : memref<32x128xf32, #tpu.memory_space<vmem>>) dst(%dma_wait3A_1921 : memref<32x128xf32, #tpu.memory_space<hbm>>)
      tpu.yield
    }) : () -> ()
    return
  }
}

</mosaic_0001>

<sc_bundles>
// kernel: _run.3.cloned.1.call-start
scs
__scs_entry_jumppad:
0x0: {  	(pc) =	sbr.rel $0x88, $3  }
0x1: {  	(tag) =	ssettag $0x0;
	lr =	simm.s32 $0x1  }
0x2: {  	[smem:$0x3F9E] =	sst lr;
	_ =	strace $0xD0000000  }
0x3: {  	_ = 	snop  }
0x4: {  	_ = 	snop  }
0x5: {  	_ = 	snop  }
0x6: {  	_ = 	snop  }
0x7: {  	_ = 	snop  }
__scs_overlays_trampoline_lowered:
0x8: {  	[smem:$0x3FAD] =	sst s0  }
0x9: {  	[smem:$0x3FAE] =	sst s1  }
0xa: {  	[smem:$0x3FAF] =	sst s2  }
0xb: {  	[smem:$0x3FB0] =	sst s3  }
0xc: {  	[smem:$0x3FB1] =	sst s4  }
0xd: {  	[smem:$0x3FB2] =	sst s5  }
0xe: {  	[smem:$0x3FB3] =	sst s6  }
0xf: {  	[smem:$0x3FB4] =	sst s7  }
0x10: {  	[smem:$0x3FB5] =	sst s8  }
0x11: {  	[smem:$0x3FB6] =	sst s9;
	s0 =	simm.s32 @!p0 $0x0  }
0x12: {  	s1 =	sld [smem:$0x3F9C];
	s0 =	simm.s32 @p0 $0x1  }
0x13: {  	[smem:$0x3FB7] =	sst s0;
	s0 =	simm.s32 @!p1 $0x0  }
0x14: {  	s2 =	sld [smem:$0x3F9B];
	s0 =	simm.s32 @p1 $0x1  }
0x15: {  	[smem:$0x3FB8] =	sst s0;
	s0 =	simm.s32 @!p2 $0x0  }
0x16: {  	s3 =	sld [smem:$0x3FDB];
	s0 =	simm.s32 @p2 $0x1  }
0x17: {  	s4 =	simm.s32 $0x1BF5;
	[smem:$0x3FBA] =	sst s0  }
0x18: {  	s0 =	sld [smem:$0x3F9D];
	_ =	swait.ge [sflag:s4], $0x0  }
0x19: {  	s7 =	sld [smem:$0x3F9E]  }
0x1a: {  	s8 =	sadd.s32 $0xFFFFE003, lr  }
0x1b: {  	s9 =	sadd.s32 $0xFFFFFEF7, lr;
	s5 =	simm.s32 $0xFFFFFFFF;
	p2 =	slt.u32 s8, $0xFFFFF086  }
0x1c: {  	p1 =	slt.u32 s9, $0xF7A;
	s5 =	simm.s32 @!p2 $0x0  }
0x1d: {  	s5 =	simm.s32 @p1 $0x1;
	p0 =	seq.s32 s7, s2  }
0x1e: {  	s7 =	smul.u32 @!p0 $0xF7A, s2;
	p2 =	seq.s32 @!p0 s5, $0x0  }
0x1f: {  	s9 =	smul.u32 $0xF7A, s1;
	s8 =	simm.s32 @!p0 $0x1BF5;
	p2 =	por !p2, p0  }
0x20: {  	[sflag:s8] =	ssyncset.s32 @!p0 $0xFFFFF086;
	s6 =	sadd.s32 @!p0 s3, s7;
	s7 =	simm.s32 @!p0 $0x108  }
0x21: {  	s3 =	sadd.s32 s3, s9;
	s6 =	sadd.s32 @!p0 $0x88, s6;
	s7 =	simm.s32 @p2 $0x1082  }
0x22: {  	[simem:s7], [sflag:s8] =	dma.local @!p0 [hbm:s6], $0xF7A  }
0x23: {  	s9 =	sor.u32 $0xD0000000, s2;
	s6 =	simm.s32 $0x108;
	_ =	swait.ge @!p0 [sflag:s8], $0x0  }
0x24: {  	s3 =	sadd.s32 $0x88, s3;
	s6 =	simm.s32 @!p1 $0x1082;
	[sflag:s4] =	ssyncset.s32 $0xFFFFF086  }
0x25: {  	[simem:s6], [sflag:s4] =	dma.local [hbm:s3], $0xF7A  }
0x26: {  	[smem:$0x3F9E] =	sst s1;
	(tag) =	ssettag s2;
	_ =	strace s9  }
0x27: {  	s1 =	sld [smem:$0x3FAE]  }
0x28: {  	s2 =	sld [smem:$0x3FAF]  }
0x29: {  	s4 =	sld [smem:$0x3FB1]  }
0x2a: {  	p0 =	seq.s32 s5, $0x0;
	s5 =	sld [smem:$0x3FB2]  }
0x2b: {  	s6 =	sld [smem:$0x3FB3]  }
0x2c: {  	s7 =	sld [smem:$0x3FB4]  }
0x2d: {  	s3 =	simm.s32 $0x108;
	s8 =	sld [smem:$0x3FB5]  }
0x2e: {  	s3 =	simm.s32 @!p0 $0x1082;
	s9 =	sld [smem:$0x3FB6]  }
0x2f: {  	lr =	sadd.s32 s0, s3;
	s0 =	sld [smem:$0x3FAD]  }
0x30: {  	s3 =	sld [smem:$0x3FB0]  }
0x31: {  	[smem:$0x3FB9] =	sst s10  }
0x32: {  	s10 =	sld [smem:$0x3FB7];
	_ =	sdelay $0x3  }
0x33: {  	p0 =	seq.s32 s10, $0x1;
	s10 =	sld [smem:$0x3FB9];
	_ =	sdelay $0x3  }
0x34: {  	[smem:$0x3FB9] =	sst s10  }
0x35: {  	s10 =	sld [smem:$0x3FB8];
	_ =	sdelay $0x3  }
0x36: {  	p1 =	seq.s32 s10, $0x1;
	s10 =	sld [smem:$0x3FB9];
	_ =	sdelay $0x3  }
0x37: {  	[smem:$0x3FB9] =	sst s10  }
0x38: {  	s10 =	sld [smem:$0x3FBA]  }
0x39: {  	_ = 	snop;
	(pc) =	sbr.ind lr, $3  }
0x3a: {  	_ = 	snop  }
0x3b: {  	_ = 	snop  }
0x3c: {  	p2 =	seq.s32 s10, $0x1;
	s10 =	sld [smem:$0x3FB9]  }
0x3d: {  	_ =	shalt  }
0x3e: {  	_ =	shalt  }
0x3f: {  	_ =	shalt  }
0x40: {  	_ =	shalt  }
0x41: {  	_ =	shalt  }
0x42: {  	_ =	shalt  }
0x43: {  	_ =	shalt  }
0x44: {  	_ =	shalt  }
0x45: {  	_ =	shalt  }
0x46: {  	_ =	shalt  }
0x47: {  	_ =	shalt  }
0x48: {  	_ =	shalt  }
0x49: {  	_ =	shalt  }
0x4a: {  	_ =	shalt  }
0x4b: {  	_ =	shalt  }
0x4c: {  	_ =	shalt  }
0x4d: {  	_ =	shalt  }
0x4e: {  	_ =	shalt  }
0x4f: {  	_ =	shalt  }
0x50: {  	_ =	shalt  }
0x51: {  	_ =	shalt  }
0x52: {  	_ =	shalt  }
0x53: {  	_ =	shalt  }
0x54: {  	_ =	shalt  }
0x55: {  	_ =	shalt  }
0x56: {  	_ =	shalt  }
0x57: {  	_ =	shalt  }
0x58: {  	_ =	shalt  }
0x59: {  	_ =	shalt  }
0x5a: {  	_ =	shalt  }
0x5b: {  	_ =	shalt  }
0x5c: {  	_ =	shalt  }
0x5d: {  	_ =	shalt  }
0x5e: {  	_ =	shalt  }
0x5f: {  	_ =	shalt  }
0x60: {  	_ =	shalt  }
0x61: {  	_ =	shalt  }
0x62: {  	_ =	shalt  }
0x63: {  	_ =	shalt  }
0x64: {  	_ =	shalt  }
0x65: {  	_ =	shalt  }
0x66: {  	_ =	shalt  }
0x67: {  	_ =	shalt  }
0x68: {  	_ =	shalt  }
0x69: {  	_ =	shalt  }
0x6a: {  	_ =	shalt  }
0x6b: {  	_ =	shalt  }
0x6c: {  	_ =	shalt  }
0x6d: {  	_ =	shalt  }
0x6e: {  	_ =	shalt  }
0x6f: {  	_ =	shalt  }
0x70: {  	_ =	shalt  }
0x71: {  	_ =	shalt  }
0x72: {  	_ =	shalt  }
0x73: {  	_ =	shalt  }
0x74: {  	_ =	shalt  }
0x75: {  	_ =	shalt  }
0x76: {  	_ =	shalt  }
0x77: {  	_ =	shalt  }
0x78: {  	_ =	shalt  }
0x79: {  	_ =	shalt  }
0x7a: {  	_ =	shalt  }
0x7b: {  	_ =	shalt  }
0x7c: {  	_ =	shalt  }
0x7d: {  	_ =	shalt  }
0x7e: {  	_ =	shalt  }
0x7f: {  	_ =	shalt  }
0x80: {  	_ =	shalt  }
0x81: {  	_ =	shalt  }
0x82: {  	_ =	shalt  }
0x83: {  	_ =	shalt  }
0x84: {  	_ =	shalt  }
0x85: {  	_ =	shalt  }
0x86: {  	_ =	shalt  }
0x87: {  	_ =	shalt  }
.Lfunc_end0:
.L_simem_size_0:
called_computation_lowered:
.L_overlay_start_0:
0x88: {  	s2 =	sld [smem:$0x3FD9]  }
0x89: {  	s3 =	sld [smem:$0x3FFE];
	_ =	sdelay $0x1  }
0x8a: {  	s1 =	srdreg.scid  }
0x8b: {  	s0 =	sand.u32 $0x1, s1  }
0x8c: {  	s18 =	sshll.u32 s0, $0xA;
	s2 =	sadd.s32 s3, s2  }
0x8d: {  	s2 =	sadd.s32 s2, s18  }
0x8e: {  	[smem:$0x3FC5] =	sst s2  }
0x8f: {  	_ = 	snop  }
0x90: {  	s2 =	sld [smem:$0x3FC9]  }
0x91: {  	s19 =	sld [smem:$0x3FC8]  }
0x92: {  	s4 =	sld [smem:$0x3FC7]  }
0x93: {  	s5 =	sld [smem:$0x3FD0];
	(tm) =	ssettm $0x1  }
0x94: {  	s6 =	sld [smem:$0x3FFB];
	_ =	sdelay $0x3  }
0x95: {  	_ =	strace s6  }
0x96: {  	s6 =	sld [smem:$0x3FFC];
	_ =	sdelay $0x3  }
0x97: {  	_ =	strace s6  }
0x98: {  	s6 =	sld [smem:$0x3FFD];
	_ =	sdelay $0x3  }
0x99: {  	_ =	strace s6  }
0x9a: {  	_ =	strace $0x8FFFFFFF  }
0x9b: {  	s20 =	sld [smem:$0x3FDB];
	_ =	sdelay $0x1  }
0x9c: {  	s7 =	simm.s32 $_scs_section_size  }
0x9d: {  	s8 =	simm.s32 $_size__tile_overlayer_lowered;
	s9 =	simm.s32 $_tile_overlayer_lowered  }
0x9e: {  	s23 =	simm.s32 $0x1BFF;
	s22 =	sshll.u32 s9, $0x1;
	s6 =	sadd.s32 s7, s20  }
0x9f: {  	s10 =	simm.s32 $0x0;
	s21 =	sshll.u32 s8, $0x1;
	s8 =	sadd.s32 s22, s6  }
0xa0: {  	[timem:s10], [sflag:s23] =	dma.local [hbm:s8], s21  }
0xa1: {  	_ =	swait.ge [sflag:s23], s21  }
0xa2: {  	s7 =	ssub.s32 $0x0, s21;
	[sflag:s23] =	ssyncset.done $0x0  }
0xa3: {  	[sflag:s23] =	ssyncadd.s32 s7;
	_ =	sdelay $0x1  }
0xa4: {  	s24 =	simm.s32 $0x1B8B  }
0xa5: {  	_ =	swait.ge [sflag:s24], $0x1  }
0xa6: {  	[sflag:s24] =	ssyncset.done $0x0  }
0xa7: {  	s25 =	simm.s32 $0x1B8E;
	[sflag:s24] =	ssyncadd.s32 $0xFFFFFFFF  }
0xa8: {  	s26 =	simm.s32 $execute0_lowered;
	[smem:$0x3FD2] =	sst s25  }
0xa9: {  	s7 =	sshll.u32 s26, $0x1;
	_ =	strace $0x80000046;
	[dreg:$0x1] =	wrdreg $0xFFFFFFFF  }
0xaa: {  	s28 =	simm.s32 $_size_execute0_lowered;
	s6 =	sadd.s32 s6, s7;
	[dreg:$0x0] =	wrdreg $0x0  }
0xab: {  	s7 =	sshll.u32 s28, $0x1;
	[dreg:$0x2] =	wrdreg s6  }
0xac: {  	[dreg:$0x3] =	wrdreg s7  }
0xad: {  	[dreg:$0x4] =	wrdreg $0xC0  }
0xae: {  	_ =	task [dreg:s10], $0x5FFFF  }
0xaf: {  	[dreg:$0x1] =	wrdreg $0xFFFFFFFF  }
0xb0: {  	[dreg:$0x0] =	wrdreg $0x60  }
0xb1: {  	[dreg:$0x2] =	wrdreg s2  }
0xb2: {  	[dreg:$0x3] =	wrdreg s19  }
0xb3: {  	[dreg:$0x4] =	wrdreg s4  }
0xb4: {  	[dreg:$0x5] =	wrdreg s5  }
0xb5: {  	[dreg:$0x6] =	wrdreg $0x55000  }
0xb6: {  	[dreg:$0x7] =	wrdreg $0x9  }
0xb7: {  	_ =	task.clear_ibuf [dreg:s10], $0x8FFFF;
	_ =	strace $0x90000046  }
0xb8: {  	s29 =	simm.s32 $0x9;
	_ =	strace $0x80000048  }
0xb9: {  	_ =	swait.ge [sflag:s29], $0x1  }
0xba: {  	[sflag:s29] =	ssyncadd.s32 $0xFFFFFFFF  }
0xbb: {  	_ =	strace $0x90000048  }
0xbc: {  	_ =	sfence  }
0xbd: {  	s30 =	sld [smem:$0x0];
	_ =	sdelay $0x2  }
0xbe: {  	s31 =	sshll.u32 s1, $0xD;
	s1 =	sshrl.u32 s1, $0x2  }
0xbf: {  	s3 =	sand.u32 $0x4000, s31;
	s1 =	sadd.s32 s1, s30  }
0xc0: {  	s0 =	sor.u32 s3, s0;
	s1 =	sshll.u32 s1, $0x11  }
0xc1: {  	s0 =	sor.u32 s1, s0  }
0xc2: {  	s0 =	sadd.s32 $0x8F2B, s0  }
0xc3: {  	[sflag:s0] =	ssyncadd.remote.s32 $0x1  }
0xc4: {  	_ =	sfence.sel $0xFFFF  }
0xc5: {  	[dreg:$0x0] =	wrdreg $0xFFFFFFFF;
	(pc) =	sbr.abs _section_cstart, $3  }
0xc6: {  	[dreg:$0x1] =	wrdreg $0xFFFFFFFF  }
0xc7: {  	_ =	task.clear_ibuf [dreg:s10], $0x2FFFF;
	_ =	strace $0x9FFFFFFF  }
0xc8: {  	(tm) =	ssettm $0x7FFFFFFF  }
0xc9: {  	_ =	shalt  }
tec
execute0_lowered:
.L_overlay_start_1:
0x0: {  	(tag) =	ssettag $0x1  }
0x1: {  	s6 =	rddreg [dreg:$0x0]  }
0x2: {  	s1 =	rddreg [dreg:$0x1]  }
0x3: {  	s2 =	rddreg [dreg:$0x2]  }
0x4: {  	s12 =	rddreg [dreg:$0x3]  }
0x5: {  	s3 =	rddreg [dreg:$0x4];
	s5 =	simm.s32 $0x0;
	s7 =	srdreg.scid  }
0x6: {  	s4 =	stileid.u32;
	s15 =	simm.s32 $0x2000;
	s16 =	simm.s32 $0x4000  }
0x7: {  	s17 =	simm.s32 $0x4;
	s18 =	simm.s32 $0x2;
	s19 =	simm.s32 $0x3  }
0x8: {  	s20 =	simm.s32 $0x4080;
	s21 =	simm.s32 $0x4100;
	s23 =	simm.s32 $0x4500  }
0x9: {  	s24 =	simm.s32 $0x0;
	[smem:$0x7FF] =	sst s5;
	s22 =	sand.u32 $0x1, s7  }
0xa: {  	s9 =	sand.u32 $0x7, s4;
	s10 =	sshrl.u32 s4, $0x3;
	s31 =	sshll.u32 s4, $0x6  }
0xb: {  	_ =	strace $0x80000047;
	s7 =	ssub.s32 $0x2, s22;
	s8 =	sshll.u32 s9, $0xB  }
0xc: {  	s11 =	sor.u32 s22, s4;
	s13 =	sshll.u32 s10, $0xA;
	p1 =	seq.s32 s22, $0x1  }
0xd: {  	s30 =	sshll.u32 s22, $0x10;
	s9 =	sshll.u32 s9, $0xA;
	p0 =	seq.s32 s11, $0x0  }
0xe: {  	s28 =	sshrl.u32 s7, $0x1;
	s8 =	sor.u32 s13, s8;
	p0 =	por !p0, !p1  }
0xf: {  	s13 =	simm.s32 $0x1;
	s6 =	sadd.s32 s6, s8;
	p0 =	por !p0, !p0  }
0x10: {  	s14 =	ssub.s32 s7, s28;
	s8 =	simm.s32 $0x20;
	s13 =	simm.s32 @!p0 $0x0  }
0x11: {  	s7 =	sadd.s32 $0x200, s6;
	p0 =	seq.s32 s10, $0x0;
	s29 =	ssub.s32 s4, s13  }
0x12: {  	vm0 =	vmxor vm0, vm0;
	s8 =	simm.s32 @!p0 $0x1A;
	p0 =	sne.s32 s10, $0x0;
	s11 =	sshll.u32 s29, $0xA  }
0x13: {  	s10 =	sadd.s32 s31, s3;
	vm0 =	vmneg @p0 vm0;
	p0 =	seq.s32 s22, $0x0;
	s11 =	sadd.s32 s30, s11  }
0x14: {  	vm1 =	vcmask $0x3F28;
	s22 =	simm.s32 $0x400;
	s13 =	sshrl.u32 s11, $0x3;
	s11 =	simm.s32 $0x1  }
0x15: {  	vm0 =	vmand vm0, vm1;
	s12 =	sadd.s32 s12, s13;
	s13 =	smax.u32 s14, $0x1;
	s14 =	simm.s32 $0x1000  }
.LBB2_1:
0x16: {  	[tilespmem:s5], [sflag:$0x1] =	stream.linear.gather [hbm4b:s6+s5], $0x1000, $0x38;
	[tilespmem:$0x5540] =	vst v63  }
0x17: {  	_ = 	snop  }
0x18: {  	[tilespmem:s14], [sflag:$0x2] =	stream.linear.gather [hbm4b:s7+s5], $0x1000, $0x38;
	[tilespmem:$0x5540] =	vst v63  }
0x19: {  	_ = 	snop  }
0x1a: {  	[tilespmem:s15], [sflag:$0x3] =	stream.linear.gather [hbm4b:s1+s5], $0x2000, $0x38;
	[tilespmem:$0x5540] =	vst v63  }
0x1b: {  	_ = 	snop  }
0x1c: {  	[tilespmem:s16], [sflag:$0x4] =	stream.linear.gather [hbm4b:s2+s5], $0x80, $0x38;
	[tilespmem:$0x5540] =	vst v63  }
0x1d: {  	_ =	swait.ge [sflag:s17], $0x80  }
0x1e: {  	[sflag:s17] =	ssyncset.done $0x0  }
0x1f: {  	[sflag:s17] =	ssyncadd.s32 $0xFFFFFF80  }
0x20: {  	_ =	swait.ge [sflag:s11], $0x1000  }
0x21: {  	s25 =	sor.u32 s5, s5;
	s26 =	sand.u32 $0x70, s5;
	[sflag:s11] =	ssyncset.done $0x0  }
0x22: {  	s28 =	sand.u32 $0xC00, s5;
	s29 =	sor.u32 $0x380, s25;
	[sflag:s11] =	ssyncadd.s32 $0xFFFFF000  }
0x23: {  	s25 =	sor.u32 s26, s28;
	v0 =	vld [tilespmem:s29+$0x0]  }
0x24: {  	v1 =	vld [tilespmem:s25+$0x0]  }
0x25: {  	v7 =	vld [tilespmem:s25+$0x80]  }
0x26: {  	v5 =	vld [tilespmem:s25+$0x100]  }
0x27: {  	v2 =	vimm.f32 $0.0e+00;
	v4 =	vimm.f32 $0.0e+00;
	s26 =	simm.s32 $0x80;
	v6 =	vld [tilespmem:s25+$0x180]  }
0x28: {  	v3 =	vimm.f32 $0.0e+00;
	v10 =	vimm.f32 $0.0e+00;
	v8 =	vimm.f32 $0.0e+00;
	s28 =	simm.s32 $0x10;
	s30 =	sand.u32 $0xC00, s26;
	v11 =	vld [tilespmem:s25+$0x200]  }
0x29: {  	v9 =	vimm.f32 $0.0e+00;
	s31 =	sor.u32 s26, s28;
	s29 =	sand.u32 $0x70, s28;
	s28 =	simm.s32 $0x20;
	v12 =	vld [tilespmem:s25+$0x280];
	v0 =	vadd.f32 v0, v2;
	v1 =	vadd.f32 v1, v2  }
.LBB2_2:
0x2a: {  	p1 =	sne.s32 s28, $0x1F0;
	s31 =	sor.u32 $0x380, s31;
	v2 =	vadd.f32 v7, v2;
	v13 =	vld [tilespmem:s25+$0x300];
	s25 =	sor.u32 s29, s30  }
0x2b: {  	v14 =	vld [tilespmem:s31+$0x0];
	v4 =	vadd.f32 v5, v4  }
0x2c: {  	v15 =	vld [tilespmem:s25+$0x0];
	v3 =	vadd.f32 v6, v3  }
.Ltmp0:
0x2d: {  	v7 =	vld [tilespmem:s25+$0x80];
	v10 =	vadd.f32 v11, v10;
	(pc) =	sbr.rel @p1 .LBB2_2-.Ltmp0, $4  }
0x2e: {  	v5 =	vld [tilespmem:s25+$0x100];
	v8 =	vadd.f32 v12, v8  }
0x2f: {  	v6 =	vld [tilespmem:s25+$0x180];
	v9 =	vadd.f32 v13, v9  }
0x30: {  	s29 =	sand.u32 $0x70, s28;
	s26 =	sadd.s32 $0x80, s26;
	v11 =	vld [tilespmem:s25+$0x200];
	v0 =	vadd.f32 v14, v0  }
0x31: {  	s30 =	sand.u32 $0xC00, s26;
	s31 =	sor.u32 s26, s28;
	s28 =	sadd.s32 $0x10, s28;
	v1 =	vadd.f32 v15, v1;
	v12 =	vld [tilespmem:s25+$0x280]  }
0x32: {  	s26 =	sor.u32 $0x380, s31;
	v13 =	vld [tilespmem:s25+$0x300]  }
0x33: {  	s29 =	sor.u32 s29, s30;
	v14 =	vld [tilespmem:s26+$0x0]  }
0x34: {  	v15 =	vld [tilespmem:s29+$0x0]  }
0x35: {  	v16 =	vld [tilespmem:s29+$0x80]  }
0x36: {  	v17 =	vld [tilespmem:s29+$0x100]  }
0x37: {  	v18 =	vld [tilespmem:s29+$0x180]  }
0x38: {  	v19 =	vld [tilespmem:s29+$0x200]  }
0x39: {  	v2 =	vadd.f32 v7, v2;
	v4 =	vadd.f32 v5, v4;
	v20 =	vld [tilespmem:s29+$0x280]  }
0x3a: {  	p2 =	sne.s32 s8, $0x1;
	v63 =	vld [tilespmem:s29+$0x300];
	v3 =	vadd.f32 v6, v3;
	v10 =	vadd.f32 v11, v10  }
.Ltmp1:
0x3b: {  	v8 =	vadd.f32 v12, v8;
	v9 =	vadd.f32 v13, v9;
	(pc) =	sbr.rel @!p2 .LBB2_4-.Ltmp1, $4  }
0x3c: {  	v0 =	vadd.f32 v14, v0;
	v7 =	vadd.f32 v15, v1  }
0x3d: {  	s25 =	simm.s32 $0x1000;
	_ =	swait.ge [sflag:s18], $0x1000;
	v6 =	vadd.f32 v16, v2;
	v5 =	vadd.f32 v17, v4  }
0x3e: {  	s31 =	simm.s32 $0x200;
	s30 =	sadd.s32 $0xFFFFFFFF, s8;
	[sflag:s18] =	ssyncset.done $0x0;
	v4 =	vadd.f32 v18, v3;
	v3 =	vadd.f32 v19, v10  }
0x3f: {  	p1 =	por $0x0, $0x0;
	s28 =	sand.u32 $0x70, s31;
	[sflag:s18] =	ssyncadd.s32 $0xFFFFF000;
	v2 =	vadd.f32 v20, v8;
	v1 =	vadd.f32 v63, v9  }
0x40: {  	s26 =	sadd.s32 $0x1000, s28  }
0x41: {  	s25 =	sand.u32 $0xFFFFFC00, s25;
	s29 =	sor.u32 $0x380, s26  }
0x42: {  	p2 =	sne.s32 s30, $0x1;
	s26 =	sor.u32 s28, s25;
	v8 =	vld [tilespmem:s29+$0x0]  }
.Ltmp2:
0x43: {  	v16 =	vld [tilespmem:s26+$0x0];
	(pc) =	sbr.rel @!p2 .LBB2_6-.Ltmp2, $4  }
0x44: {  	v17 =	vld [tilespmem:s26+$0x80]  }
0x45: {  	v13 =	vld [tilespmem:s26+$0x100]  }
0x46: {  	s30 =	sadd.s32 $0xFFFFFFFF, s30;
	v18 =	vmov v7;
	v19 =	vmov v6;
	v15 =	vmov v5;
	s29 =	simm.s32 $0x210;
	v11 =	vld [tilespmem:s26+$0x180]  }
0x47: {  	p1 =	por $0x1, $0x1;
	v14 =	vmovc v4;
	v12 =	vmovc v3;
	s25 =	simm.s32 $0x1080;
	v9 =	vmov v2;
	v10 =	vld [tilespmem:s26+$0x200];
	s28 =	sand.u32 $0x70, s29;
	v0 =	vadd.f32 v8, v0;
	v8 =	vmov v1  }
.LBB2_7:
0x48: {  	p2 =	sne.s32 s30, $0x1;
	s31 =	sadd.s32 s28, s25;
	s0 =	sand.u32 $0xFFFFFC00, s25;
	v18 =	vadd.f32 v16, v18;
	v20 =	vld [tilespmem:s26+$0x280]  }
0x49: {  	s31 =	sor.u32 $0x380, s31;
	v19 =	vadd.f32 v17, v19;
	v21 =	vld [tilespmem:s26+$0x300];
	s26 =	sor.u32 s28, s0  }
0x4a: {  	v22 =	vld [tilespmem:s31+$0x0];
	v15 =	vadd.f32 v13, v15  }
.Ltmp3:
0x4b: {  	v16 =	vld [tilespmem:s26+$0x0];
	v14 =	vadd.f32 v11, v14;
	(pc) =	sbr.rel @p2 .LBB2_7-.Ltmp3, $4  }
0x4c: {  	v17 =	vld [tilespmem:s26+$0x80];
	v12 =	vadd.f32 v10, v12  }
0x4d: {  	v13 =	vld [tilespmem:s26+$0x100];
	v9 =	vadd.f32 v20, v9  }
0x4e: {  	s29 =	sadd.s32 $0x10, s29;
	v11 =	vld [tilespmem:s26+$0x180];
	v8 =	vadd.f32 v21, v8  }
0x4f: {  	s30 =	sadd.s32 $0xFFFFFFFF, s30;
	s25 =	sadd.s32 $0x80, s25;
	s28 =	sand.u32 $0x70, s29;
	v10 =	vld [tilespmem:s26+$0x200];
	v0 =	vadd.f32 v22, v0  }
.LBB2_8:
0x50: {  	v20 =	vld @p1 [tilespmem:s26+$0x280]  }
0x51: {  	v21 =	vld @p1 [tilespmem:s26+$0x300]  }
0x52: {  	v30 =	vld [tilespmem:$0x1C16]  }
0x53: {  	v31 =	vld [tilespmem:$0x1C96]  }
0x54: {  	v32 =	vld [tilespmem:$0x1D16]  }
0x55: {  	v33 =	vld [tilespmem:$0x1D96]  }
0x56: {  	v57 =	vld [tilespmem:$0x1E16]  }
0x57: {  	s30 =	sand.u32 $0xFFFFFC00, s25;
	v34 =	vld [tilespmem:$0x1E96]  }
0x58: {  	s0 =	sadd.s32 s28, s25;
	v58 =	vld [tilespmem:$0x1F16];
	s25 =	sor.u32 s28, s30  }
0x59: {  	v23 =	vld [tilespmem:s25+$0x0]  }
0x5a: {  	v59 =	vld [tilespmem:$0x1F96]  }
0x5b: {  	v16 =	vadd.f32 @p1 v16, v18;
	s0 =	sor.u32 $0x380, s0;
	v24 =	vld [tilespmem:s25+$0x80]  }
0x5c: {  	v22 =	vld [tilespmem:s0+$0x0]  }
0x5d: {  	v17 =	vadd.f32 @p1 v17, v19;
	v25 =	vld [tilespmem:s25+$0x100];
	v7 =	vpsel p1, v16, v7  }
0x5e: {  	v26 =	vld [tilespmem:s25+$0x180];
	v7 =	vadd.f32 v23, v7  }
0x5f: {  	v27 =	vld [tilespmem:s25+$0x200];
	v6 =	vpsel p1, v17, v6;
	v60 =	vnsel vm0, $0x0, v30  }
0x60: {  	v28 =	vld [tilespmem:s25+$0x280];
	v6 =	vadd.f32 v24, v6;
	v7 =	vadd.f32 v60, v7  }
0x61: {  	v29 =	vld [tilespmem:s25+$0x300];
	_ =	swait.ge [sflag:s19], $0x2000;
	v61 =	vnsel vm0, $0x0, v31  }
0x62: {  	[sflag:s19] =	ssyncset.done $0x0;
	v6 =	vadd.f32 v61, v6;
	(xrf2) =	vadd.scan.msk.f32 $0xffff, v7  }
0x63: {  	v13 =	vadd.f32 @p1 v13, v15;
	[sflag:s19] =	ssyncadd.s32 $0xFFFFE000  }
0x64: {  	v62 =	vld [tilespmem:s9+$0x2010];
	(xrf2) =	vadd.scan.msk.f32 $0xffff, v6  }
0x65: {  	v5 =	vpsel p1, v13, v5;
	v63 =	vld [tilespmem:s9+$0x2020]  }
0x66: {  	v11 =	vadd.f32 @p1 v11, v14;
	v30 =	vld [tilespmem:s9+$0x20B0];
	v5 =	vadd.f32 v25, v5  }
0x67: {  	v10 =	vadd.f32 @p1 v10, v12;
	v31 =	vld [tilespmem:s9+$0x2100];
	v6 =	vnsel vm0, $0x0, v32  }
0x68: {  	v4 =	vpsel p1, v11, v4;
	v8 =	vadd.f32 @p1 v21, v8;
	v36 =	vld [tilespmem:s9+$0x2130];
	v5 =	vadd.f32 v6, v5  }
0x69: {  	v38 =	vld [tilespmem:s9+$0x2180];
	v4 =	vadd.f32 v26, v4  }
0x6a: {  	v9 =	vadd.f32 @p1 v20, v9;
	v3 =	vpsel p1, v10, v3;
	v26 =	vnsel vm0, $0x0, v33;
	v7 =	vld [tilespmem:s9+$0x2000];
	(xrf2) =	vadd.scan.msk.f32 $0xffff, v5  }
0x6b: {  	v39 =	vld [tilespmem:s9+$0x2190];
	v3 =	vadd.f32 v27, v3;
	v4 =	vadd.f32 v26, v4  }
0x6c: {  	v2 =	vpsel p1, v9, v2;
	v1 =	vpsel p1, v8, v1;
	v32 =	vnsel vm0, $0x0, v57;
	v6 =	vld [tilespmem:s9+$0x2080];
	v8, _, _ =	vpop (xrf2)  }
0x6d: {  	v41 =	vld [tilespmem:s9+$0x21A0];
	v2 =	vadd.f32 v28, v2;
	v3 =	vadd.f32 v32, v3;
	(xrf2) =	vadd.scan.msk.f32 $0xffff, v4;
	v8 =	vbroadcast v8, $0xF  }
0x6e: {  	v35 =	vnsel vm0, $0x0, v34;
	v25 =	vld [tilespmem:s9+$0x2090];
	v37, _, _ =	vpop (xrf2)  }
0x6f: {  	v24 =	vld [tilespmem:s9+$0x2030];
	v2 =	vadd.f32 v35, v2;
	(xrf2) =	vadd.scan.msk.f32 $0xffff, v3;
	v3 =	vmul.f32 v7, v8;
	v7 =	vbroadcast v37, $0xF  }
0x70: {  	v16 =	vnsel vm0, $0x0, v58;
	v42 =	vld [tilespmem:s9+$0x21B0]  }
0x71: {  	v40 =	vnsel vm0, $0x0, v59;
	v5 =	vld [tilespmem:s9+$0x20A0];
	(xrf2) =	vadd.scan.msk.f32 $0xffff, v2;
	v3 =	vadd.f32 $0.0e+00, v3;
	v6 =	vmul.f32 v6, v7  }
0x72: {  	v0 =	vadd.f32 v22, v0;
	v1 =	vadd.f32 v29, v1;
	v4 =	vld [tilespmem:s9+$0x2110];
	v13 =	vmul.f32 v62, v8  }
0x73: {  	v33 =	vld [tilespmem:s9+$0x2120];
	v14 =	vmul.f32 v63, v8;
	v3 =	vadd.f32 v6, v3;
	v6 =	vmul.f32 v25, v7  }
0x74: {  	v45 =	vld [tilespmem:s9+$0x2200];
	v0 =	vadd.f32 v40, v0;
	v1 =	vadd.f32 v16, v1;
	v8 =	vmul.f32 v24, v8;
	v44, _, _ =	vpop (xrf2)  }
0x75: {  	v47 =	vld [tilespmem:s9+$0x2210];
	v2 =	vadd.f32 $0.0e+00, v13;
	v43 =	vadd.f32 $0.0e+00, v14;
	v46 =	vbroadcast v44, $0xF  }
0x76: {  	v48 =	vld [tilespmem:s9+$0x2220];
	(xrf2) =	vadd.scan.msk.f32 $0xffff, v1;
	v8 =	vadd.f32 $0.0e+00, v8;
	v5 =	vmul.f32 v5, v7;
	v7 =	vmul.f32 v30, v7  }
0x77: {  	v49 =	vld [tilespmem:s9+$0x2230];
	v4 =	vmul.f32 v4, v46;
	v1 =	vadd.f32 v6, v2;
	v2 =	vmul.f32 v31, v46;
	v6, _, _ =	vpop (xrf2)  }
0x78: {  	v50 =	vld [tilespmem:s9+$0x2280];
	v5 =	vadd.f32 v5, v43;
	v9 =	vmul.f32 v33, v46;
	(xrf2) =	vadd.scan.msk.f32 $0xffff, v0;
	v6 =	vbroadcast v6, $0xF  }
0x79: {  	v51 =	vld [tilespmem:s9+$0x22A0];
	v0 =	vadd.f32 v7, v8;
	v2 =	vadd.f32 v2, v3;
	v3 =	vmul.f32 v36, v46  }
0x7a: {  	v52 =	vld [tilespmem:s9+$0x22B0];
	v1 =	vadd.f32 v4, v1;
	v4 =	vadd.f32 v9, v5;
	v8, _, _ =	vpop (xrf2);
	v5 =	vmul.f32 v38, v6  }
0x7b: {  	v53 =	vld [tilespmem:s9+$0x2300];
	v0 =	vadd.f32 v3, v0;
	v8 =	vbroadcast v8, $0xF;
	v54, _, _ =	vpop (xrf2);
	v3 =	vmul.f32 v39, v6  }
0x7c: {  	v7 =	vld [tilespmem:s9+$0x2290];
	v56 =	vbroadcast v54, $0xF;
	v2 =	vadd.f32 v5, v2;
	v5 =	vmul.f32 v41, v6  }
0x7d: {  	v55 =	vld [tilespmem:s9+$0x2310];
	v6 =	vmul.f32 v42, v6;
	v1 =	vadd.f32 v3, v1;
	v3 =	vmul.f32 v45, v8  }
0x7e: {  	v58 =	vld [tilespmem:s9+$0x2380];
	v14 =	vmul.f32 v47, v8;
	v4 =	vadd.f32 v5, v4;
	v5 =	vmul.f32 v48, v8  }
0x7f: {  	v57 =	vld [tilespmem:s9+$0x2320];
	v0 =	vadd.f32 v6, v0;
	v2 =	vadd.f32 v3, v2;
	v3 =	vmul.f32 v49, v8  }
0x80: {  	v6 =	vld [tilespmem:s9+$0x2330];
	v8, _, _ =	vpop (xrf2);
	v1 =	vadd.f32 v14, v1;
	v4 =	vadd.f32 v5, v4;
	v5 =	vmul.f32 v50, v56  }
0x81: {  	v0 =	vadd.f32 v3, v0;
	v3 =	vmul.f32 v7, v56;
	v7 =	vbroadcast v8, $0xF;
	v8 =	vld [tilespmem:s9+$0x2390]  }
0x82: {  	v61 =	vld [tilespmem:s9+$0x23A0];
	v59 =	vmul.f32 v52, v56;
	v60, _, _ =	vpop (xrf2);
	v2 =	vadd.f32 v5, v2;
	v5 =	vmul.f32 v51, v56  }
0x83: {  	v62 =	vld [tilespmem:s9+$0x23B0];
	v1 =	vadd.f32 v3, v1;
	v3 =	vmul.f32 v53, v7;
	v10 =	vbroadcast v60, $0xF  }
0x84: {  	v0 =	vadd.f32 v59, v0;
	v4 =	vadd.f32 v5, v4;
	v5 =	vmul.f32 v55, v7  }
0x85: {  	v2 =	vadd.f32 v3, v2;
	v3 =	vmul.f32 v57, v7;
	v63 =	vmul.f32 v58, v10  }
0x86: {  	v1 =	vadd.f32 v5, v1;
	v5 =	vmul.f32 v6, v7;
	v6 =	vmul.f32 v8, v10  }
0x87: {  	v3 =	vadd.f32 v3, v4;
	v2 =	vadd.f32 v63, v2;
	v4 =	vmul.f32 v61, v10  }
0x88: {  	v0 =	vadd.f32 v5, v0;
	v1 =	vadd.f32 v6, v1;
	v5 =	vmul.f32 v62, v10  }
0x89: {  	v3 =	vadd.f32 v4, v3;
	[tilespmem:$0x4080] =	vst v2  }
0x8a: {  	v0 =	vadd.f32 v5, v0;
	[tilespmem:$0x4090] =	vst v1  }
0x8b: {  	[tilespmem:$0x40A0] =	vst v3  }
0x8c: {  	[tilespmem:$0x40B0] =	vst v0  }
0x8d: {  	[spmem:s10] =	stream.linear.scatter [tilespmem:s20], [sflag:$0x4], $0x40, $0x38;
	[tilespmem:$0x5540] =	vst v63  }
0x8e: {  	_ =	swait.ge [sflag:s17], $0x40  }
0x8f: {  	[sflag:s17] =	ssyncset.done $0x0  }
0x90: {  	[sflag:s17] =	ssyncadd.s32 $0xFFFFFFC0  }
0x91: {  	[bflag:$0x0] =	sbarrier.arrive $0xFFFF  }
0x92: {  	[tilespmem:s21], [sflag:$0x4] =	stream.linear.gather [spmem:s3], $0x400, $0x38;
	[tilespmem:$0x5540] =	vst v63  }
0x93: {  	_ =	swait.ge [sflag:s17], $0x400  }
0x94: {  	[sflag:s17] =	ssyncset.done $0x0  }
0x95: {  	s31 =	simm.s32 $0x0;
	[sflag:s17] =	ssyncadd.s32 $0xFFFFFC00  }
0x96: {  	v1 =	vld [tilespmem:s31+$0x4130]  }
0x97: {  	v4 =	vld [tilespmem:s31+$0x4100]  }
0x98: {  	v7 =	vimm.f32 $0.0e+00;
	v2 =	vld [tilespmem:s31+$0x4110]  }
0x99: {  	s25 =	simm.s32 $0x100;
	v5 =	vimm.f32 $0.0e+00;
	v3 =	vimm.f32 $0.0e+00;
	v0 =	vimm.f32 $0.0e+00;
	v6 =	vld [tilespmem:s31+$0x4120]  }
.LBB2_9:
0x9a: {  	p1 =	sne.s32 s25, $0xF00  }
.Ltmp4:
0x9b: {  	s0 =	sshra.s32 s25, $0x2;
	s25 =	sadd.s32 $0x100, s25;
	v0 =	vadd.f32 v1, v0;
	(pc) =	sbr.rel @p1 .LBB2_9-.Ltmp4, $4  }
0x9c: {  	v1 =	vld [tilespmem:s0+$0x4130];
	v5 =	vadd.f32 v4, v5  }
0x9d: {  	v4 =	vld [tilespmem:s0+$0x4100];
	v3 =	vadd.f32 v2, v3  }
0x9e: {  	v2 =	vld [tilespmem:s0+$0x4110];
	v7 =	vadd.f32 v6, v7  }
0x9f: {  	v6 =	vld [tilespmem:s0+$0x4120]  }
0xa0: {  	_ = 	snop  }
0xa1: {  	v47 =	vld [tilespmem:$0x4010]  }
0xa2: {  	v48 =	vld [tilespmem:$0x4030]  }
0xa3: {  	v0 =	vadd.f32 v1, v0;
	v49 =	vadd.f32 v2, v3;
	_ =	sdelay $0x1  }
0xa4: {  	v0 =	vmul.f32 $5.107252510e-04, v0;
	v1 =	vmul.f32 $5.107252510e-04, v49;
	_ =	sdelay $0x1  }
0xa5: {  	v0 =	vadd.f32 v48, v0;
	v1 =	vadd.f32 v47, v1;
	_ =	sdelay $0x1  }
0xa6: {  	v0 =	vpsel p0, v1, v0  }
0xa7: {  	v1 =	vbroadcast v0, $0x0;
	_ =	sdelay $0x1  }
0xa8: {  	[tilespmem:$0x4D00] =	vst v1  }
0xa9: {  	[tilespmem:$0x4D10] =	vst v1  }
0xaa: {  	[tilespmem:$0x4D20] =	vst v1  }
0xab: {  	[tilespmem:$0x4D30] =	vst v1  }
0xac: {  	[tilespmem:$0x4D40] =	vst v1  }
0xad: {  	[tilespmem:$0x4D50] =	vst v1  }
0xae: {  	v50 =	vbroadcast v0, $0x1;
	[tilespmem:$0x4D60] =	vst v1  }
0xaf: {  	[tilespmem:$0x4D70] =	vst v1  }
0xb0: {  	[tilespmem:$0x4D80] =	vst v50  }
0xb1: {  	[tilespmem:$0x4D90] =	vst v50  }
0xb2: {  	[tilespmem:$0x4DA0] =	vst v50  }
0xb3: {  	[tilespmem:$0x4DB0] =	vst v50  }
0xb4: {  	[tilespmem:$0x4DC0] =	vst v50  }
0xb5: {  	[tilespmem:$0x4DD0] =	vst v50  }
0xb6: {  	v51 =	vbroadcast v0, $0x2;
	[tilespmem:$0x4DE0] =	vst v50  }
0xb7: {  	[tilespmem:$0x4DF0] =	vst v50  }
0xb8: {  	[tilespmem:$0x4E00] =	vst v51  }
0xb9: {  	[tilespmem:$0x4E10] =	vst v51  }
0xba: {  	[tilespmem:$0x4E20] =	vst v51  }
0xbb: {  	[tilespmem:$0x4E30] =	vst v51  }
0xbc: {  	[tilespmem:$0x4E40] =	vst v51  }
0xbd: {  	[tilespmem:$0x4E50] =	vst v51  }
0xbe: {  	v52 =	vbroadcast v0, $0x3;
	[tilespmem:$0x4E60] =	vst v51  }
0xbf: {  	[tilespmem:$0x4E70] =	vst v51  }
0xc0: {  	[tilespmem:$0x4E80] =	vst v52  }
0xc1: {  	[tilespmem:$0x4E90] =	vst v52  }
0xc2: {  	[tilespmem:$0x4EA0] =	vst v52  }
0xc3: {  	[tilespmem:$0x4EB0] =	vst v52  }
0xc4: {  	[tilespmem:$0x4EC0] =	vst v52  }
0xc5: {  	[tilespmem:$0x4ED0] =	vst v52  }
0xc6: {  	v53 =	vbroadcast v0, $0x4;
	[tilespmem:$0x4EE0] =	vst v52  }
0xc7: {  	[tilespmem:$0x4EF0] =	vst v52  }
0xc8: {  	[tilespmem:$0x4F00] =	vst v53  }
0xc9: {  	[tilespmem:$0x4F10] =	vst v53  }
0xca: {  	[tilespmem:$0x4F20] =	vst v53  }
0xcb: {  	[tilespmem:$0x4F30] =	vst v53  }
0xcc: {  	[tilespmem:$0x4F40] =	vst v53  }
0xcd: {  	[tilespmem:$0x4F50] =	vst v53  }
0xce: {  	v54 =	vbroadcast v0, $0x5;
	[tilespmem:$0x4F60] =	vst v53  }
0xcf: {  	[tilespmem:$0x4F70] =	vst v53  }
0xd0: {  	[tilespmem:$0x4F80] =	vst v54  }
0xd1: {  	[tilespmem:$0x4F90] =	vst v54  }
0xd2: {  	[tilespmem:$0x4FA0] =	vst v54  }
0xd3: {  	[tilespmem:$0x4FB0] =	vst v54  }
0xd4: {  	[tilespmem:$0x4FC0] =	vst v54  }
0xd5: {  	[tilespmem:$0x4FD0] =	vst v54  }
0xd6: {  	v55 =	vbroadcast v0, $0x6;
	[tilespmem:$0x4FE0] =	vst v54  }
0xd7: {  	[tilespmem:$0x4FF0] =	vst v54  }
0xd8: {  	[tilespmem:$0x5000] =	vst v55  }
0xd9: {  	[tilespmem:$0x5010] =	vst v55  }
0xda: {  	[tilespmem:$0x5020] =	vst v55  }
0xdb: {  	[tilespmem:$0x5030] =	vst v55  }
0xdc: {  	[tilespmem:$0x5040] =	vst v55  }
0xdd: {  	[tilespmem:$0x5050] =	vst v55  }
0xde: {  	v56 =	vbroadcast v0, $0x7;
	[tilespmem:$0x5060] =	vst v55  }
0xdf: {  	[tilespmem:$0x5070] =	vst v55  }
0xe0: {  	[tilespmem:$0x5080] =	vst v56  }
0xe1: {  	[tilespmem:$0x5090] =	vst v56  }
0xe2: {  	[tilespmem:$0x50A0] =	vst v56  }
0xe3: {  	[tilespmem:$0x50B0] =	vst v56  }
0xe4: {  	[tilespmem:$0x50C0] =	vst v56  }
0xe5: {  	[tilespmem:$0x50D0] =	vst v56  }
0xe6: {  	v57 =	vbroadcast v0, $0x8;
	[tilespmem:$0x50E0] =	vst v56  }
0xe7: {  	[tilespmem:$0x50F0] =	vst v56  }
0xe8: {  	[tilespmem:$0x5100] =	vst v57  }
0xe9: {  	[tilespmem:$0x5110] =	vst v57  }
0xea: {  	[tilespmem:$0x5120] =	vst v57  }
0xeb: {  	[tilespmem:$0x5130] =	vst v57  }
0xec: {  	[tilespmem:$0x5140] =	vst v57  }
0xed: {  	[tilespmem:$0x5150] =	vst v57  }
0xee: {  	v58 =	vbroadcast v0, $0x9;
	[tilespmem:$0x5160] =	vst v57  }
0xef: {  	[tilespmem:$0x5170] =	vst v57  }
0xf0: {  	[tilespmem:$0x5180] =	vst v58  }
0xf1: {  	[tilespmem:$0x5190] =	vst v58  }
0xf2: {  	[tilespmem:$0x51A0] =	vst v58  }
0xf3: {  	[tilespmem:$0x51B0] =	vst v58  }
0xf4: {  	[tilespmem:$0x51C0] =	vst v58  }
0xf5: {  	[tilespmem:$0x51D0] =	vst v58  }
0xf6: {  	v59 =	vbroadcast v0, $0xA;
	[tilespmem:$0x51E0] =	vst v58  }
0xf7: {  	[tilespmem:$0x51F0] =	vst v58  }
0xf8: {  	[tilespmem:$0x5200] =	vst v59  }
0xf9: {  	[tilespmem:$0x5210] =	vst v59  }
0xfa: {  	[tilespmem:$0x5220] =	vst v59  }
0xfb: {  	[tilespmem:$0x5230] =	vst v59  }
0xfc: {  	[tilespmem:$0x5240] =	vst v59  }
0xfd: {  	[tilespmem:$0x5250] =	vst v59  }
0xfe: {  	v60 =	vbroadcast v0, $0xB;
	[tilespmem:$0x5260] =	vst v59  }
0xff: {  	[tilespmem:$0x5270] =	vst v59  }
0x100: {  	[tilespmem:$0x5280] =	vst v60  }
0x101: {  	[tilespmem:$0x5290] =	vst v60  }
0x102: {  	[tilespmem:$0x52A0] =	vst v60  }
0x103: {  	[tilespmem:$0x52B0] =	vst v60  }
0x104: {  	[tilespmem:$0x52C0] =	vst v60  }
0x105: {  	[tilespmem:$0x52D0] =	vst v60  }
0x106: {  	v61 =	vbroadcast v0, $0xC;
	[tilespmem:$0x52E0] =	vst v60  }
0x107: {  	[tilespmem:$0x52F0] =	vst v60  }
0x108: {  	[tilespmem:$0x5300] =	vst v61  }
0x109: {  	[tilespmem:$0x5310] =	vst v61  }
0x10a: {  	[tilespmem:$0x5320] =	vst v61  }
0x10b: {  	[tilespmem:$0x5330] =	vst v61  }
0x10c: {  	[tilespmem:$0x5340] =	vst v61  }
0x10d: {  	[tilespmem:$0x5350] =	vst v61  }
0x10e: {  	v62 =	vbroadcast v0, $0xD;
	[tilespmem:$0x5360] =	vst v61  }
0x10f: {  	[tilespmem:$0x5370] =	vst v61  }
0x110: {  	[tilespmem:$0x5380] =	vst v62  }
0x111: {  	[tilespmem:$0x5390] =	vst v62  }
0x112: {  	[tilespmem:$0x53A0] =	vst v62  }
0x113: {  	[tilespmem:$0x53B0] =	vst v62  }
0x114: {  	[tilespmem:$0x53C0] =	vst v62  }
0x115: {  	[tilespmem:$0x53D0] =	vst v62  }
0x116: {  	v63 =	vbroadcast v0, $0xE;
	[tilespmem:$0x53E0] =	vst v62  }
0x117: {  	[tilespmem:$0x53F0] =	vst v62  }
0x118: {  	[tilespmem:$0x5400] =	vst v63  }
0x119: {  	[tilespmem:$0x5410] =	vst v63  }
0x11a: {  	[tilespmem:$0x5420] =	vst v63  }
0x11b: {  	[tilespmem:$0x5430] =	vst v63  }
0x11c: {  	[tilespmem:$0x5440] =	vst v63  }
0x11d: {  	v8 =	vld [tilespmem:$0x4000];
	[tilespmem:$0x5450] =	vst v63  }
0x11e: {  	v9 =	vld [tilespmem:$0x4020];
	v0 =	vbroadcast v0, $0xF;
	[tilespmem:$0x5460] =	vst v63  }
0x11f: {  	v4 =	vadd.f32 v4, v5;
	v32 =	vadd.f32 v6, v7;
	[tilespmem:$0x5470] =	vst v63  }
0x120: {  	[tilespmem:$0x5480] =	vst v0  }
0x121: {  	v4 =	vmul.f32 $5.107252510e-04, v4;
	v5 =	vmul.f32 $5.107252510e-04, v32;
	[tilespmem:$0x5490] =	vst v0  }
0x122: {  	[tilespmem:$0x54A0] =	vst v0  }
0x123: {  	v4 =	vadd.f32 v8, v4;
	v5 =	vadd.f32 v9, v5;
	[tilespmem:$0x54B0] =	vst v0  }
0x124: {  	[tilespmem:$0x54C0] =	vst v0  }
0x125: {  	v4 =	vpsel p0, v4, v5;
	[tilespmem:$0x54D0] =	vst v0  }
0x126: {  	v5 =	vbroadcast v4, $0x0;
	[tilespmem:$0x54E0] =	vst v0  }
0x127: {  	[tilespmem:$0x54F0] =	vst v0  }
0x128: {  	[tilespmem:$0x4500] =	vst v5  }
0x129: {  	[tilespmem:$0x4510] =	vst v5  }
0x12a: {  	[tilespmem:$0x4520] =	vst v5  }
0x12b: {  	[tilespmem:$0x4530] =	vst v5  }
0x12c: {  	[tilespmem:$0x4540] =	vst v5  }
0x12d: {  	[tilespmem:$0x4550] =	vst v5  }
0x12e: {  	v33 =	vbroadcast v4, $0x1;
	[tilespmem:$0x4560] =	vst v5  }
0x12f: {  	[tilespmem:$0x4570] =	vst v5  }
0x130: {  	[tilespmem:$0x4580] =	vst v33  }
0x131: {  	[tilespmem:$0x4590] =	vst v33  }
0x132: {  	[tilespmem:$0x45A0] =	vst v33  }
0x133: {  	[tilespmem:$0x45B0] =	vst v33  }
0x134: {  	[tilespmem:$0x45C0] =	vst v33  }
0x135: {  	[tilespmem:$0x45D0] =	vst v33  }
0x136: {  	v34 =	vbroadcast v4, $0x2;
	[tilespmem:$0x45E0] =	vst v33  }
0x137: {  	[tilespmem:$0x45F0] =	vst v33  }
0x138: {  	[tilespmem:$0x4600] =	vst v34  }
0x139: {  	[tilespmem:$0x4610] =	vst v34  }
0x13a: {  	[tilespmem:$0x4620] =	vst v34  }
0x13b: {  	[tilespmem:$0x4630] =	vst v34  }
0x13c: {  	[tilespmem:$0x4640] =	vst v34  }
0x13d: {  	[tilespmem:$0x4650] =	vst v34  }
0x13e: {  	v35 =	vbroadcast v4, $0x3;
	[tilespmem:$0x4660] =	vst v34  }
0x13f: {  	[tilespmem:$0x4670] =	vst v34  }
0x140: {  	[tilespmem:$0x4680] =	vst v35  }
0x141: {  	[tilespmem:$0x4690] =	vst v35  }
0x142: {  	[tilespmem:$0x46A0] =	vst v35  }
0x143: {  	[tilespmem:$0x46B0] =	vst v35  }
0x144: {  	[tilespmem:$0x46C0] =	vst v35  }
0x145: {  	[tilespmem:$0x46D0] =	vst v35  }
0x146: {  	v36 =	vbroadcast v4, $0x4;
	[tilespmem:$0x46E0] =	vst v35  }
0x147: {  	[tilespmem:$0x46F0] =	vst v35  }
0x148: {  	[tilespmem:$0x4700] =	vst v36  }
0x149: {  	[tilespmem:$0x4710] =	vst v36  }
0x14a: {  	[tilespmem:$0x4720] =	vst v36  }
0x14b: {  	[tilespmem:$0x4730] =	vst v36  }
0x14c: {  	[tilespmem:$0x4740] =	vst v36  }
0x14d: {  	[tilespmem:$0x4750] =	vst v36  }
0x14e: {  	v37 =	vbroadcast v4, $0x5;
	[tilespmem:$0x4760] =	vst v36  }
0x14f: {  	[tilespmem:$0x4770] =	vst v36  }
0x150: {  	[tilespmem:$0x4780] =	vst v37  }
0x151: {  	[tilespmem:$0x4790] =	vst v37  }
0x152: {  	[tilespmem:$0x47A0] =	vst v37  }
0x153: {  	[tilespmem:$0x47B0] =	vst v37  }
0x154: {  	[tilespmem:$0x47C0] =	vst v37  }
0x155: {  	[tilespmem:$0x47D0] =	vst v37  }
0x156: {  	v38 =	vbroadcast v4, $0x6;
	[tilespmem:$0x47E0] =	vst v37  }
0x157: {  	[tilespmem:$0x47F0] =	vst v37  }
0x158: {  	[tilespmem:$0x4800] =	vst v38  }
0x159: {  	[tilespmem:$0x4810] =	vst v38  }
0x15a: {  	[tilespmem:$0x4820] =	vst v38  }
0x15b: {  	[tilespmem:$0x4830] =	vst v38  }
0x15c: {  	[tilespmem:$0x4840] =	vst v38  }
0x15d: {  	[tilespmem:$0x4850] =	vst v38  }
0x15e: {  	v39 =	vbroadcast v4, $0x7;
	[tilespmem:$0x4860] =	vst v38  }
0x15f: {  	[tilespmem:$0x4870] =	vst v38  }
0x160: {  	[tilespmem:$0x4880] =	vst v39  }
0x161: {  	[tilespmem:$0x4890] =	vst v39  }
0x162: {  	[tilespmem:$0x48A0] =	vst v39  }
0x163: {  	[tilespmem:$0x48B0] =	vst v39  }
0x164: {  	[tilespmem:$0x48C0] =	vst v39  }
0x165: {  	[tilespmem:$0x48D0] =	vst v39  }
0x166: {  	v40 =	vbroadcast v4, $0x8;
	[tilespmem:$0x48E0] =	vst v39  }
0x167: {  	[tilespmem:$0x48F0] =	vst v39  }
0x168: {  	[tilespmem:$0x4900] =	vst v40  }
0x169: {  	[tilespmem:$0x4910] =	vst v40  }
0x16a: {  	[tilespmem:$0x4920] =	vst v40  }
0x16b: {  	[tilespmem:$0x4930] =	vst v40  }
0x16c: {  	[tilespmem:$0x4940] =	vst v40  }
0x16d: {  	[tilespmem:$0x4950] =	vst v40  }
0x16e: {  	v41 =	vbroadcast v4, $0x9;
	[tilespmem:$0x4960] =	vst v40  }
0x16f: {  	[tilespmem:$0x4970] =	vst v40  }
0x170: {  	[tilespmem:$0x4980] =	vst v41  }
0x171: {  	[tilespmem:$0x4990] =	vst v41  }
0x172: {  	[tilespmem:$0x49A0] =	vst v41  }
0x173: {  	[tilespmem:$0x49B0] =	vst v41  }
0x174: {  	[tilespmem:$0x49C0] =	vst v41  }
0x175: {  	[tilespmem:$0x49D0] =	vst v41  }
0x176: {  	v42 =	vbroadcast v4, $0xA;
	[tilespmem:$0x49E0] =	vst v41  }
0x177: {  	[tilespmem:$0x49F0] =	vst v41  }
0x178: {  	[tilespmem:$0x4A00] =	vst v42  }
0x179: {  	[tilespmem:$0x4A10] =	vst v42  }
0x17a: {  	[tilespmem:$0x4A20] =	vst v42  }
0x17b: {  	[tilespmem:$0x4A30] =	vst v42  }
0x17c: {  	[tilespmem:$0x4A40] =	vst v42  }
0x17d: {  	[tilespmem:$0x4A50] =	vst v42  }
0x17e: {  	v43 =	vbroadcast v4, $0xB;
	[tilespmem:$0x4A60] =	vst v42  }
0x17f: {  	[tilespmem:$0x4A70] =	vst v42  }
0x180: {  	[tilespmem:$0x4A80] =	vst v43  }
0x181: {  	[tilespmem:$0x4A90] =	vst v43  }
0x182: {  	[tilespmem:$0x4AA0] =	vst v43  }
0x183: {  	[tilespmem:$0x4AB0] =	vst v43  }
0x184: {  	[tilespmem:$0x4AC0] =	vst v43  }
0x185: {  	[tilespmem:$0x4AD0] =	vst v43  }
0x186: {  	v44 =	vbroadcast v4, $0xC;
	[tilespmem:$0x4AE0] =	vst v43  }
0x187: {  	[tilespmem:$0x4AF0] =	vst v43  }
0x188: {  	[tilespmem:$0x4B00] =	vst v44  }
0x189: {  	[tilespmem:$0x4B10] =	vst v44  }
0x18a: {  	[tilespmem:$0x4B20] =	vst v44  }
0x18b: {  	[tilespmem:$0x4B30] =	vst v44  }
0x18c: {  	[tilespmem:$0x4B40] =	vst v44  }
0x18d: {  	[tilespmem:$0x4B50] =	vst v44  }
0x18e: {  	v45 =	vbroadcast v4, $0xD;
	[tilespmem:$0x4B60] =	vst v44  }
0x18f: {  	[tilespmem:$0x4B70] =	vst v44  }
0x190: {  	[tilespmem:$0x4B80] =	vst v45  }
0x191: {  	[tilespmem:$0x4B90] =	vst v45  }
0x192: {  	[tilespmem:$0x4BA0] =	vst v45  }
0x193: {  	[tilespmem:$0x4BB0] =	vst v45  }
0x194: {  	[tilespmem:$0x4BC0] =	vst v45  }
0x195: {  	[tilespmem:$0x4BD0] =	vst v45  }
0x196: {  	v46 =	vbroadcast v4, $0xE;
	[tilespmem:$0x4BE0] =	vst v45  }
0x197: {  	[tilespmem:$0x4BF0] =	vst v45  }
0x198: {  	[tilespmem:$0x4C00] =	vst v46  }
0x199: {  	[tilespmem:$0x4C10] =	vst v46  }
0x19a: {  	[tilespmem:$0x4C20] =	vst v46  }
0x19b: {  	[tilespmem:$0x4C30] =	vst v46  }
0x19c: {  	[tilespmem:$0x4C40] =	vst v46  }
0x19d: {  	[tilespmem:$0x4C50] =	vst v46  }
0x19e: {  	v4 =	vbroadcast v4, $0xF;
	[tilespmem:$0x4C60] =	vst v46  }
0x19f: {  	[tilespmem:$0x4C70] =	vst v46  }
0x1a0: {  	[tilespmem:$0x4C80] =	vst v4  }
0x1a1: {  	[tilespmem:$0x4C90] =	vst v4  }
0x1a2: {  	[tilespmem:$0x4CA0] =	vst v4  }
0x1a3: {  	[tilespmem:$0x4CB0] =	vst v4  }
0x1a4: {  	[tilespmem:$0x4CC0] =	vst v4  }
0x1a5: {  	[tilespmem:$0x4CD0] =	vst v4  }
0x1a6: {  	s24 =	sadd.s32 $0x1, s24;
	[tilespmem:$0x4CE0] =	vst v4  }
0x1a7: {  	p1 =	sne.s32 s24, s13;
	[tilespmem:$0x4CF0] =	vst v4  }
0x1a8: {  	[hbm4b:s12+s22] =	stream.strided.scatter [tilespmem:s23], [sflag:$0x4], $0x1000, s16, s22, $0x38;
	[tilespmem:$0x5540] =	vst v63  }
.Ltmp5:
0x1a9: {  	_ = 	snop;
	(pc) =	sbr.rel @p1 .LBB2_1-.Ltmp5, $4  }
.Ltmp6:
0x1aa: {  	_ = 	snop;
	(pc) =	sbr.rel @!p1 .LBB2_11-.Ltmp6, $4  }
0x1ab: {  	_ =	swait.ge [sflag:s17], $0x1000  }
0x1ac: {  	[sflag:s17] =	ssyncset.done $0x0  }
0x1ad: {  	[sflag:s17] =	ssyncadd.s32 $0xFFFFF000  }
0x1ae: {  	_ = 	snop  }
.LBB2_4:
.Ltmp7:
0x1af: {  	(pc) =	sbr.rel .LBB2_8-.Ltmp7, $3  }
0x1b0: {  	_ =	sdelay $0x1  }
0x1b1: {  	v18 =	vmov v7;
	v19 =	vmov v6  }
0x1b2: {  	v15 =	vmovc v5;
	v14 =	vmovc v4;
	v12 =	vmov v3;
	v9 =	vmov v2;
	v8 =	vmov v1  }
.LBB2_6:
.Ltmp8:
0x1b3: {  	(pc) =	sbr.rel .LBB2_8-.Ltmp8, $3  }
0x1b4: {  	_ =	sdelay $0x1  }
0x1b5: {  	v18 =	vmov v7;
	v19 =	vmov v6  }
0x1b6: {  	v15 =	vmovc v5;
	v14 =	vmovc v4;
	v12 =	vmov v3;
	v9 =	vmov v2;
	v8 =	vmov v1  }
.LBB2_11:
0x1b7: {  	_ =	sfence.sel $0x180000  }
0x1b8: {  	[bflag:$0x0] =	sbarrier.arrive $0xFFFF  }
0x1b9: {  	_ =	strace $0x90000047  }
0x1ba: {  	[bflag:$0x2] =	sbarrier.arrive $0xFFFF  }
0x1bb: {  	p0 =	sne.s32 s4, $0x0;
	s0 =	rddreg [dreg:$0x5]  }
0x1bc: {  	s0 =	sadd.s32 @!p0 $0x100000, s0  }
0x1bd: {  	[sflag:s0] =	ssyncadd.tile.s32 @!p0 $0x1;
	_ =	shalt  }
.Lfunc_end2:
_tile_overlayer_lowered:
.L_overlay_start_2:
0x1be: {  	(tag) =	ssettag $0x2  }
0x1bf: {  	s0 =	rddreg [dreg:$0x0];
	s2 =	stileid.u32  }
0x1c0: {  	s1 =	rddreg [dreg:$0x1];
	p0 =	sne.s32 s2, $0x0  }
0x1c1: {  	s3 =	rddreg [dreg:$0x2];
	[bflag:$0x3] =	sbarrier.arrive $0xFFFF;
	s2 =	simm.s32 @!p0 $0x1C04  }
0x1c2: {  	[timem:s3], [sflag:s2] =	dma.local @!p0 [hbm:s0], s1  }
0x1c3: {  	s0 =	simm.s32 @!p0 $0x4  }
0x1c4: {  	_ =	swait.ge @!p0 [sflag:s0], s1  }
0x1c5: {  	s1 =	ssub.s32 @!p0 $0x0, s1;
	[sflag:s0] =	ssyncset.done @!p0 $0x0  }
0x1c6: {  	[sflag:s0] =	ssyncadd.s32 @!p0 s1  }
0x1c7: {  	[bflag:$0x3] =	sbarrier.arrive $0xFFFF  }
0x1c8: {  	_ =	shalt  }

</sc_bundles>
